<compile_context>
chip_gen: v7x
topology: tpu7x:2x2x1
jax: 0.10.2.dev20260603
libtpu: 0.0.44.dev20260713+nightly
codegen_flags: <defaults>
</compile_context>

<pallas_src>
import functools

import jax
import jax.numpy as jnp
from jax import lax
from jax.experimental import pallas as pl
from jax.experimental.pallas import tpu as pltpu
from jax.experimental.pallas import tpu_sc as plsc

N = 10000
E = 320000
F1 = 128
F2 = 64
NC = 2
NS = 16
NW = NC * NS
NP = 10240
RPT = NP // NS
DEGW = 16
B = 96
CH = 106
E_PAD = B * CH * NW
NROWS = NW * CH
XROWS = 48
NBUF = 3
AHEAD = 2
FAST_CORE = 1
DB = 128
DCH = 80
DE_PAD = DB * DCH * NW
BR = 1024
GR = NP // BR


def _sc_mesh():
    return plsc.VectorSubcoreMesh(
        core_axis_name="c", subcore_axis_name="s", num_cores=NC, num_subcores=NS
    )


@functools.partial(
    pl.kernel,
    out_type=jax.ShapeDtypeStruct((NC, NP, DEGW), jnp.float32),
    mesh=_sc_mesh(),
    compiler_params=pltpu.CompilerParams(use_tc_tiling_on_sc=False),
    scratch_types=[
        pltpu.VMEM((DCH, DB), jnp.int32),
        pltpu.VMEM((DB, DEGW), jnp.float32),
        pltpu.VMEM_SHARED((NP, DEGW), jnp.float32),
    ],
)
def _deg_kernel(dst_hbm, out_hbm, dst_v, ones_v, acc):
    c = lax.axis_index("c")
    s = lax.axis_index("s")
    wid = s * NC + c
    base = s * RPT

    def fill(val):
        def body(i, carry):
            ones_v[i] = jnp.full((DEGW,), val, jnp.float32)
            return carry
        lax.fori_loop(0, DB, body, 0)

    fill(0.0)
    for t in range(RPT // DB):
        pltpu.sync_copy(ones_v, acc.at[pl.ds(base + t * DB, DB)])
    fill(1.0)
    plsc.subcore_barrier()

    pltpu.sync_copy(dst_hbm.at[pl.ds(wid * DCH, DCH)], dst_v)

    def chunk(j, carry):
        pltpu.sync_copy(ones_v, acc.at[dst_v.at[j]], add=True)
        return carry

    lax.fori_loop(0, DCH, chunk, 0)
    plsc.subcore_barrier()
    for t in range(RPT // DB):
        pltpu.sync_copy(
            acc.at[pl.ds(base + t * DB, DB)], out_hbm.at[c, pl.ds(base + t * DB, DB)]
        )


def _make_agg(F, chf, chs, qc, nbuf=NBUF, ahead=AHEAD):

    @functools.partial(
        pl.kernel,
        out_type=jax.ShapeDtypeStruct((NC, NP, F), jnp.float32),
        mesh=_sc_mesh(),
        compiler_params=pltpu.CompilerParams(use_tc_tiling_on_sc=False),
        scratch_types=[
            pltpu.VMEM((qc, B), jnp.int32),
            pltpu.VMEM((qc, B), jnp.int32),
            pltpu.VMEM((nbuf, B, F), jnp.float32),
            pltpu.VMEM_SHARED((NP, F), jnp.float32),
            pltpu.SemaphoreType.DMA,
        ],
    )
    def agg(h_hbm, src_hbm, dst_hbm, out_hbm, src_v, dst_v, rows_v, acc, sem):
        c = lax.axis_index("c")
        s = lax.axis_index("s")
        base = s * RPT
        is_fast = c == FAST_CORE
        n_ch = jnp.where(is_fast, chf, chs)
        row0 = jnp.where(is_fast, s * chf, 16 * chf + s * chs)

        def zero_rows(i, carry):
            for k in range(F // 16):
                rows_v[0, i, pl.ds(k * 16, 16)] = jnp.zeros((16,), jnp.float32)
            return carry

        lax.fori_loop(0, B, zero_rows, 0)
        nfull, tail = RPT // B, RPT % B
        for t in range(nfull):
            pltpu.sync_copy(rows_v.at[0], acc.at[pl.ds(base + t * B, B)])
        if tail:
            pltpu.sync_copy(
                rows_v.at[0].at[pl.ds(0, tail)], acc.at[pl.ds(base + nfull * B, tail)]
            )
        plsc.subcore_barrier()

        pltpu.sync_copy(src_hbm.at[pl.ds(row0, qc)], src_v)
        pltpu.sync_copy(dst_hbm.at[pl.ds(row0, qc)], dst_v)

        def start_gather(j):
            pltpu.async_copy(h_hbm.at[src_v.at[j % qc]], rows_v.at[j % nbuf], sem)

        for j in range(ahead):
            start_gather(j)

        def chunk(j, carry):
            slot = j % nbuf
            pltpu.make_async_copy(
                h_hbm.at[src_v.at[j % qc]], rows_v.at[slot], sem
            ).wait()

            nxt = j + ahead

            @pl.when((nxt < n_ch) & (nxt % qc == 0))
            def _():
                pltpu.sync_copy(src_hbm.at[pl.ds(row0 + nxt, qc)], src_v)

            @pl.when(nxt < n_ch)
            def _():
                start_gather(nxt)

            @pl.when((j % qc == 0) & (j > 0))
            def _():
                pltpu.sync_copy(dst_hbm.at[pl.ds(row0 + j, qc)], dst_v)

            pltpu.sync_copy(rows_v.at[slot], acc.at[dst_v.at[j % qc]], add=True)
            return carry

        lax.fori_loop(0, n_ch, chunk, 0)
        plsc.subcore_barrier()
        for t in range(nfull):
            pltpu.sync_copy(
                acc.at[pl.ds(base + t * B, B)], out_hbm.at[c, pl.ds(base + t * B, B)]
            )
        if tail:
            pltpu.sync_copy(
                acc.at[pl.ds(base + nfull * B, tail)],
                out_hbm.at[c, pl.ds(base + nfull * B, tail)],
            )

    return agg


_agg_l1 = _make_agg(F1, 188, 24, 47)
_agg_l2 = _make_agg(F2, 160, 52, 40, nbuf=4, ahead=3)


def _dinv(deg_ref):
    d = deg_ref[0, :, :1] + deg_ref[1, :, :1] + 1.0
    return lax.rsqrt(d)


def _tc_pre1(degp, x_pad, W1):
    def body(deg_ref, x_ref, w_ref, o_ref):
        h = lax.dot_general(
            x_ref[...], w_ref[...], (((1,), (1,)), ((), ())),
            preferred_element_type=jnp.float32,
        )
        o_ref[...] = h * _dinv(deg_ref)

    return pl.pallas_call(
        body,
        grid=(GR,),
        in_specs=[
            pl.BlockSpec((NC, BR, DEGW), lambda i: (0, i, 0)),
            pl.BlockSpec((BR, F1), lambda i: (i, 0)),
            pl.BlockSpec((F1, F1), lambda i: (0, 0)),
        ],
        out_specs=pl.BlockSpec((BR, F1), lambda i: (i, 0)),
        out_shape=jax.ShapeDtypeStruct((NP, F1), jnp.float32),
    )(degp, x_pad, W1)


def _tc_mid(degp, p, h1, b1, W2):
    def body(deg_ref, p_ref, h1_ref, b1_ref, w_ref, o_ref):
        dinv = _dinv(deg_ref)
        g = (p_ref[0] + p_ref[1] + h1_ref[...]) * dinv + b1_ref[...]
        g = jnp.maximum(g, 0.0)
        h = lax.dot_general(
            g, w_ref[...], (((1,), (1,)), ((), ())),
            preferred_element_type=jnp.float32,
        )
        o_ref[...] = h * dinv

    return pl.pallas_call(
        body,
        grid=(GR,),
        in_specs=[
            pl.BlockSpec((NC, BR, DEGW), lambda i: (0, i, 0)),
            pl.BlockSpec((NC, BR, F1), lambda i: (0, i, 0)),
            pl.BlockSpec((BR, F1), lambda i: (i, 0)),
            pl.BlockSpec((1, F1), lambda i: (0, 0)),
            pl.BlockSpec((F2, F1), lambda i: (0, 0)),
        ],
        out_specs=pl.BlockSpec((BR, F2), lambda i: (i, 0)),
        out_shape=jax.ShapeDtypeStruct((NP, F2), jnp.float32),
    )(degp, p, h1, b1, W2)


def _tc_post(degp, q, h2, b2):
    def body(deg_ref, q_ref, h2_ref, b2_ref, o_ref):
        dinv = _dinv(deg_ref)
        g = (q_ref[0] + q_ref[1] + h2_ref[...]) * dinv + b2_ref[...]
        o_ref[...] = jnp.maximum(g, 0.0)

    return pl.pallas_call(
        body,
        grid=(GR,),
        in_specs=[
            pl.BlockSpec((NC, BR, DEGW), lambda i: (0, i, 0)),
            pl.BlockSpec((NC, BR, F2), lambda i: (0, i, 0)),
            pl.BlockSpec((BR, F2), lambda i: (i, 0)),
            pl.BlockSpec((1, F2), lambda i: (0, 0)),
        ],
        out_specs=pl.BlockSpec((BR, F2), lambda i: (i, 0)),
        out_shape=jax.ShapeDtypeStruct((NP, F2), jnp.float32),
    )(degp, q, h2, b2)


def kernel(x, adj, W1, b1, W2, b2):
    src = adj[0].astype(jnp.int32)
    dst = adj[1].astype(jnp.int32)
    pad = jnp.full((E_PAD + XROWS * B - E,), N, jnp.int32)
    srcp = jnp.concatenate([src, pad]).reshape(NROWS + XROWS, B)
    dstp = jnp.concatenate([dst, pad]).reshape(NROWS + XROWS, B)
    dpad = jnp.full((DE_PAD - E,), N, jnp.int32)
    dstp_deg = jnp.concatenate([dst, dpad]).reshape(NW * DCH, DB)
    x_pad = jnp.pad(x, ((0, NP - N), (0, 0)))

    degp = _deg_kernel(dstp_deg)
    h1 = _tc_pre1(degp, x_pad, W1)
    p = _agg_l1(h1, srcp, dstp)
    h2 = _tc_mid(degp, p, h1, b1.reshape(1, F1), W2)
    q = _agg_l2(h2, srcp, dstp)
    out = _tc_post(degp, q, h2, b2.reshape(1, F2))
    return out[:N]

# --- scband reference (transcript-rebuilt; emitter-appended) ---
"""Pipeline reference for scband-gcn-73607149519598 (READ-ONLY COPY).

The authoritative reference and input builder live on the scoring server;
editing this copy changes nothing except your own understanding.
"""

import jax, jax.numpy as jnp
import numpy as np

N_NODES = 10000
N_EDGES = 320000
NFEAT = 128
NHID = 128
NCLASS = 64


def setup_inputs(seed: int = 0) -> dict:
    key = jax.random.key(seed)
    k1, k2, k3, k4 = jax.random.split(key, 4)
    x = jax.random.normal(k1, (N_NODES, NFEAT), dtype=jnp.float32)
    adj = jax.random.randint(k2, (2, N_EDGES), 0, N_NODES, dtype=jnp.int64)
    # GCNConv layer 1: Linear(nfeat -> nhid), PyG weight layout [out, in]
    W1 = jax.random.normal(k3, (NHID, NFEAT), dtype=jnp.float32) * (1.0 / np.sqrt(NFEAT))
    b1 = jnp.zeros((NHID,), dtype=jnp.float32)
    # GCNConv layer 2: Linear(nhid -> nclass)
    W2 = jax.random.normal(k4, (NCLASS, NHID), dtype=jnp.float32) * (1.0 / np.sqrt(NHID))
    b2 = jnp.zeros((NCLASS,), dtype=jnp.float32)
    return {"x": x, "adj": adj, "W1": W1, "b1": b1, "W2": W2, "b2": b2}


def _gcn_conv(x, edge_index, W, b):
    """Faithful PyG GCNConv: add self-loops, symmetric normalization, scatter-add aggregation."""
    N = x.shape[0]
    loop = jnp.arange(N, dtype=edge_index.dtype)
    src = jnp.concatenate([edge_index[0], loop])
    dst = jnp.concatenate([edge_index[1], loop])
    h = x @ W.T
    ones = jnp.ones(src.shape[0], dtype=h.dtype)
    deg = jnp.zeros((N,), dtype=h.dtype).at[dst].add(ones)
    deg_inv_sqrt = jnp.where(deg > 0, 1.0 / jnp.sqrt(deg), 0.0)
    norm = deg_inv_sqrt[src] * deg_inv_sqrt[dst]
    msg = h[src] * norm[:, None]
    out = jnp.zeros((N, h.shape[1]), dtype=h.dtype).at[dst].add(msg)
    return out + b


def reference(x, adj, W1, b1, W2, b2):
    # GCN.forward (eval mode: dropout is identity)
    h = jax.nn.relu(_gcn_conv(x, adj, W1, b1))
    out = _gcn_conv(h, adj, W2, b2)
    return jax.nn.relu(out)

if __name__ == "__main__":
    import jax
    _d = setup_inputs()
    print(jax.jit(kernel)(*tuple(_d.values())))

</pallas_src>

<mosaic_0001>
#map = affine_map<(d0, d1) -> (0, 0)>
#map1 = affine_map<(d0, d1) -> (0, 0, 0)>
module attributes {stable_mosaic.version = 14 : i64} {
  func.func @agg(%arg0: i32, %arg1: i32, %arg2: memref<10240x64xf32, #tpu.memory_space<hbm>>, %arg3: memref<3440x96xi32, #tpu.memory_space<hbm>>, %arg4: memref<3440x96xi32, #tpu.memory_space<hbm>>, %arg5: memref<2x10240x64xf32, #tpu.memory_space<hbm>>, %arg6: memref<40x96xi32, #tpu.memory_space<vmem>>, %arg7: memref<40x96xi32, #tpu.memory_space<vmem>>, %arg8: memref<4x96x64xf32, #tpu.memory_space<vmem>>, %arg9: memref<10240x64xf32, #tpu.memory_space<vmem_shared>>, %arg10: memref<!tpu.dma_semaphore, #tpu.memory_space<semaphore_mem>>) attributes {dimension_semantics = [#tpu.dimension_semantics<core_parallel>, #tpu.dimension_semantics<subcore_parallel>], iteration_bounds = array<i64: 2, 16>, scalar_prefetch = 0 : i64, scratch_operands = 5 : i64, tpu.core_type = #tpu.core_type<sc_vector_subcore>, window_params = [{transform_indices = #map}, {transform_indices = #map}, {transform_indices = #map}, {transform_indices = #map1}]} {
    %mul3A = arith.constant 640 : i32
    %mul3A_0 = arith.muli %arg1, %mul3A : i32
    %eq3A = arith.constant 1 : i32
    %eq3A_1 = arith.cmpi eq, %arg0, %eq3A : i32
    %jit3A = arith.constant 160 : i32
    %jit3A_2 = arith.constant 52 : i32
    %select_n3A = arith.select %eq3A_1, %jit3A, %jit3A_2 : i32
    %mul3A_3 = arith.constant 160 : i32
    %mul3A_4 = arith.muli %arg1, %mul3A_3 : i32
    %mul3A_5 = arith.constant 52 : i32
    %mul3A_6 = arith.muli %arg1, %mul3A_5 : i32
    %add3A = arith.constant 2560 : i32
    %add3A_7 = arith.addi %add3A, %mul3A_6 : i32
    %select_n3A_8 = arith.select %eq3A_1, %mul3A_4, %add3A_7 : i32
    %scan3A = arith.constant 0 : i32
    %scan3A_9 = arith.constant 0 : i32
    %scan3A_10 = arith.constant 96 : i32
    %scan3A_11 = arith.addi %scan3A_9, %scan3A_10 : i32
    %scan3A_12 = arith.constant 1 : i32
    scf.for %scan3A_107 = %scan3A_9 to %scan3A_11 step %scan3A_12  : i32 {
      %broadcast_in_dim3A = arith.constant 0.000000e+00 : f32
      %broadcast_in_dim3A_108 = vector.broadcast %broadcast_in_dim3A : f32 to vector<16xf32>
      %swap3A = arith.constant 0 : i32
      %swap3A_109 = arith.index_cast %swap3A : i32 to index
      %swap3A_110 = arith.index_cast %scan3A_107 : i32 to index
      %swap3A_111 = arith.constant 0 : index
      %swap3A_112 = tpu.vector_load %arg8[%swap3A_109, %swap3A_110, %swap3A_111] {strides = array<i32>} : memref<4x96x64xf32, #tpu.memory_space<vmem>>, vector<1x1x16xf32>,
      %swap3A_113 = vector.shape_cast %swap3A_112 : vector<1x1x16xf32> to vector<16xf32>
      %swap3A_114 = vector.shape_cast %broadcast_in_dim3A_108 : vector<16xf32> to vector<1x1x16xf32>
      tpu.vector_store %arg8[%swap3A_109, %swap3A_110, %swap3A_111], %swap3A_114 {strides = array<i32>} : memref<4x96x64xf32, #tpu.memory_space<vmem>>, vector<1x1x16xf32>,
      %broadcast_in_dim3A_115 = arith.constant 0.000000e+00 : f32
      %broadcast_in_dim3A_116 = vector.broadcast %broadcast_in_dim3A_115 : f32 to vector<16xf32>
      %swap3A_117 = arith.constant 0 : i32
      %swap3A_118 = arith.index_cast %swap3A_117 : i32 to index
      %swap3A_119 = arith.index_cast %scan3A_107 : i32 to index
      %swap3A_120 = arith.constant 16 : index
      %swap3A_121 = tpu.vector_load %arg8[%swap3A_118, %swap3A_119, %swap3A_120] {strides = array<i32>} : memref<4x96x64xf32, #tpu.memory_space<vmem>>, vector<1x1x16xf32>,
      %swap3A_122 = vector.shape_cast %swap3A_121 : vector<1x1x16xf32> to vector<16xf32>
      %swap3A_123 = vector.shape_cast %broadcast_in_dim3A_116 : vector<16xf32> to vector<1x1x16xf32>
      tpu.vector_store %arg8[%swap3A_118, %swap3A_119, %swap3A_120], %swap3A_123 {strides = array<i32>} : memref<4x96x64xf32, #tpu.memory_space<vmem>>, vector<1x1x16xf32>,
      %broadcast_in_dim3A_124 = arith.constant 0.000000e+00 : f32
      %broadcast_in_dim3A_125 = vector.broadcast %broadcast_in_dim3A_124 : f32 to vector<16xf32>
      %swap3A_126 = arith.constant 0 : i32
      %swap3A_127 = arith.index_cast %swap3A_126 : i32 to index
      %swap3A_128 = arith.index_cast %scan3A_107 : i32 to index
      %swap3A_129 = arith.constant 32 : index
      %swap3A_130 = tpu.vector_load %arg8[%swap3A_127, %swap3A_128, %swap3A_129] {strides = array<i32>} : memref<4x96x64xf32, #tpu.memory_space<vmem>>, vector<1x1x16xf32>,
      %swap3A_131 = vector.shape_cast %swap3A_130 : vector<1x1x16xf32> to vector<16xf32>
      %swap3A_132 = vector.shape_cast %broadcast_in_dim3A_125 : vector<16xf32> to vector<1x1x16xf32>
      tpu.vector_store %arg8[%swap3A_127, %swap3A_128, %swap3A_129], %swap3A_132 {strides = array<i32>} : memref<4x96x64xf32, #tpu.memory_space<vmem>>, vector<1x1x16xf32>,
      %broadcast_in_dim3A_133 = arith.constant 0.000000e+00 : f32
      %broadcast_in_dim3A_134 = vector.broadcast %broadcast_in_dim3A_133 : f32 to vector<16xf32>
      %swap3A_135 = arith.constant 0 : i32
      %swap3A_136 = arith.index_cast %swap3A_135 : i32 to index
      %swap3A_137 = arith.index_cast %scan3A_107 : i32 to index
      %swap3A_138 = arith.constant 48 : index
      %swap3A_139 = tpu.vector_load %arg8[%swap3A_136, %swap3A_137, %swap3A_138] {strides = array<i32>} : memref<4x96x64xf32, #tpu.memory_space<vmem>>, vector<1x1x16xf32>,
      %swap3A_140 = vector.shape_cast %swap3A_139 : vector<1x1x16xf32> to vector<16xf32>
      %swap3A_141 = vector.shape_cast %broadcast_in_dim3A_134 : vector<16xf32> to vector<1x1x16xf32>
      tpu.vector_store %arg8[%swap3A_136, %swap3A_137, %swap3A_138], %swap3A_141 {strides = array<i32>} : memref<4x96x64xf32, #tpu.memory_space<vmem>>, vector<1x1x16xf32>,
    }
    %scan3A_13 = arith.constant 96 : i32
    %add3A_14 = arith.constant 0 : i32
    %add3A_15 = arith.addi %mul3A_0, %add3A_14 : i32
    %run_scoped3A = arith.constant 0 : i32
    "tpu.region"() ({
      %run_scoped3A_107 = tpu.sem_alloc : memref<!tpu.dma_semaphore, #tpu.memory_space<semaphore_mem>>
      %dma_start3A_108 = arith.constant 0 : i32
      %dma_start3A_109 = arith.constant 0 : i32
      %dma_start3A_110 = tpu.memref_slice %arg8[%run_scoped3A, %dma_start3A_108, %dma_start3A_109] : memref<4x96x64xf32, #tpu.memory_space<vmem>> -> memref<1x96x64xf32, #tpu.memory_space<vmem>>
      %dma_start3A_111 = tpu.memref_squeeze %dma_start3A_110 : memref<1x96x64xf32, #tpu.memory_space<vmem>> -> memref<96x64xf32, #tpu.memory_space<vmem>>
      %dma_start3A_112 = arith.constant 0 : i32
      %dma_start3A_113 = tpu.memref_slice %arg9[%add3A_15, %dma_start3A_112] : memref<10240x64xf32, #tpu.memory_space<vmem_shared>> -> memref<96x64xf32, #tpu.memory_space<vmem_shared>>
      %dma_start3A_114 = arith.constant 0 : i32
      %dma_start3A_115 = tpu.memref_slice %arg9[%add3A_15, %dma_start3A_114] : memref<10240x64xf32, #tpu.memory_space<vmem_shared>> -> memref<96x64xf32, #tpu.memory_space<vmem_shared>>
      %dma_start3A_116 = arith.constant 0 : i32
      %dma_start3A_117 = arith.constant 0 : i32
      %dma_start3A_118 = tpu.memref_slice %arg8[%run_scoped3A, %dma_start3A_116, %dma_start3A_117] : memref<4x96x64xf32, #tpu.memory_space<vmem>> -> memref<1x96x64xf32, #tpu.memory_space<vmem>>
      %dma_start3A_119 = tpu.memref_squeeze %dma_start3A_118 : memref<1x96x64xf32, #tpu.memory_space<vmem>> -> memref<96x64xf32, #tpu.memory_space<vmem>>
      tpu.enqueue_dma source(%dma_start3A_119 : memref<96x64xf32, #tpu.memory_space<vmem>>) target(%dma_start3A_115 : memref<96x64xf32, #tpu.memory_space<vmem_shared>>) target_semaphore(%run_scoped3A_107 : memref<!tpu.dma_semaphore, #tpu.memory_space<semaphore_mem>>)
      %dma_wait3A = arith.constant 0 : i32
      %dma_wait3A_120 = arith.constant 0 : i32
      %dma_wait3A_121 = tpu.memref_slice %arg8[%run_scoped3A, %dma_wait3A, %dma_wait3A_120] : memref<4x96x64xf32, #tpu.memory_space<vmem>> -> memref<1x96x64xf32, #tpu.memory_space<vmem>>
      %dma_wait3A_122 = tpu.memref_squeeze %dma_wait3A_121 : memref<1x96x64xf32, #tpu.memory_space<vmem>> -> memref<96x64xf32, #tpu.memory_space<vmem>>
      %dma_wait3A_123 = arith.constant 0 : i32
      %dma_wait3A_124 = tpu.memref_slice %arg9[%add3A_15, %dma_wait3A_123] : memref<10240x64xf32, #tpu.memory_space<vmem_shared>> -> memref<96x64xf32, #tpu.memory_space<vmem_shared>>
      %dma_wait3A_125 = arith.constant 0 : i32
      %dma_wait3A_126 = tpu.memref_slice %arg9[%add3A_15, %dma_wait3A_125] : memref<10240x64xf32, #tpu.memory_space<vmem_shared>> -> memref<96x64xf32, #tpu.memory_space<vmem_shared>>
      %dma_wait3A_127 = arith.constant 0 : i32
      %dma_wait3A_128 = arith.constant 0 : i32
      %dma_wait3A_129 = tpu.memref_slice %arg8[%run_scoped3A, %dma_wait3A_127, %dma_wait3A_128] : memref<4x96x64xf32, #tpu.memory_space<vmem>> -> memref<1x96x64xf32, #tpu.memory_space<vmem>>
      %dma_wait3A_130 = tpu.memref_squeeze %dma_wait3A_129 : memref<1x96x64xf32, #tpu.memory_space<vmem>> -> memref<96x64xf32, #tpu.memory_space<vmem>>
      tpu.wait_dma2 semaphore(%run_scoped3A_107 : memref<!tpu.dma_semaphore, #tpu.memory_space<semaphore_mem>>) src(%dma_wait3A_130 : memref<96x64xf32, #tpu.memory_space<vmem>>) dst(%dma_wait3A_126 : memref<96x64xf32, #tpu.memory_space<vmem_shared>>)
      tpu.yield
    }) : () -> ()
    %add3A_16 = arith.constant 96 : i32
    %add3A_17 = arith.addi %mul3A_0, %add3A_16 : i32
    %run_scoped3A_18 = arith.constant 0 : i32
    "tpu.region"() ({
      %run_scoped3A_107 = tpu.sem_alloc : memref<!tpu.dma_semaphore, #tpu.memory_space<semaphore_mem>>
      %dma_start3A_108 = arith.constant 0 : i32
      %dma_start3A_109 = arith.constant 0 : i32
      %dma_start3A_110 = tpu.memref_slice %arg8[%run_scoped3A_18, %dma_start3A_108, %dma_start3A_109] : memref<4x96x64xf32, #tpu.memory_space<vmem>> -> memref<1x96x64xf32, #tpu.memory_space<vmem>>
      %dma_start3A_111 = tpu.memref_squeeze %dma_start3A_110 : memref<1x96x64xf32, #tpu.memory_space<vmem>> -> memref<96x64xf32, #tpu.memory_space<vmem>>
      %dma_start3A_112 = arith.constant 0 : i32
      %dma_start3A_113 = tpu.memref_slice %arg9[%add3A_17, %dma_start3A_112] : memref<10240x64xf32, #tpu.memory_space<vmem_shared>> -> memref<96x64xf32, #tpu.memory_space<vmem_shared>>
      %dma_start3A_114 = arith.constant 0 : i32
      %dma_start3A_115 = tpu.memref_slice %arg9[%add3A_17, %dma_start3A_114] : memref<10240x64xf32, #tpu.memory_space<vmem_shared>> -> memref<96x64xf32, #tpu.memory_space<vmem_shared>>
      %dma_start3A_116 = arith.constant 0 : i32
      %dma_start3A_117 = arith.constant 0 : i32
      %dma_start3A_118 = tpu.memref_slice %arg8[%run_scoped3A_18, %dma_start3A_116, %dma_start3A_117] : memref<4x96x64xf32, #tpu.memory_space<vmem>> -> memref<1x96x64xf32, #tpu.memory_space<vmem>>
      %dma_start3A_119 = tpu.memref_squeeze %dma_start3A_118 : memref<1x96x64xf32, #tpu.memory_space<vmem>> -> memref<96x64xf32, #tpu.memory_space<vmem>>
      tpu.enqueue_dma source(%dma_start3A_119 : memref<96x64xf32, #tpu.memory_space<vmem>>) target(%dma_start3A_115 : memref<96x64xf32, #tpu.memory_space<vmem_shared>>) target_semaphore(%run_scoped3A_107 : memref<!tpu.dma_semaphore, #tpu.memory_space<semaphore_mem>>)
      %dma_wait3A = arith.constant 0 : i32
      %dma_wait3A_120 = arith.constant 0 : i32
      %dma_wait3A_121 = tpu.memref_slice %arg8[%run_scoped3A_18, %dma_wait3A, %dma_wait3A_120] : memref<4x96x64xf32, #tpu.memory_space<vmem>> -> memref<1x96x64xf32, #tpu.memory_space<vmem>>
      %dma_wait3A_122 = tpu.memref_squeeze %dma_wait3A_121 : memref<1x96x64xf32, #tpu.memory_space<vmem>> -> memref<96x64xf32, #tpu.memory_space<vmem>>
      %dma_wait3A_123 = arith.constant 0 : i32
      %dma_wait3A_124 = tpu.memref_slice %arg9[%add3A_17, %dma_wait3A_123] : memref<10240x64xf32, #tpu.memory_space<vmem_shared>> -> memref<96x64xf32, #tpu.memory_space<vmem_shared>>
      %dma_wait3A_125 = arith.constant 0 : i32
      %dma_wait3A_126 = tpu.memref_slice %arg9[%add3A_17, %dma_wait3A_125] : memref<10240x64xf32, #tpu.memory_space<vmem_shared>> -> memref<96x64xf32, #tpu.memory_space<vmem_shared>>
      %dma_wait3A_127 = arith.constant 0 : i32
      %dma_wait3A_128 = arith.constant 0 : i32
      %dma_wait3A_129 = tpu.memref_slice %arg8[%run_scoped3A_18, %dma_wait3A_127, %dma_wait3A_128] : memref<4x96x64xf32, #tpu.memory_space<vmem>> -> memref<1x96x64xf32, #tpu.memory_space<vmem>>
      %dma_wait3A_130 = tpu.memref_squeeze %dma_wait3A_129 : memref<1x96x64xf32, #tpu.memory_space<vmem>> -> memref<96x64xf32, #tpu.memory_space<vmem>>
      tpu.wait_dma2 semaphore(%run_scoped3A_107 : memref<!tpu.dma_semaphore, #tpu.memory_space<semaphore_mem>>) src(%dma_wait3A_130 : memref<96x64xf32, #tpu.memory_space<vmem>>) dst(%dma_wait3A_126 : memref<96x64xf32, #tpu.memory_space<vmem_shared>>)
      tpu.yield
    }) : () -> ()
    %add3A_19 = arith.constant 192 : i32
    %add3A_20 = arith.addi %mul3A_0, %add3A_19 : i32
    %run_scoped3A_21 = arith.constant 0 : i32
    "tpu.region"() ({
      %run_scoped3A_107 = tpu.sem_alloc : memref<!tpu.dma_semaphore, #tpu.memory_space<semaphore_mem>>
      %dma_start3A_108 = arith.constant 0 : i32
      %dma_start3A_109 = arith.constant 0 : i32
      %dma_start3A_110 = tpu.memref_slice %arg8[%run_scoped3A_21, %dma_start3A_108, %dma_start3A_109] : memref<4x96x64xf32, #tpu.memory_space<vmem>> -> memref<1x96x64xf32, #tpu.memory_space<vmem>>
      %dma_start3A_111 = tpu.memref_squeeze %dma_start3A_110 : memref<1x96x64xf32, #tpu.memory_space<vmem>> -> memref<96x64xf32, #tpu.memory_space<vmem>>
      %dma_start3A_112 = arith.constant 0 : i32
      %dma_start3A_113 = tpu.memref_slice %arg9[%add3A_20, %dma_start3A_112] : memref<10240x64xf32, #tpu.memory_space<vmem_shared>> -> memref<96x64xf32, #tpu.memory_space<vmem_shared>>
      %dma_start3A_114 = arith.constant 0 : i32
      %dma_start3A_115 = tpu.memref_slice %arg9[%add3A_20, %dma_start3A_114] : memref<10240x64xf32, #tpu.memory_space<vmem_shared>> -> memref<96x64xf32, #tpu.memory_space<vmem_shared>>
      %dma_start3A_116 = arith.constant 0 : i32
      %dma_start3A_117 = arith.constant 0 : i32
      %dma_start3A_118 = tpu.memref_slice %arg8[%run_scoped3A_21, %dma_start3A_116, %dma_start3A_117] : memref<4x96x64xf32, #tpu.memory_space<vmem>> -> memref<1x96x64xf32, #tpu.memory_space<vmem>>
      %dma_start3A_119 = tpu.memref_squeeze %dma_start3A_118 : memref<1x96x64xf32, #tpu.memory_space<vmem>> -> memref<96x64xf32, #tpu.memory_space<vmem>>
      tpu.enqueue_dma source(%dma_start3A_119 : memref<96x64xf32, #tpu.memory_space<vmem>>) target(%dma_start3A_115 : memref<96x64xf32, #tpu.memory_space<vmem_shared>>) target_semaphore(%run_scoped3A_107 : memref<!tpu.dma_semaphore, #tpu.memory_space<semaphore_mem>>)
      %dma_wait3A = arith.constant 0 : i32
      %dma_wait3A_120 = arith.constant 0 : i32
      %dma_wait3A_121 = tpu.memref_slice %arg8[%run_scoped3A_21, %dma_wait3A, %dma_wait3A_120] : memref<4x96x64xf32, #tpu.memory_space<vmem>> -> memref<1x96x64xf32, #tpu.memory_space<vmem>>
      %dma_wait3A_122 = tpu.memref_squeeze %dma_wait3A_121 : memref<1x96x64xf32, #tpu.memory_space<vmem>> -> memref<96x64xf32, #tpu.memory_space<vmem>>
      %dma_wait3A_123 = arith.constant 0 : i32
      %dma_wait3A_124 = tpu.memref_slice %arg9[%add3A_20, %dma_wait3A_123] : memref<10240x64xf32, #tpu.memory_space<vmem_shared>> -> memref<96x64xf32, #tpu.memory_space<vmem_shared>>
      %dma_wait3A_125 = arith.constant 0 : i32
      %dma_wait3A_126 = tpu.memref_slice %arg9[%add3A_20, %dma_wait3A_125] : memref<10240x64xf32, #tpu.memory_space<vmem_shared>> -> memref<96x64xf32, #tpu.memory_space<vmem_shared>>
      %dma_wait3A_127 = arith.constant 0 : i32
      %dma_wait3A_128 = arith.constant 0 : i32
      %dma_wait3A_129 = tpu.memref_slice %arg8[%run_scoped3A_21, %dma_wait3A_127, %dma_wait3A_128] : memref<4x96x64xf32, #tpu.memory_space<vmem>> -> memref<1x96x64xf32, #tpu.memory_space<vmem>>
      %dma_wait3A_130 = tpu.memref_squeeze %dma_wait3A_129 : memref<1x96x64xf32, #tpu.memory_space<vmem>> -> memref<96x64xf32, #tpu.memory_space<vmem>>
      tpu.wait_dma2 semaphore(%run_scoped3A_107 : memref<!tpu.dma_semaphore, #tpu.memory_space<semaphore_mem>>) src(%dma_wait3A_130 : memref<96x64xf32, #tpu.memory_space<vmem>>) dst(%dma_wait3A_126 : memref<96x64xf32, #tpu.memory_space<vmem_shared>>)
      tpu.yield
    }) : () -> ()
    %add3A_22 = arith.constant 288 : i32
    %add3A_23 = arith.addi %mul3A_0, %add3A_22 : i32
    %run_scoped3A_24 = arith.constant 0 : i32
    "tpu.region"() ({
      %run_scoped3A_107 = tpu.sem_alloc : memref<!tpu.dma_semaphore, #tpu.memory_space<semaphore_mem>>
      %dma_start3A_108 = arith.constant 0 : i32
      %dma_start3A_109 = arith.constant 0 : i32
      %dma_start3A_110 = tpu.memref_slice %arg8[%run_scoped3A_24, %dma_start3A_108, %dma_start3A_109] : memref<4x96x64xf32, #tpu.memory_space<vmem>> -> memref<1x96x64xf32, #tpu.memory_space<vmem>>
      %dma_start3A_111 = tpu.memref_squeeze %dma_start3A_110 : memref<1x96x64xf32, #tpu.memory_space<vmem>> -> memref<96x64xf32, #tpu.memory_space<vmem>>
      %dma_start3A_112 = arith.constant 0 : i32
      %dma_start3A_113 = tpu.memref_slice %arg9[%add3A_23, %dma_start3A_112] : memref<10240x64xf32, #tpu.memory_space<vmem_shared>> -> memref<96x64xf32, #tpu.memory_space<vmem_shared>>
      %dma_start3A_114 = arith.constant 0 : i32
      %dma_start3A_115 = tpu.memref_slice %arg9[%add3A_23, %dma_start3A_114] : memref<10240x64xf32, #tpu.memory_space<vmem_shared>> -> memref<96x64xf32, #tpu.memory_space<vmem_shared>>
      %dma_start3A_116 = arith.constant 0 : i32
      %dma_start3A_117 = arith.constant 0 : i32
      %dma_start3A_118 = tpu.memref_slice %arg8[%run_scoped3A_24, %dma_start3A_116, %dma_start3A_117] : memref<4x96x64xf32, #tpu.memory_space<vmem>> -> memref<1x96x64xf32, #tpu.memory_space<vmem>>
      %dma_start3A_119 = tpu.memref_squeeze %dma_start3A_118 : memref<1x96x64xf32, #tpu.memory_space<vmem>> -> memref<96x64xf32, #tpu.memory_space<vmem>>
      tpu.enqueue_dma source(%dma_start3A_119 : memref<96x64xf32, #tpu.memory_space<vmem>>) target(%dma_start3A_115 : memref<96x64xf32, #tpu.memory_space<vmem_shared>>) target_semaphore(%run_scoped3A_107 : memref<!tpu.dma_semaphore, #tpu.memory_space<semaphore_mem>>)
      %dma_wait3A = arith.constant 0 : i32
      %dma_wait3A_120 = arith.constant 0 : i32
      %dma_wait3A_121 = tpu.memref_slice %arg8[%run_scoped3A_24, %dma_wait3A, %dma_wait3A_120] : memref<4x96x64xf32, #tpu.memory_space<vmem>> -> memref<1x96x64xf32, #tpu.memory_space<vmem>>
      %dma_wait3A_122 = tpu.memref_squeeze %dma_wait3A_121 : memref<1x96x64xf32, #tpu.memory_space<vmem>> -> memref<96x64xf32, #tpu.memory_space<vmem>>
      %dma_wait3A_123 = arith.constant 0 : i32
      %dma_wait3A_124 = tpu.memref_slice %arg9[%add3A_23, %dma_wait3A_123] : memref<10240x64xf32, #tpu.memory_space<vmem_shared>> -> memref<96x64xf32, #tpu.memory_space<vmem_shared>>
      %dma_wait3A_125 = arith.constant 0 : i32
      %dma_wait3A_126 = tpu.memref_slice %arg9[%add3A_23, %dma_wait3A_125] : memref<10240x64xf32, #tpu.memory_space<vmem_shared>> -> memref<96x64xf32, #tpu.memory_space<vmem_shared>>
      %dma_wait3A_127 = arith.constant 0 : i32
      %dma_wait3A_128 = arith.constant 0 : i32
      %dma_wait3A_129 = tpu.memref_slice %arg8[%run_scoped3A_24, %dma_wait3A_127, %dma_wait3A_128] : memref<4x96x64xf32, #tpu.memory_space<vmem>> -> memref<1x96x64xf32, #tpu.memory_space<vmem>>
      %dma_wait3A_130 = tpu.memref_squeeze %dma_wait3A_129 : memref<1x96x64xf32, #tpu.memory_space<vmem>> -> memref<96x64xf32, #tpu.memory_space<vmem>>
      tpu.wait_dma2 semaphore(%run_scoped3A_107 : memref<!tpu.dma_semaphore, #tpu.memory_space<semaphore_mem>>) src(%dma_wait3A_130 : memref<96x64xf32, #tpu.memory_space<vmem>>) dst(%dma_wait3A_126 : memref<96x64xf32, #tpu.memory_space<vmem_shared>>)
      tpu.yield
    }) : () -> ()
    %add3A_25 = arith.constant 384 : i32
    %add3A_26 = arith.addi %mul3A_0, %add3A_25 : i32
    %run_scoped3A_27 = arith.constant 0 : i32
    "tpu.region"() ({
      %run_scoped3A_107 = tpu.sem_alloc : memref<!tpu.dma_semaphore, #tpu.memory_space<semaphore_mem>>
      %dma_start3A_108 = arith.constant 0 : i32
      %dma_start3A_109 = arith.constant 0 : i32
      %dma_start3A_110 = tpu.memref_slice %arg8[%run_scoped3A_27, %dma_start3A_108, %dma_start3A_109] : memref<4x96x64xf32, #tpu.memory_space<vmem>> -> memref<1x96x64xf32, #tpu.memory_space<vmem>>
      %dma_start3A_111 = tpu.memref_squeeze %dma_start3A_110 : memref<1x96x64xf32, #tpu.memory_space<vmem>> -> memref<96x64xf32, #tpu.memory_space<vmem>>
      %dma_start3A_112 = arith.constant 0 : i32
      %dma_start3A_113 = tpu.memref_slice %arg9[%add3A_26, %dma_start3A_112] : memref<10240x64xf32, #tpu.memory_space<vmem_shared>> -> memref<96x64xf32, #tpu.memory_space<vmem_shared>>
      %dma_start3A_114 = arith.constant 0 : i32
      %dma_start3A_115 = tpu.memref_slice %arg9[%add3A_26, %dma_start3A_114] : memref<10240x64xf32, #tpu.memory_space<vmem_shared>> -> memref<96x64xf32, #tpu.memory_space<vmem_shared>>
      %dma_start3A_116 = arith.constant 0 : i32
      %dma_start3A_117 = arith.constant 0 : i32
      %dma_start3A_118 = tpu.memref_slice %arg8[%run_scoped3A_27, %dma_start3A_116, %dma_start3A_117] : memref<4x96x64xf32, #tpu.memory_space<vmem>> -> memref<1x96x64xf32, #tpu.memory_space<vmem>>
      %dma_start3A_119 = tpu.memref_squeeze %dma_start3A_118 : memref<1x96x64xf32, #tpu.memory_space<vmem>> -> memref<96x64xf32, #tpu.memory_space<vmem>>
      tpu.enqueue_dma source(%dma_start3A_119 : memref<96x64xf32, #tpu.memory_space<vmem>>) target(%dma_start3A_115 : memref<96x64xf32, #tpu.memory_space<vmem_shared>>) target_semaphore(%run_scoped3A_107 : memref<!tpu.dma_semaphore, #tpu.memory_space<semaphore_mem>>)
      %dma_wait3A = arith.constant 0 : i32
      %dma_wait3A_120 = arith.constant 0 : i32
      %dma_wait3A_121 = tpu.memref_slice %arg8[%run_scoped3A_27, %dma_wait3A, %dma_wait3A_120] : memref<4x96x64xf32, #tpu.memory_space<vmem>> -> memref<1x96x64xf32, #tpu.memory_space<vmem>>
      %dma_wait3A_122 = tpu.memref_squeeze %dma_wait3A_121 : memref<1x96x64xf32, #tpu.memory_space<vmem>> -> memref<96x64xf32, #tpu.memory_space<vmem>>
      %dma_wait3A_123 = arith.constant 0 : i32
      %dma_wait3A_124 = tpu.memref_slice %arg9[%add3A_26, %dma_wait3A_123] : memref<10240x64xf32, #tpu.memory_space<vmem_shared>> -> memref<96x64xf32, #tpu.memory_space<vmem_shared>>
      %dma_wait3A_125 = arith.constant 0 : i32
      %dma_wait3A_126 = tpu.memref_slice %arg9[%add3A_26, %dma_wait3A_125] : memref<10240x64xf32, #tpu.memory_space<vmem_shared>> -> memref<96x64xf32, #tpu.memory_space<vmem_shared>>
      %dma_wait3A_127 = arith.constant 0 : i32
      %dma_wait3A_128 = arith.constant 0 : i32
      %dma_wait3A_129 = tpu.memref_slice %arg8[%run_scoped3A_27, %dma_wait3A_127, %dma_wait3A_128] : memref<4x96x64xf32, #tpu.memory_space<vmem>> -> memref<1x96x64xf32, #tpu.memory_space<vmem>>
      %dma_wait3A_130 = tpu.memref_squeeze %dma_wait3A_129 : memref<1x96x64xf32, #tpu.memory_space<vmem>> -> memref<96x64xf32, #tpu.memory_space<vmem>>
      tpu.wait_dma2 semaphore(%run_scoped3A_107 : memref<!tpu.dma_semaphore, #tpu.memory_space<semaphore_mem>>) src(%dma_wait3A_130 : memref<96x64xf32, #tpu.memory_space<vmem>>) dst(%dma_wait3A_126 : memref<96x64xf32, #tpu.memory_space<vmem_shared>>)
      tpu.yield
    }) : () -> ()
    %add3A_28 = arith.constant 480 : i32
    %add3A_29 = arith.addi %mul3A_0, %add3A_28 : i32
    %run_scoped3A_30 = arith.constant 0 : i32
    "tpu.region"() ({
      %run_scoped3A_107 = tpu.sem_alloc : memref<!tpu.dma_semaphore, #tpu.memory_space<semaphore_mem>>
      %dma_start3A_108 = arith.constant 0 : i32
      %dma_start3A_109 = arith.constant 0 : i32
      %dma_start3A_110 = tpu.memref_slice %arg8[%run_scoped3A_30, %dma_start3A_108, %dma_start3A_109] : memref<4x96x64xf32, #tpu.memory_space<vmem>> -> memref<1x96x64xf32, #tpu.memory_space<vmem>>
      %dma_start3A_111 = tpu.memref_squeeze %dma_start3A_110 : memref<1x96x64xf32, #tpu.memory_space<vmem>> -> memref<96x64xf32, #tpu.memory_space<vmem>>
      %dma_start3A_112 = arith.constant 0 : i32
      %dma_start3A_113 = tpu.memref_slice %arg9[%add3A_29, %dma_start3A_112] : memref<10240x64xf32, #tpu.memory_space<vmem_shared>> -> memref<96x64xf32, #tpu.memory_space<vmem_shared>>
      %dma_start3A_114 = arith.constant 0 : i32
      %dma_start3A_115 = tpu.memref_slice %arg9[%add3A_29, %dma_start3A_114] : memref<10240x64xf32, #tpu.memory_space<vmem_shared>> -> memref<96x64xf32, #tpu.memory_space<vmem_shared>>
      %dma_start3A_116 = arith.constant 0 : i32
      %dma_start3A_117 = arith.constant 0 : i32
      %dma_start3A_118 = tpu.memref_slice %arg8[%run_scoped3A_30, %dma_start3A_116, %dma_start3A_117] : memref<4x96x64xf32, #tpu.memory_space<vmem>> -> memref<1x96x64xf32, #tpu.memory_space<vmem>>
      %dma_start3A_119 = tpu.memref_squeeze %dma_start3A_118 : memref<1x96x64xf32, #tpu.memory_space<vmem>> -> memref<96x64xf32, #tpu.memory_space<vmem>>
      tpu.enqueue_dma source(%dma_start3A_119 : memref<96x64xf32, #tpu.memory_space<vmem>>) target(%dma_start3A_115 : memref<96x64xf32, #tpu.memory_space<vmem_shared>>) target_semaphore(%run_scoped3A_107 : memref<!tpu.dma_semaphore, #tpu.memory_space<semaphore_mem>>)
      %dma_wait3A = arith.constant 0 : i32
      %dma_wait3A_120 = arith.constant 0 : i32
      %dma_wait3A_121 = tpu.memref_slice %arg8[%run_scoped3A_30, %dma_wait3A, %dma_wait3A_120] : memref<4x96x64xf32, #tpu.memory_space<vmem>> -> memref<1x96x64xf32, #tpu.memory_space<vmem>>
      %dma_wait3A_122 = tpu.memref_squeeze %dma_wait3A_121 : memref<1x96x64xf32, #tpu.memory_space<vmem>> -> memref<96x64xf32, #tpu.memory_space<vmem>>
      %dma_wait3A_123 = arith.constant 0 : i32
      %dma_wait3A_124 = tpu.memref_slice %arg9[%add3A_29, %dma_wait3A_123] : memref<10240x64xf32, #tpu.memory_space<vmem_shared>> -> memref<96x64xf32, #tpu.memory_space<vmem_shared>>
      %dma_wait3A_125 = arith.constant 0 : i32
      %dma_wait3A_126 = tpu.memref_slice %arg9[%add3A_29, %dma_wait3A_125] : memref<10240x64xf32, #tpu.memory_space<vmem_shared>> -> memref<96x64xf32, #tpu.memory_space<vmem_shared>>
      %dma_wait3A_127 = arith.constant 0 : i32
      %dma_wait3A_128 = arith.constant 0 : i32
      %dma_wait3A_129 = tpu.memref_slice %arg8[%run_scoped3A_30, %dma_wait3A_127, %dma_wait3A_128] : memref<4x96x64xf32, #tpu.memory_space<vmem>> -> memref<1x96x64xf32, #tpu.memory_space<vmem>>
      %dma_wait3A_130 = tpu.memref_squeeze %dma_wait3A_129 : memref<1x96x64xf32, #tpu.memory_space<vmem>> -> memref<96x64xf32, #tpu.memory_space<vmem>>
      tpu.wait_dma2 semaphore(%run_scoped3A_107 : memref<!tpu.dma_semaphore, #tpu.memory_space<semaphore_mem>>) src(%dma_wait3A_130 : memref<96x64xf32, #tpu.memory_space<vmem>>) dst(%dma_wait3A_126 : memref<96x64xf32, #tpu.memory_space<vmem_shared>>)
      tpu.yield
    }) : () -> ()
    %add3A_31 = arith.constant 576 : i32
    %add3A_32 = arith.addi %mul3A_0, %add3A_31 : i32
    %run_scoped3A_33 = arith.constant 0 : i32
    "tpu.region"() ({
      %run_scoped3A_107 = tpu.sem_alloc : memref<!tpu.dma_semaphore, #tpu.memory_space<semaphore_mem>>
      %dma_start3A_108 = arith.constant 0 : i32
      %dma_start3A_109 = arith.constant 0 : i32
      %dma_start3A_110 = tpu.memref_slice %arg8[%run_scoped3A_33, %dma_start3A_108, %dma_start3A_109] : memref<4x96x64xf32, #tpu.memory_space<vmem>> -> memref<1x96x64xf32, #tpu.memory_space<vmem>>
      %dma_start3A_111 = tpu.memref_squeeze %dma_start3A_110 : memref<1x96x64xf32, #tpu.memory_space<vmem>> -> memref<96x64xf32, #tpu.memory_space<vmem>>
      %dma_start3A_112 = arith.constant 0 : i32
      %dma_start3A_113 = arith.constant 0 : i32
      %dma_start3A_114 = tpu.memref_slice %dma_start3A_111[%dma_start3A_112, %dma_start3A_113] : memref<96x64xf32, #tpu.memory_space<vmem>> -> memref<64x64xf32, #tpu.memory_space<vmem>>
      %dma_start3A_115 = arith.constant 0 : i32
      %dma_start3A_116 = tpu.memref_slice %arg9[%add3A_32, %dma_start3A_115] : memref<10240x64xf32, #tpu.memory_space<vmem_shared>> -> memref<64x64xf32, #tpu.memory_space<vmem_shared>>
      %dma_start3A_117 = arith.constant 0 : i32
      %dma_start3A_118 = tpu.memref_slice %arg9[%add3A_32, %dma_start3A_117] : memref<10240x64xf32, #tpu.memory_space<vmem_shared>> -> memref<64x64xf32, #tpu.memory_space<vmem_shared>>
      %dma_start3A_119 = arith.constant 0 : i32
      %dma_start3A_120 = arith.constant 0 : i32
      %dma_start3A_121 = tpu.memref_slice %arg8[%run_scoped3A_33, %dma_start3A_119, %dma_start3A_120] : memref<4x96x64xf32, #tpu.memory_space<vmem>> -> memref<1x96x64xf32, #tpu.memory_space<vmem>>
      %dma_start3A_122 = tpu.memref_squeeze %dma_start3A_121 : memref<1x96x64xf32, #tpu.memory_space<vmem>> -> memref<96x64xf32, #tpu.memory_space<vmem>>
      %dma_start3A_123 = arith.constant 0 : i32
      %dma_start3A_124 = arith.constant 0 : i32
      %dma_start3A_125 = tpu.memref_slice %dma_start3A_122[%dma_start3A_123, %dma_start3A_124] : memref<96x64xf32, #tpu.memory_space<vmem>> -> memref<64x64xf32, #tpu.memory_space<vmem>>
      tpu.enqueue_dma source(%dma_start3A_125 : memref<64x64xf32, #tpu.memory_space<vmem>>) target(%dma_start3A_118 : memref<64x64xf32, #tpu.memory_space<vmem_shared>>) target_semaphore(%run_scoped3A_107 : memref<!tpu.dma_semaphore, #tpu.memory_space<semaphore_mem>>)
      %dma_wait3A = arith.constant 0 : i32
      %dma_wait3A_126 = arith.constant 0 : i32
      %dma_wait3A_127 = tpu.memref_slice %arg8[%run_scoped3A_33, %dma_wait3A, %dma_wait3A_126] : memref<4x96x64xf32, #tpu.memory_space<vmem>> -> memref<1x96x64xf32, #tpu.memory_space<vmem>>
      %dma_wait3A_128 = tpu.memref_squeeze %dma_wait3A_127 : memref<1x96x64xf32, #tpu.memory_space<vmem>> -> memref<96x64xf32, #tpu.memory_space<vmem>>
      %dma_wait3A_129 = arith.constant 0 : i32
      %dma_wait3A_130 = arith.constant 0 : i32
      %dma_wait3A_131 = tpu.memref_slice %dma_wait3A_128[%dma_wait3A_129, %dma_wait3A_130] : memref<96x64xf32, #tpu.memory_space<vmem>> -> memref<64x64xf32, #tpu.memory_space<vmem>>
      %dma_wait3A_132 = arith.constant 0 : i32
      %dma_wait3A_133 = tpu.memref_slice %arg9[%add3A_32, %dma_wait3A_132] : memref<10240x64xf32, #tpu.memory_space<vmem_shared>> -> memref<64x64xf32, #tpu.memory_space<vmem_shared>>
      %dma_wait3A_134 = arith.constant 0 : i32
      %dma_wait3A_135 = tpu.memref_slice %arg9[%add3A_32, %dma_wait3A_134] : memref<10240x64xf32, #tpu.memory_space<vmem_shared>> -> memref<64x64xf32, #tpu.memory_space<vmem_shared>>
      %dma_wait3A_136 = arith.constant 0 : i32
      %dma_wait3A_137 = arith.constant 0 : i32
      %dma_wait3A_138 = tpu.memref_slice %arg8[%run_scoped3A_33, %dma_wait3A_136, %dma_wait3A_137] : memref<4x96x64xf32, #tpu.memory_space<vmem>> -> memref<1x96x64xf32, #tpu.memory_space<vmem>>
      %dma_wait3A_139 = tpu.memref_squeeze %dma_wait3A_138 : memref<1x96x64xf32, #tpu.memory_space<vmem>> -> memref<96x64xf32, #tpu.memory_space<vmem>>
      %dma_wait3A_140 = arith.constant 0 : i32
      %dma_wait3A_141 = arith.constant 0 : i32
      %dma_wait3A_142 = tpu.memref_slice %dma_wait3A_139[%dma_wait3A_140, %dma_wait3A_141] : memref<96x64xf32, #tpu.memory_space<vmem>> -> memref<64x64xf32, #tpu.memory_space<vmem>>
      tpu.wait_dma2 semaphore(%run_scoped3A_107 : memref<!tpu.dma_semaphore, #tpu.memory_space<semaphore_mem>>) src(%dma_wait3A_142 : memref<64x64xf32, #tpu.memory_space<vmem>>) dst(%dma_wait3A_135 : memref<64x64xf32, #tpu.memory_space<vmem_shared>>)
      tpu.yield
    }) : () -> ()
    %barrier3A = arith.constant 0 : index
    tpu.barrier barrier_id(%barrier3A)
    "tpu.region"() ({
      %run_scoped3A_107 = tpu.sem_alloc : memref<!tpu.dma_semaphore, #tpu.memory_space<semaphore_mem>>
      %dma_start3A_108 = arith.constant 0 : i32
      %dma_start3A_109 = tpu.memref_slice %arg3[%select_n3A_8, %dma_start3A_108] : memref<3440x96xi32, #tpu.memory_space<hbm>> -> memref<40x96xi32, #tpu.memory_space<hbm>>
      %dma_start3A_110 = arith.constant 0 : i32
      %dma_start3A_111 = tpu.memref_slice %arg3[%select_n3A_8, %dma_start3A_110] : memref<3440x96xi32, #tpu.memory_space<hbm>> -> memref<40x96xi32, #tpu.memory_space<hbm>>
      tpu.enqueue_dma source(%dma_start3A_111 : memref<40x96xi32, #tpu.memory_space<hbm>>) target(%arg6 : memref<40x96xi32, #tpu.memory_space<vmem>>) target_semaphore(%run_scoped3A_107 : memref<!tpu.dma_semaphore, #tpu.memory_space<semaphore_mem>>)
      %dma_wait3A = arith.constant 0 : i32
      %dma_wait3A_112 = tpu.memref_slice %arg3[%select_n3A_8, %dma_wait3A] : memref<3440x96xi32, #tpu.memory_space<hbm>> -> memref<40x96xi32, #tpu.memory_space<hbm>>
      %dma_wait3A_113 = arith.constant 0 : i32
      %dma_wait3A_114 = tpu.memref_slice %arg3[%select_n3A_8, %dma_wait3A_113] : memref<3440x96xi32, #tpu.memory_space<hbm>> -> memref<40x96xi32, #tpu.memory_space<hbm>>
      tpu.wait_dma2 semaphore(%run_scoped3A_107 : memref<!tpu.dma_semaphore, #tpu.memory_space<semaphore_mem>>) src(%dma_wait3A_114 : memref<40x96xi32, #tpu.memory_space<hbm>>) dst(%arg6 : memref<40x96xi32, #tpu.memory_space<vmem>>)
      tpu.yield
    }) : () -> ()
    "tpu.region"() ({
      %run_scoped3A_107 = tpu.sem_alloc : memref<!tpu.dma_semaphore, #tpu.memory_space<semaphore_mem>>
      %dma_start3A_108 = arith.constant 0 : i32
      %dma_start3A_109 = tpu.memref_slice %arg4[%select_n3A_8, %dma_start3A_108] : memref<3440x96xi32, #tpu.memory_space<hbm>> -> memref<40x96xi32, #tpu.memory_space<hbm>>
      %dma_start3A_110 = arith.constant 0 : i32
      %dma_start3A_111 = tpu.memref_slice %arg4[%select_n3A_8, %dma_start3A_110] : memref<3440x96xi32, #tpu.memory_space<hbm>> -> memref<40x96xi32, #tpu.memory_space<hbm>>
      tpu.enqueue_dma source(%dma_start3A_111 : memref<40x96xi32, #tpu.memory_space<hbm>>) target(%arg7 : memref<40x96xi32, #tpu.memory_space<vmem>>) target_semaphore(%run_scoped3A_107 : memref<!tpu.dma_semaphore, #tpu.memory_space<semaphore_mem>>)
      %dma_wait3A = arith.constant 0 : i32
      %dma_wait3A_112 = tpu.memref_slice %arg4[%select_n3A_8, %dma_wait3A] : memref<3440x96xi32, #tpu.memory_space<hbm>> -> memref<40x96xi32, #tpu.memory_space<hbm>>
      %dma_wait3A_113 = arith.constant 0 : i32
      %dma_wait3A_114 = tpu.memref_slice %arg4[%select_n3A_8, %dma_wait3A_113] : memref<3440x96xi32, #tpu.memory_space<hbm>> -> memref<40x96xi32, #tpu.memory_space<hbm>>
      tpu.wait_dma2 semaphore(%run_scoped3A_107 : memref<!tpu.dma_semaphore, #tpu.memory_space<semaphore_mem>>) src(%dma_wait3A_114 : memref<40x96xi32, #tpu.memory_space<hbm>>) dst(%arg7 : memref<40x96xi32, #tpu.memory_space<vmem>>)
      tpu.yield
    }) : () -> ()
    %dma_start3A = arith.constant 0 : i32
    %dma_start3A_34 = arith.constant 0 : i32
    %dma_start3A_35 = arith.constant 0 : i32
    %dma_start3A_36 = arith.constant 0 : i32
    %dma_start3A_37 = tpu.memref_slice %arg8[%dma_start3A_34, %dma_start3A_35, %dma_start3A_36] : memref<4x96x64xf32, #tpu.memory_space<vmem>> -> memref<1x96x64xf32, #tpu.memory_space<vmem>>
    %dma_start3A_38 = tpu.memref_squeeze %dma_start3A_37 : memref<1x96x64xf32, #tpu.memory_space<vmem>> -> memref<96x64xf32, #tpu.memory_space<vmem>>
    %dma_start3A_39 = arith.constant 0 : i32
    %dma_start3A_40 = tpu.memref_slice %arg6[%dma_start3A, %dma_start3A_39] : memref<40x96xi32, #tpu.memory_space<vmem>> -> memref<1x96xi32, #tpu.memory_space<vmem>>
    %dma_start3A_41 = tpu.memref_squeeze %dma_start3A_40 : memref<1x96xi32, #tpu.memory_space<vmem>> -> memref<96xi32, #tpu.memory_space<vmem>>
    %dma_start3A_42 = arith.constant 0 : i32
    %dma_start3A_43 = arith.constant 0 : i32
    %dma_start3A_44 = tpu.memref_slice %arg2[%dma_start3A_42, %dma_start3A_43] : memref<10240x64xf32, #tpu.memory_space<hbm>> -> memref<10240x64xf32, #tpu.memory_space<hbm>>
    tpu.enqueue_indirect_dma source(%dma_start3A_44 : memref<10240x64xf32, #tpu.memory_space<hbm>>) target(%dma_start3A_38 : memref<96x64xf32, #tpu.memory_space<vmem>>) offsets(%dma_start3A_41 : memref<96xi32, #tpu.memory_space<vmem>>) semaphore(%arg10 : memref<!tpu.dma_semaphore, #tpu.memory_space<semaphore_mem>>)
    %dma_start3A_45 = arith.constant 1 : i32
    %dma_start3A_46 = arith.constant 1 : i32
    %dma_start3A_47 = arith.constant 0 : i32
    %dma_start3A_48 = arith.constant 0 : i32
    %dma_start3A_49 = tpu.memref_slice %arg8[%dma_start3A_46, %dma_start3A_47, %dma_start3A_48] : memref<4x96x64xf32, #tpu.memory_space<vmem>> -> memref<1x96x64xf32, #tpu.memory_space<vmem>>
    %dma_start3A_50 = tpu.memref_squeeze %dma_start3A_49 : memref<1x96x64xf32, #tpu.memory_space<vmem>> -> memref<96x64xf32, #tpu.memory_space<vmem>>
    %dma_start3A_51 = arith.constant 0 : i32
    %dma_start3A_52 = tpu.memref_slice %arg6[%dma_start3A_45, %dma_start3A_51] : memref<40x96xi32, #tpu.memory_space<vmem>> -> memref<1x96xi32, #tpu.memory_space<vmem>>
    %dma_start3A_53 = tpu.memref_squeeze %dma_start3A_52 : memref<1x96xi32, #tpu.memory_space<vmem>> -> memref<96xi32, #tpu.memory_space<vmem>>
    %dma_start3A_54 = arith.constant 0 : i32
    %dma_start3A_55 = arith.constant 0 : i32
    %dma_start3A_56 = tpu.memref_slice %arg2[%dma_start3A_54, %dma_start3A_55] : memref<10240x64xf32, #tpu.memory_space<hbm>> -> memref<10240x64xf32, #tpu.memory_space<hbm>>
    tpu.enqueue_indirect_dma source(%dma_start3A_56 : memref<10240x64xf32, #tpu.memory_space<hbm>>) target(%dma_start3A_50 : memref<96x64xf32, #tpu.memory_space<vmem>>) offsets(%dma_start3A_53 : memref<96xi32, #tpu.memory_space<vmem>>) semaphore(%arg10 : memref<!tpu.dma_semaphore, #tpu.memory_space<semaphore_mem>>)
    %dma_start3A_57 = arith.constant 2 : i32
    %dma_start3A_58 = arith.constant 2 : i32
    %dma_start3A_59 = arith.constant 0 : i32
    %dma_start3A_60 = arith.constant 0 : i32
    %dma_start3A_61 = tpu.memref_slice %arg8[%dma_start3A_58, %dma_start3A_59, %dma_start3A_60] : memref<4x96x64xf32, #tpu.memory_space<vmem>> -> memref<1x96x64xf32, #tpu.memory_space<vmem>>
    %dma_start3A_62 = tpu.memref_squeeze %dma_start3A_61 : memref<1x96x64xf32, #tpu.memory_space<vmem>> -> memref<96x64xf32, #tpu.memory_space<vmem>>
    %dma_start3A_63 = arith.constant 0 : i32
    %dma_start3A_64 = tpu.memref_slice %arg6[%dma_start3A_57, %dma_start3A_63] : memref<40x96xi32, #tpu.memory_space<vmem>> -> memref<1x96xi32, #tpu.memory_space<vmem>>
    %dma_start3A_65 = tpu.memref_squeeze %dma_start3A_64 : memref<1x96xi32, #tpu.memory_space<vmem>> -> memref<96xi32, #tpu.memory_space<vmem>>
    %dma_start3A_66 = arith.constant 0 : i32
    %dma_start3A_67 = arith.constant 0 : i32
    %dma_start3A_68 = tpu.memref_slice %arg2[%dma_start3A_66, %dma_start3A_67] : memref<10240x64xf32, #tpu.memory_space<hbm>> -> memref<10240x64xf32, #tpu.memory_space<hbm>>
    tpu.enqueue_indirect_dma source(%dma_start3A_68 : memref<10240x64xf32, #tpu.memory_space<hbm>>) target(%dma_start3A_62 : memref<96x64xf32, #tpu.memory_space<vmem>>) offsets(%dma_start3A_65 : memref<96xi32, #tpu.memory_space<vmem>>) semaphore(%arg10 : memref<!tpu.dma_semaphore, #tpu.memory_space<semaphore_mem>>)
    %while3A = arith.constant 0 : i32
    %while3A_69 = arith.constant 0 : i32
    %while3A_70 = arith.subi %select_n3A, %while3A_69 : i32
    %while3A_71 = arith.addi %while3A_69, %while3A_70 : i32
    %while3A_72 = arith.constant 1 : i32
    %while3A_73 = arith.divsi %while3A_70, %while3A_72 : i32
    %while3A_74 = arith.muli %while3A_73, %while3A_72 : i32
    %while3A_75 = arith.addi %while3A_69, %while3A_74 : i32
    %while3A_76 = arith.constant 1 : i32
    scf.for %while3A_107 = %while3A_69 to %while3A_75 step %while3A_76  : i32 {
      %jit3A_108 = arith.constant 4 : i32
      %eq3A_109 = arith.constant 0 : i32
      %eq3A_110 = arith.cmpi eq, %jit3A_108, %eq3A_109 : i32
      %jit3A_111 = arith.constant 1 : i32
      %select_n3A_112 = arith.select %eq3A_110, %jit3A_111, %jit3A_108 : i32
      %rem3A = arith.remsi %while3A_107, %select_n3A_112 : i32
      %ne3A = arith.constant 0 : i32
      %ne3A_113 = arith.cmpi ne, %rem3A, %ne3A : i32
      %lt3A = arith.constant 0 : i32
      %lt3A_114 = arith.cmpi slt, %rem3A, %lt3A : i32
      %lt3A_115 = arith.constant 0 : i32
      %lt3A_116 = arith.cmpi slt, %select_n3A_112, %lt3A_115 : i32
      %ne3A_117 = arith.xori %lt3A_114, %lt3A_116 : i1
      %and3A = arith.andi %ne3A_117, %ne3A_113 : i1
      %add3A_118 = arith.addi %rem3A, %select_n3A_112 : i32
      %select_n3A_119 = arith.select %and3A, %add3A_118, %rem3A : i32
      %jit3A_120 = arith.constant 40 : i32
      %eq3A_121 = arith.constant 0 : i32
      %eq3A_122 = arith.cmpi eq, %jit3A_120, %eq3A_121 : i32
      %jit3A_123 = arith.constant 1 : i32
      %select_n3A_124 = arith.select %eq3A_122, %jit3A_123, %jit3A_120 : i32
      %rem3A_125 = arith.remsi %while3A_107, %select_n3A_124 : i32
      %ne3A_126 = arith.constant 0 : i32
      %ne3A_127 = arith.cmpi ne, %rem3A_125, %ne3A_126 : i32
      %lt3A_128 = arith.constant 0 : i32
      %lt3A_129 = arith.cmpi slt, %rem3A_125, %lt3A_128 : i32
      %lt3A_130 = arith.constant 0 : i32
      %lt3A_131 = arith.cmpi slt, %select_n3A_124, %lt3A_130 : i32
      %ne3A_132 = arith.xori %lt3A_129, %lt3A_131 : i1
      %and3A_133 = arith.andi %ne3A_132, %ne3A_127 : i1
      %add3A_134 = arith.addi %rem3A_125, %select_n3A_124 : i32
      %select_n3A_135 = arith.select %and3A_133, %add3A_134, %rem3A_125 : i32
      %dma_wait3A = arith.constant 0 : i32
      %dma_wait3A_136 = arith.constant 0 : i32
      %dma_wait3A_137 = tpu.memref_slice %arg8[%select_n3A_119, %dma_wait3A, %dma_wait3A_136] : memref<4x96x64xf32, #tpu.memory_space<vmem>> -> memref<1x96x64xf32, #tpu.memory_space<vmem>>
      %dma_wait3A_138 = tpu.memref_squeeze %dma_wait3A_137 : memref<1x96x64xf32, #tpu.memory_space<vmem>> -> memref<96x64xf32, #tpu.memory_space<vmem>>
      %dma_wait3A_139 = arith.constant 0 : i32
      %dma_wait3A_140 = tpu.memref_slice %arg6[%select_n3A_135, %dma_wait3A_139] : memref<40x96xi32, #tpu.memory_space<vmem>> -> memref<1x96xi32, #tpu.memory_space<vmem>>
      %dma_wait3A_141 = tpu.memref_squeeze %dma_wait3A_140 : memref<1x96xi32, #tpu.memory_space<vmem>> -> memref<96xi32, #tpu.memory_space<vmem>>
      %dma_wait3A_142 = arith.constant 0 : i32
      %dma_wait3A_143 = arith.constant 0 : i32
      %dma_wait3A_144 = tpu.memref_slice %arg2[%dma_wait3A_142, %dma_wait3A_143] : memref<10240x64xf32, #tpu.memory_space<hbm>> -> memref<10240x64xf32, #tpu.memory_space<hbm>>
      tpu.wait_indirect_dma semaphore(%arg10 : memref<!tpu.dma_semaphore, #tpu.memory_space<semaphore_mem>>) src(%dma_wait3A_144 : memref<10240x64xf32, #tpu.memory_space<hbm>>) dst(%dma_wait3A_138 : memref<96x64xf32, #tpu.memory_space<vmem>>)
      %add3A_145 = arith.constant 3 : i32
      %add3A_146 = arith.addi %while3A_107, %add3A_145 : i32
      %lt3A_147 = arith.cmpi slt, %add3A_146, %select_n3A : i32
      %jit3A_148 = arith.constant 40 : i32
      %eq3A_149 = arith.constant 0 : i32
      %eq3A_150 = arith.cmpi eq, %jit3A_148, %eq3A_149 : i32
      %jit3A_151 = arith.constant 1 : i32
      %select_n3A_152 = arith.select %eq3A_150, %jit3A_151, %jit3A_148 : i32
      %rem3A_153 = arith.remsi %add3A_146, %select_n3A_152 : i32
      %ne3A_154 = arith.constant 0 : i32
      %ne3A_155 = arith.cmpi ne, %rem3A_153, %ne3A_154 : i32
      %lt3A_156 = arith.constant 0 : i32
      %lt3A_157 = arith.cmpi slt, %rem3A_153, %lt3A_156 : i32
      %lt3A_158 = arith.constant 0 : i32
      %lt3A_159 = arith.cmpi slt, %select_n3A_152, %lt3A_158 : i32
      %ne3A_160 = arith.xori %lt3A_157, %lt3A_159 : i1
      %and3A_161 = arith.andi %ne3A_160, %ne3A_155 : i1
      %add3A_162 = arith.addi %rem3A_153, %select_n3A_152 : i32
      %select_n3A_163 = arith.select %and3A_161, %add3A_162, %rem3A_153 : i32
      %eq3A_164 = arith.constant 0 : i32
      %eq3A_165 = arith.cmpi eq, %select_n3A_163, %eq3A_164 : i32
      %and3A_166 = arith.andi %lt3A_147, %eq3A_165 : i1
      %convert_element_type3A = arith.extui %and3A_166 : i1 to i32
      %cond3A = arith.constant 0 : i32
      %cond3A_167 = arith.cmpi ne, %convert_element_type3A, %cond3A : i32
      scf.if %cond3A_167 {
        %add3A_211 = arith.addi %select_n3A_8, %add3A_146 : i32
        "tpu.region"() ({
          %run_scoped3A_212 = tpu.sem_alloc : memref<!tpu.dma_semaphore, #tpu.memory_space<semaphore_mem>>
          %dma_start3A_213 = arith.constant 0 : i32
          %dma_start3A_214 = tpu.memref_slice %arg3[%add3A_211, %dma_start3A_213] : memref<3440x96xi32, #tpu.memory_space<hbm>> -> memref<40x96xi32, #tpu.memory_space<hbm>>
          %dma_start3A_215 = arith.constant 0 : i32
          %dma_start3A_216 = tpu.memref_slice %arg3[%add3A_211, %dma_start3A_215] : memref<3440x96xi32, #tpu.memory_space<hbm>> -> memref<40x96xi32, #tpu.memory_space<hbm>>
          tpu.enqueue_dma source(%dma_start3A_216 : memref<40x96xi32, #tpu.memory_space<hbm>>) target(%arg6 : memref<40x96xi32, #tpu.memory_space<vmem>>) target_semaphore(%run_scoped3A_212 : memref<!tpu.dma_semaphore, #tpu.memory_space<semaphore_mem>>)
          %dma_wait3A_217 = arith.constant 0 : i32
          %dma_wait3A_218 = tpu.memref_slice %arg3[%add3A_211, %dma_wait3A_217] : memref<3440x96xi32, #tpu.memory_space<hbm>> -> memref<40x96xi32, #tpu.memory_space<hbm>>
          %dma_wait3A_219 = arith.constant 0 : i32
          %dma_wait3A_220 = tpu.memref_slice %arg3[%add3A_211, %dma_wait3A_219] : memref<3440x96xi32, #tpu.memory_space<hbm>> -> memref<40x96xi32, #tpu.memory_space<hbm>>
          tpu.wait_dma2 semaphore(%run_scoped3A_212 : memref<!tpu.dma_semaphore, #tpu.memory_space<semaphore_mem>>) src(%dma_wait3A_220 : memref<40x96xi32, #tpu.memory_space<hbm>>) dst(%arg6 : memref<40x96xi32, #tpu.memory_space<vmem>>)
          tpu.yield
        }) : () -> ()
      } else {
      }
      %lt3A_168 = arith.cmpi slt, %add3A_146, %select_n3A : i32
      %convert_element_type3A_169 = arith.extui %lt3A_168 : i1 to i32
      %cond3A_170 = arith.constant 0 : i32
      %cond3A_171 = arith.cmpi ne, %convert_element_type3A_169, %cond3A_170 : i32
      scf.if %cond3A_171 {
        %jit3A_211 = arith.constant 40 : i32
        %eq3A_212 = arith.constant 0 : i32
        %eq3A_213 = arith.cmpi eq, %jit3A_211, %eq3A_212 : i32
        %jit3A_214 = arith.constant 1 : i32
        %select_n3A_215 = arith.select %eq3A_213, %jit3A_214, %jit3A_211 : i32
        %rem3A_216 = arith.remsi %add3A_146, %select_n3A_215 : i32
        %ne3A_217 = arith.constant 0 : i32
        %ne3A_218 = arith.cmpi ne, %rem3A_216, %ne3A_217 : i32
        %lt3A_219 = arith.constant 0 : i32
        %lt3A_220 = arith.cmpi slt, %rem3A_216, %lt3A_219 : i32
        %lt3A_221 = arith.constant 0 : i32
        %lt3A_222 = arith.cmpi slt, %select_n3A_215, %lt3A_221 : i32
        %ne3A_223 = arith.xori %lt3A_220, %lt3A_222 : i1
        %and3A_224 = arith.andi %ne3A_223, %ne3A_218 : i1
        %add3A_225 = arith.addi %rem3A_216, %select_n3A_215 : i32
        %select_n3A_226 = arith.select %and3A_224, %add3A_225, %rem3A_216 : i32
        %jit3A_227 = arith.constant 4 : i32
        %eq3A_228 = arith.constant 0 : i32
        %eq3A_229 = arith.cmpi eq, %jit3A_227, %eq3A_228 : i32
        %jit3A_230 = arith.constant 1 : i32
        %select_n3A_231 = arith.select %eq3A_229, %jit3A_230, %jit3A_227 : i32
        %rem3A_232 = arith.remsi %add3A_146, %select_n3A_231 : i32
        %ne3A_233 = arith.constant 0 : i32
        %ne3A_234 = arith.cmpi ne, %rem3A_232, %ne3A_233 : i32
        %lt3A_235 = arith.constant 0 : i32
        %lt3A_236 = arith.cmpi slt, %rem3A_232, %lt3A_235 : i32
        %lt3A_237 = arith.constant 0 : i32
        %lt3A_238 = arith.cmpi slt, %select_n3A_231, %lt3A_237 : i32
        %ne3A_239 = arith.xori %lt3A_236, %lt3A_238 : i1
        %and3A_240 = arith.andi %ne3A_239, %ne3A_234 : i1
        %add3A_241 = arith.addi %rem3A_232, %select_n3A_231 : i32
        %select_n3A_242 = arith.select %and3A_240, %add3A_241, %rem3A_232 : i32
        %dma_start3A_243 = arith.constant 0 : i32
        %dma_start3A_244 = arith.constant 0 : i32
        %dma_start3A_245 = tpu.memref_slice %arg8[%select_n3A_242, %dma_start3A_243, %dma_start3A_244] : memref<4x96x64xf32, #tpu.memory_space<vmem>> -> memref<1x96x64xf32, #tpu.memory_space<vmem>>
        %dma_start3A_246 = tpu.memref_squeeze %dma_start3A_245 : memref<1x96x64xf32, #tpu.memory_space<vmem>> -> memref<96x64xf32, #tpu.memory_space<vmem>>
        %dma_start3A_247 = arith.constant 0 : i32
        %dma_start3A_248 = tpu.memref_slice %arg6[%select_n3A_226, %dma_start3A_247] : memref<40x96xi32, #tpu.memory_space<vmem>> -> memref<1x96xi32, #tpu.memory_space<vmem>>
        %dma_start3A_249 = tpu.memref_squeeze %dma_start3A_248 : memref<1x96xi32, #tpu.memory_space<vmem>> -> memref<96xi32, #tpu.memory_space<vmem>>
        %dma_start3A_250 = arith.constant 0 : i32
        %dma_start3A_251 = arith.constant 0 : i32
        %dma_start3A_252 = tpu.memref_slice %arg2[%dma_start3A_250, %dma_start3A_251] : memref<10240x64xf32, #tpu.memory_space<hbm>> -> memref<10240x64xf32, #tpu.memory_space<hbm>>
        tpu.enqueue_indirect_dma source(%dma_start3A_252 : memref<10240x64xf32, #tpu.memory_space<hbm>>) target(%dma_start3A_246 : memref<96x64xf32, #tpu.memory_space<vmem>>) offsets(%dma_start3A_249 : memref<96xi32, #tpu.memory_space<vmem>>) semaphore(%arg10 : memref<!tpu.dma_semaphore, #tpu.memory_space<semaphore_mem>>)
      } else {
      }
      %jit3A_172 = arith.constant 40 : i32
      %eq3A_173 = arith.constant 0 : i32
      %eq3A_174 = arith.cmpi eq, %jit3A_172, %eq3A_173 : i32
      %jit3A_175 = arith.constant 1 : i32
      %select_n3A_176 = arith.select %eq3A_174, %jit3A_175, %jit3A_172 : i32
      %rem3A_177 = arith.remsi %while3A_107, %select_n3A_176 : i32
      %ne3A_178 = arith.constant 0 : i32
      %ne3A_179 = arith.cmpi ne, %rem3A_177, %ne3A_178 : i32
      %lt3A_180 = arith.constant 0 : i32
      %lt3A_181 = arith.cmpi slt, %rem3A_177, %lt3A_180 : i32
      %lt3A_182 = arith.constant 0 : i32
      %lt3A_183 = arith.cmpi slt, %select_n3A_176, %lt3A_182 : i32
      %ne3A_184 = arith.xori %lt3A_181, %lt3A_183 : i1
      %and3A_185 = arith.andi %ne3A_184, %ne3A_179 : i1
      %add3A_186 = arith.addi %rem3A_177, %select_n3A_176 : i32
      %select_n3A_187 = arith.select %and3A_185, %add3A_186, %rem3A_177 : i32
      %eq3A_188 = arith.constant 0 : i32
      %eq3A_189 = arith.cmpi eq, %select_n3A_187, %eq3A_188 : i32
      %gt3A = arith.constant 0 : i32
      %gt3A_190 = arith.cmpi sgt, %while3A_107, %gt3A : i32
      %and3A_191 = arith.andi %eq3A_189, %gt3A_190 : i1
      %convert_element_type3A_192 = arith.extui %and3A_191 : i1 to i32
      %cond3A_193 = arith.constant 0 : i32
      %cond3A_194 = arith.cmpi ne, %convert_element_type3A_192, %cond3A_193 : i32
      scf.if %cond3A_194 {
        %add3A_211 = arith.addi %select_n3A_8, %while3A_107 : i32
        "tpu.region"() ({
          %run_scoped3A_212 = tpu.sem_alloc : memref<!tpu.dma_semaphore, #tpu.memory_space<semaphore_mem>>
          %dma_start3A_213 = arith.constant 0 : i32
          %dma_start3A_214 = tpu.memref_slice %arg4[%add3A_211, %dma_start3A_213] : memref<3440x96xi32, #tpu.memory_space<hbm>> -> memref<40x96xi32, #tpu.memory_space<hbm>>
          %dma_start3A_215 = arith.constant 0 : i32
          %dma_start3A_216 = tpu.memref_slice %arg4[%add3A_211, %dma_start3A_215] : memref<3440x96xi32, #tpu.memory_space<hbm>> -> memref<40x96xi32, #tpu.memory_space<hbm>>
          tpu.enqueue_dma source(%dma_start3A_216 : memref<40x96xi32, #tpu.memory_space<hbm>>) target(%arg7 : memref<40x96xi32, #tpu.memory_space<vmem>>) target_semaphore(%run_scoped3A_212 : memref<!tpu.dma_semaphore, #tpu.memory_space<semaphore_mem>>)
          %dma_wait3A_217 = arith.constant 0 : i32
          %dma_wait3A_218 = tpu.memref_slice %arg4[%add3A_211, %dma_wait3A_217] : memref<3440x96xi32, #tpu.memory_space<hbm>> -> memref<40x96xi32, #tpu.memory_space<hbm>>
          %dma_wait3A_219 = arith.constant 0 : i32
          %dma_wait3A_220 = tpu.memref_slice %arg4[%add3A_211, %dma_wait3A_219] : memref<3440x96xi32, #tpu.memory_space<hbm>> -> memref<40x96xi32, #tpu.memory_space<hbm>>
          tpu.wait_dma2 semaphore(%run_scoped3A_212 : memref<!tpu.dma_semaphore, #tpu.memory_space<semaphore_mem>>) src(%dma_wait3A_220 : memref<40x96xi32, #tpu.memory_space<hbm>>) dst(%arg7 : memref<40x96xi32, #tpu.memory_space<vmem>>)
          tpu.yield
        }) : () -> ()
      } else {
      }
      %jit3A_195 = arith.constant 40 : i32
      %eq3A_196 = arith.constant 0 : i32
      %eq3A_197 = arith.cmpi eq, %jit3A_195, %eq3A_196 : i32
      %jit3A_198 = arith.constant 1 : i32
      %select_n3A_199 = arith.select %eq3A_197, %jit3A_198, %jit3A_195 : i32
      %rem3A_200 = arith.remsi %while3A_107, %select_n3A_199 : i32
      %ne3A_201 = arith.constant 0 : i32
      %ne3A_202 = arith.cmpi ne, %rem3A_200, %ne3A_201 : i32
      %lt3A_203 = arith.constant 0 : i32
      %lt3A_204 = arith.cmpi slt, %rem3A_200, %lt3A_203 : i32
      %lt3A_205 = arith.constant 0 : i32
      %lt3A_206 = arith.cmpi slt, %select_n3A_199, %lt3A_205 : i32
      %ne3A_207 = arith.xori %lt3A_204, %lt3A_206 : i1
      %and3A_208 = arith.andi %ne3A_207, %ne3A_202 : i1
      %add3A_209 = arith.addi %rem3A_200, %select_n3A_199 : i32
      %select_n3A_210 = arith.select %and3A_208, %add3A_209, %rem3A_200 : i32
      "tpu.region"() ({
        %run_scoped3A_211 = tpu.sem_alloc : memref<!tpu.dma_semaphore, #tpu.memory_space<semaphore_mem>>
        %dma_start3A_212 = arith.constant 0 : i32
        %dma_start3A_213 = arith.constant 0 : i32
        %dma_start3A_214 = tpu.memref_slice %arg8[%select_n3A_119, %dma_start3A_212, %dma_start3A_213] : memref<4x96x64xf32, #tpu.memory_space<vmem>> -> memref<1x96x64xf32, #tpu.memory_space<vmem>>
        %dma_start3A_215 = tpu.memref_squeeze %dma_start3A_214 : memref<1x96x64xf32, #tpu.memory_space<vmem>> -> memref<96x64xf32, #tpu.memory_space<vmem>>
        %dma_start3A_216 = arith.constant 0 : i32
        %dma_start3A_217 = tpu.memref_slice %arg7[%select_n3A_210, %dma_start3A_216] : memref<40x96xi32, #tpu.memory_space<vmem>> -> memref<1x96xi32, #tpu.memory_space<vmem>>
        %dma_start3A_218 = tpu.memref_squeeze %dma_start3A_217 : memref<1x96xi32, #tpu.memory_space<vmem>> -> memref<96xi32, #tpu.memory_space<vmem>>
        %dma_start3A_219 = arith.constant 0 : i32
        %dma_start3A_220 = arith.constant 0 : i32
        %dma_start3A_221 = tpu.memref_slice %arg9[%dma_start3A_219, %dma_start3A_220] : memref<10240x64xf32, #tpu.memory_space<vmem_shared>> -> memref<10240x64xf32, #tpu.memory_space<vmem_shared>>
        tpu.enqueue_indirect_dma source(%dma_start3A_215 : memref<96x64xf32, #tpu.memory_space<vmem>>) target(%dma_start3A_221 : memref<10240x64xf32, #tpu.memory_space<vmem_shared>>) offsets(%dma_start3A_218 : memref<96xi32, #tpu.memory_space<vmem>>) semaphore(%run_scoped3A_211 : memref<!tpu.dma_semaphore, #tpu.memory_space<semaphore_mem>>) {add = true}
        %dma_wait3A_222 = arith.constant 0 : i32
        %dma_wait3A_223 = arith.constant 0 : i32
        %dma_wait3A_224 = tpu.memref_slice %arg8[%select_n3A_119, %dma_wait3A_222, %dma_wait3A_223] : memref<4x96x64xf32, #tpu.memory_space<vmem>> -> memref<1x96x64xf32, #tpu.memory_space<vmem>>
        %dma_wait3A_225 = tpu.memref_squeeze %dma_wait3A_224 : memref<1x96x64xf32, #tpu.memory_space<vmem>> -> memref<96x64xf32, #tpu.memory_space<vmem>>
        %dma_wait3A_226 = arith.constant 0 : i32
        %dma_wait3A_227 = tpu.memref_slice %arg7[%select_n3A_210, %dma_wait3A_226] : memref<40x96xi32, #tpu.memory_space<vmem>> -> memref<1x96xi32, #tpu.memory_space<vmem>>
        %dma_wait3A_228 = tpu.memref_squeeze %dma_wait3A_227 : memref<1x96xi32, #tpu.memory_space<vmem>> -> memref<96xi32, #tpu.memory_space<vmem>>
        %dma_wait3A_229 = arith.constant 0 : i32
        %dma_wait3A_230 = arith.constant 0 : i32
        %dma_wait3A_231 = tpu.memref_slice %arg9[%dma_wait3A_229, %dma_wait3A_230] : memref<10240x64xf32, #tpu.memory_space<vmem_shared>> -> memref<10240x64xf32, #tpu.memory_space<vmem_shared>>
        tpu.wait_indirect_dma semaphore(%run_scoped3A_211 : memref<!tpu.dma_semaphore, #tpu.memory_space<semaphore_mem>>) src(%dma_wait3A_225 : memref<96x64xf32, #tpu.memory_space<vmem>>) dst(%dma_wait3A_231 : memref<10240x64xf32, #tpu.memory_space<vmem_shared>>)
        tpu.yield
      }) : () -> ()
    }
    %while3A_77 = arith.constant 1 : i32
    scf.for %while3A_107 = %while3A_75 to %while3A_71 step %while3A_77  : i32 {
      %jit3A_108 = arith.constant 4 : i32
      %eq3A_109 = arith.constant 0 : i32
      %eq3A_110 = arith.cmpi eq, %jit3A_108, %eq3A_109 : i32
      %jit3A_111 = arith.constant 1 : i32
      %select_n3A_112 = arith.select %eq3A_110, %jit3A_111, %jit3A_108 : i32
      %rem3A = arith.remsi %while3A_107, %select_n3A_112 : i32
      %ne3A = arith.constant 0 : i32
      %ne3A_113 = arith.cmpi ne, %rem3A, %ne3A : i32
      %lt3A = arith.constant 0 : i32
      %lt3A_114 = arith.cmpi slt, %rem3A, %lt3A : i32
      %lt3A_115 = arith.constant 0 : i32
      %lt3A_116 = arith.cmpi slt, %select_n3A_112, %lt3A_115 : i32
      %ne3A_117 = arith.xori %lt3A_114, %lt3A_116 : i1
      %and3A = arith.andi %ne3A_117, %ne3A_113 : i1
      %add3A_118 = arith.addi %rem3A, %select_n3A_112 : i32
      %select_n3A_119 = arith.select %and3A, %add3A_118, %rem3A : i32
      %jit3A_120 = arith.constant 40 : i32
      %eq3A_121 = arith.constant 0 : i32
      %eq3A_122 = arith.cmpi eq, %jit3A_120, %eq3A_121 : i32
      %jit3A_123 = arith.constant 1 : i32
      %select_n3A_124 = arith.select %eq3A_122, %jit3A_123, %jit3A_120 : i32
      %rem3A_125 = arith.remsi %while3A_107, %select_n3A_124 : i32
      %ne3A_126 = arith.constant 0 : i32
      %ne3A_127 = arith.cmpi ne, %rem3A_125, %ne3A_126 : i32
      %lt3A_128 = arith.constant 0 : i32
      %lt3A_129 = arith.cmpi slt, %rem3A_125, %lt3A_128 : i32
      %lt3A_130 = arith.constant 0 : i32
      %lt3A_131 = arith.cmpi slt, %select_n3A_124, %lt3A_130 : i32
      %ne3A_132 = arith.xori %lt3A_129, %lt3A_131 : i1
      %and3A_133 = arith.andi %ne3A_132, %ne3A_127 : i1
      %add3A_134 = arith.addi %rem3A_125, %select_n3A_124 : i32
      %select_n3A_135 = arith.select %and3A_133, %add3A_134, %rem3A_125 : i32
      %dma_wait3A = arith.constant 0 : i32
      %dma_wait3A_136 = arith.constant 0 : i32
      %dma_wait3A_137 = tpu.memref_slice %arg8[%select_n3A_119, %dma_wait3A, %dma_wait3A_136] : memref<4x96x64xf32, #tpu.memory_space<vmem>> -> memref<1x96x64xf32, #tpu.memory_space<vmem>>
      %dma_wait3A_138 = tpu.memref_squeeze %dma_wait3A_137 : memref<1x96x64xf32, #tpu.memory_space<vmem>> -> memref<96x64xf32, #tpu.memory_space<vmem>>
      %dma_wait3A_139 = arith.constant 0 : i32
      %dma_wait3A_140 = tpu.memref_slice %arg6[%select_n3A_135, %dma_wait3A_139] : memref<40x96xi32, #tpu.memory_space<vmem>> -> memref<1x96xi32, #tpu.memory_space<vmem>>
      %dma_wait3A_141 = tpu.memref_squeeze %dma_wait3A_140 : memref<1x96xi32, #tpu.memory_space<vmem>> -> memref<96xi32, #tpu.memory_space<vmem>>
      %dma_wait3A_142 = arith.constant 0 : i32
      %dma_wait3A_143 = arith.constant 0 : i32
      %dma_wait3A_144 = tpu.memref_slice %arg2[%dma_wait3A_142, %dma_wait3A_143] : memref<10240x64xf32, #tpu.memory_space<hbm>> -> memref<10240x64xf32, #tpu.memory_space<hbm>>
      tpu.wait_indirect_dma semaphore(%arg10 : memref<!tpu.dma_semaphore, #tpu.memory_space<semaphore_mem>>) src(%dma_wait3A_144 : memref<10240x64xf32, #tpu.memory_space<hbm>>) dst(%dma_wait3A_138 : memref<96x64xf32, #tpu.memory_space<vmem>>)
      %add3A_145 = arith.constant 3 : i32
      %add3A_146 = arith.addi %while3A_107, %add3A_145 : i32
      %lt3A_147 = arith.cmpi slt, %add3A_146, %select_n3A : i32
      %jit3A_148 = arith.constant 40 : i32
      %eq3A_149 = arith.constant 0 : i32
      %eq3A_150 = arith.cmpi eq, %jit3A_148, %eq3A_149 : i32
      %jit3A_151 = arith.constant 1 : i32
      %select_n3A_152 = arith.select %eq3A_150, %jit3A_151, %jit3A_148 : i32
      %rem3A_153 = arith.remsi %add3A_146, %select_n3A_152 : i32
      %ne3A_154 = arith.constant 0 : i32
      %ne3A_155 = arith.cmpi ne, %rem3A_153, %ne3A_154 : i32
      %lt3A_156 = arith.constant 0 : i32
      %lt3A_157 = arith.cmpi slt, %rem3A_153, %lt3A_156 : i32
      %lt3A_158 = arith.constant 0 : i32
      %lt3A_159 = arith.cmpi slt, %select_n3A_152, %lt3A_158 : i32
      %ne3A_160 = arith.xori %lt3A_157, %lt3A_159 : i1
      %and3A_161 = arith.andi %ne3A_160, %ne3A_155 : i1
      %add3A_162 = arith.addi %rem3A_153, %select_n3A_152 : i32
      %select_n3A_163 = arith.select %and3A_161, %add3A_162, %rem3A_153 : i32
      %eq3A_164 = arith.constant 0 : i32
      %eq3A_165 = arith.cmpi eq, %select_n3A_163, %eq3A_164 : i32
      %and3A_166 = arith.andi %lt3A_147, %eq3A_165 : i1
      %convert_element_type3A = arith.extui %and3A_166 : i1 to i32
      %cond3A = arith.constant 0 : i32
      %cond3A_167 = arith.cmpi ne, %convert_element_type3A, %cond3A : i32
      scf.if %cond3A_167 {
        %add3A_211 = arith.addi %select_n3A_8, %add3A_146 : i32
        "tpu.region"() ({
          %run_scoped3A_212 = tpu.sem_alloc : memref<!tpu.dma_semaphore, #tpu.memory_space<semaphore_mem>>
          %dma_start3A_213 = arith.constant 0 : i32
          %dma_start3A_214 = tpu.memref_slice %arg3[%add3A_211, %dma_start3A_213] : memref<3440x96xi32, #tpu.memory_space<hbm>> -> memref<40x96xi32, #tpu.memory_space<hbm>>
          %dma_start3A_215 = arith.constant 0 : i32
          %dma_start3A_216 = tpu.memref_slice %arg3[%add3A_211, %dma_start3A_215] : memref<3440x96xi32, #tpu.memory_space<hbm>> -> memref<40x96xi32, #tpu.memory_space<hbm>>
          tpu.enqueue_dma source(%dma_start3A_216 : memref<40x96xi32, #tpu.memory_space<hbm>>) target(%arg6 : memref<40x96xi32, #tpu.memory_space<vmem>>) target_semaphore(%run_scoped3A_212 : memref<!tpu.dma_semaphore, #tpu.memory_space<semaphore_mem>>)
          %dma_wait3A_217 = arith.constant 0 : i32
          %dma_wait3A_218 = tpu.memref_slice %arg3[%add3A_211, %dma_wait3A_217] : memref<3440x96xi32, #tpu.memory_space<hbm>> -> memref<40x96xi32, #tpu.memory_space<hbm>>
          %dma_wait3A_219 = arith.constant 0 : i32
          %dma_wait3A_220 = tpu.memref_slice %arg3[%add3A_211, %dma_wait3A_219] : memref<3440x96xi32, #tpu.memory_space<hbm>> -> memref<40x96xi32, #tpu.memory_space<hbm>>
          tpu.wait_dma2 semaphore(%run_scoped3A_212 : memref<!tpu.dma_semaphore, #tpu.memory_space<semaphore_mem>>) src(%dma_wait3A_220 : memref<40x96xi32, #tpu.memory_space<hbm>>) dst(%arg6 : memref<40x96xi32, #tpu.memory_space<vmem>>)
          tpu.yield
        }) : () -> ()
      } else {
      }
      %lt3A_168 = arith.cmpi slt, %add3A_146, %select_n3A : i32
      %convert_element_type3A_169 = arith.extui %lt3A_168 : i1 to i32
      %cond3A_170 = arith.constant 0 : i32
      %cond3A_171 = arith.cmpi ne, %convert_element_type3A_169, %cond3A_170 : i32
      scf.if %cond3A_171 {
        %jit3A_211 = arith.constant 40 : i32
        %eq3A_212 = arith.constant 0 : i32
        %eq3A_213 = arith.cmpi eq, %jit3A_211, %eq3A_212 : i32
        %jit3A_214 = arith.constant 1 : i32
        %select_n3A_215 = arith.select %eq3A_213, %jit3A_214, %jit3A_211 : i32
        %rem3A_216 = arith.remsi %add3A_146, %select_n3A_215 : i32
        %ne3A_217 = arith.constant 0 : i32
        %ne3A_218 = arith.cmpi ne, %rem3A_216, %ne3A_217 : i32
        %lt3A_219 = arith.constant 0 : i32
        %lt3A_220 = arith.cmpi slt, %rem3A_216, %lt3A_219 : i32
        %lt3A_221 = arith.constant 0 : i32
        %lt3A_222 = arith.cmpi slt, %select_n3A_215, %lt3A_221 : i32
        %ne3A_223 = arith.xori %lt3A_220, %lt3A_222 : i1
        %and3A_224 = arith.andi %ne3A_223, %ne3A_218 : i1
        %add3A_225 = arith.addi %rem3A_216, %select_n3A_215 : i32
        %select_n3A_226 = arith.select %and3A_224, %add3A_225, %rem3A_216 : i32
        %jit3A_227 = arith.constant 4 : i32
        %eq3A_228 = arith.constant 0 : i32
        %eq3A_229 = arith.cmpi eq, %jit3A_227, %eq3A_228 : i32
        %jit3A_230 = arith.constant 1 : i32
        %select_n3A_231 = arith.select %eq3A_229, %jit3A_230, %jit3A_227 : i32
        %rem3A_232 = arith.remsi %add3A_146, %select_n3A_231 : i32
        %ne3A_233 = arith.constant 0 : i32
        %ne3A_234 = arith.cmpi ne, %rem3A_232, %ne3A_233 : i32
        %lt3A_235 = arith.constant 0 : i32
        %lt3A_236 = arith.cmpi slt, %rem3A_232, %lt3A_235 : i32
        %lt3A_237 = arith.constant 0 : i32
        %lt3A_238 = arith.cmpi slt, %select_n3A_231, %lt3A_237 : i32
        %ne3A_239 = arith.xori %lt3A_236, %lt3A_238 : i1
        %and3A_240 = arith.andi %ne3A_239, %ne3A_234 : i1
        %add3A_241 = arith.addi %rem3A_232, %select_n3A_231 : i32
        %select_n3A_242 = arith.select %and3A_240, %add3A_241, %rem3A_232 : i32
        %dma_start3A_243 = arith.constant 0 : i32
        %dma_start3A_244 = arith.constant 0 : i32
        %dma_start3A_245 = tpu.memref_slice %arg8[%select_n3A_242, %dma_start3A_243, %dma_start3A_244] : memref<4x96x64xf32, #tpu.memory_space<vmem>> -> memref<1x96x64xf32, #tpu.memory_space<vmem>>
        %dma_start3A_246 = tpu.memref_squeeze %dma_start3A_245 : memref<1x96x64xf32, #tpu.memory_space<vmem>> -> memref<96x64xf32, #tpu.memory_space<vmem>>
        %dma_start3A_247 = arith.constant 0 : i32
        %dma_start3A_248 = tpu.memref_slice %arg6[%select_n3A_226, %dma_start3A_247] : memref<40x96xi32, #tpu.memory_space<vmem>> -> memref<1x96xi32, #tpu.memory_space<vmem>>
        %dma_start3A_249 = tpu.memref_squeeze %dma_start3A_248 : memref<1x96xi32, #tpu.memory_space<vmem>> -> memref<96xi32, #tpu.memory_space<vmem>>
        %dma_start3A_250 = arith.constant 0 : i32
        %dma_start3A_251 = arith.constant 0 : i32
        %dma_start3A_252 = tpu.memref_slice %arg2[%dma_start3A_250, %dma_start3A_251] : memref<10240x64xf32, #tpu.memory_space<hbm>> -> memref<10240x64xf32, #tpu.memory_space<hbm>>
        tpu.enqueue_indirect_dma source(%dma_start3A_252 : memref<10240x64xf32, #tpu.memory_space<hbm>>) target(%dma_start3A_246 : memref<96x64xf32, #tpu.memory_space<vmem>>) offsets(%dma_start3A_249 : memref<96xi32, #tpu.memory_space<vmem>>) semaphore(%arg10 : memref<!tpu.dma_semaphore, #tpu.memory_space<semaphore_mem>>)
      } else {
      }
      %jit3A_172 = arith.constant 40 : i32
      %eq3A_173 = arith.constant 0 : i32
      %eq3A_174 = arith.cmpi eq, %jit3A_172, %eq3A_173 : i32
      %jit3A_175 = arith.constant 1 : i32
      %select_n3A_176 = arith.select %eq3A_174, %jit3A_175, %jit3A_172 : i32
      %rem3A_177 = arith.remsi %while3A_107, %select_n3A_176 : i32
      %ne3A_178 = arith.constant 0 : i32
      %ne3A_179 = arith.cmpi ne, %rem3A_177, %ne3A_178 : i32
      %lt3A_180 = arith.constant 0 : i32
      %lt3A_181 = arith.cmpi slt, %rem3A_177, %lt3A_180 : i32
      %lt3A_182 = arith.constant 0 : i32
      %lt3A_183 = arith.cmpi slt, %select_n3A_176, %lt3A_182 : i32
      %ne3A_184 = arith.xori %lt3A_181, %lt3A_183 : i1
      %and3A_185 = arith.andi %ne3A_184, %ne3A_179 : i1
      %add3A_186 = arith.addi %rem3A_177, %select_n3A_176 : i32
      %select_n3A_187 = arith.select %and3A_185, %add3A_186, %rem3A_177 : i32
      %eq3A_188 = arith.constant 0 : i32
      %eq3A_189 = arith.cmpi eq, %select_n3A_187, %eq3A_188 : i32
      %gt3A = arith.constant 0 : i32
      %gt3A_190 = arith.cmpi sgt, %while3A_107, %gt3A : i32
      %and3A_191 = arith.andi %eq3A_189, %gt3A_190 : i1
      %convert_element_type3A_192 = arith.extui %and3A_191 : i1 to i32
      %cond3A_193 = arith.constant 0 : i32
      %cond3A_194 = arith.cmpi ne, %convert_element_type3A_192, %cond3A_193 : i32
      scf.if %cond3A_194 {
        %add3A_211 = arith.addi %select_n3A_8, %while3A_107 : i32
        "tpu.region"() ({
          %run_scoped3A_212 = tpu.sem_alloc : memref<!tpu.dma_semaphore, #tpu.memory_space<semaphore_mem>>
          %dma_start3A_213 = arith.constant 0 : i32
          %dma_start3A_214 = tpu.memref_slice %arg4[%add3A_211, %dma_start3A_213] : memref<3440x96xi32, #tpu.memory_space<hbm>> -> memref<40x96xi32, #tpu.memory_space<hbm>>
          %dma_start3A_215 = arith.constant 0 : i32
          %dma_start3A_216 = tpu.memref_slice %arg4[%add3A_211, %dma_start3A_215] : memref<3440x96xi32, #tpu.memory_space<hbm>> -> memref<40x96xi32, #tpu.memory_space<hbm>>
          tpu.enqueue_dma source(%dma_start3A_216 : memref<40x96xi32, #tpu.memory_space<hbm>>) target(%arg7 : memref<40x96xi32, #tpu.memory_space<vmem>>) target_semaphore(%run_scoped3A_212 : memref<!tpu.dma_semaphore, #tpu.memory_space<semaphore_mem>>)
          %dma_wait3A_217 = arith.constant 0 : i32
          %dma_wait3A_218 = tpu.memref_slice %arg4[%add3A_211, %dma_wait3A_217] : memref<3440x96xi32, #tpu.memory_space<hbm>> -> memref<40x96xi32, #tpu.memory_space<hbm>>
          %dma_wait3A_219 = arith.constant 0 : i32
          %dma_wait3A_220 = tpu.memref_slice %arg4[%add3A_211, %dma_wait3A_219] : memref<3440x96xi32, #tpu.memory_space<hbm>> -> memref<40x96xi32, #tpu.memory_space<hbm>>
          tpu.wait_dma2 semaphore(%run_scoped3A_212 : memref<!tpu.dma_semaphore, #tpu.memory_space<semaphore_mem>>) src(%dma_wait3A_220 : memref<40x96xi32, #tpu.memory_space<hbm>>) dst(%arg7 : memref<40x96xi32, #tpu.memory_space<vmem>>)
          tpu.yield
        }) : () -> ()
      } else {
      }
      %jit3A_195 = arith.constant 40 : i32
      %eq3A_196 = arith.constant 0 : i32
      %eq3A_197 = arith.cmpi eq, %jit3A_195, %eq3A_196 : i32
      %jit3A_198 = arith.constant 1 : i32
      %select_n3A_199 = arith.select %eq3A_197, %jit3A_198, %jit3A_195 : i32
      %rem3A_200 = arith.remsi %while3A_107, %select_n3A_199 : i32
      %ne3A_201 = arith.constant 0 : i32
      %ne3A_202 = arith.cmpi ne, %rem3A_200, %ne3A_201 : i32
      %lt3A_203 = arith.constant 0 : i32
      %lt3A_204 = arith.cmpi slt, %rem3A_200, %lt3A_203 : i32
      %lt3A_205 = arith.constant 0 : i32
      %lt3A_206 = arith.cmpi slt, %select_n3A_199, %lt3A_205 : i32
      %ne3A_207 = arith.xori %lt3A_204, %lt3A_206 : i1
      %and3A_208 = arith.andi %ne3A_207, %ne3A_202 : i1
      %add3A_209 = arith.addi %rem3A_200, %select_n3A_199 : i32
      %select_n3A_210 = arith.select %and3A_208, %add3A_209, %rem3A_200 : i32
      "tpu.region"() ({
        %run_scoped3A_211 = tpu.sem_alloc : memref<!tpu.dma_semaphore, #tpu.memory_space<semaphore_mem>>
        %dma_start3A_212 = arith.constant 0 : i32
        %dma_start3A_213 = arith.constant 0 : i32
        %dma_start3A_214 = tpu.memref_slice %arg8[%select_n3A_119, %dma_start3A_212, %dma_start3A_213] : memref<4x96x64xf32, #tpu.memory_space<vmem>> -> memref<1x96x64xf32, #tpu.memory_space<vmem>>
        %dma_start3A_215 = tpu.memref_squeeze %dma_start3A_214 : memref<1x96x64xf32, #tpu.memory_space<vmem>> -> memref<96x64xf32, #tpu.memory_space<vmem>>
        %dma_start3A_216 = arith.constant 0 : i32
        %dma_start3A_217 = tpu.memref_slice %arg7[%select_n3A_210, %dma_start3A_216] : memref<40x96xi32, #tpu.memory_space<vmem>> -> memref<1x96xi32, #tpu.memory_space<vmem>>
        %dma_start3A_218 = tpu.memref_squeeze %dma_start3A_217 : memref<1x96xi32, #tpu.memory_space<vmem>> -> memref<96xi32, #tpu.memory_space<vmem>>
        %dma_start3A_219 = arith.constant 0 : i32
        %dma_start3A_220 = arith.constant 0 : i32
        %dma_start3A_221 = tpu.memref_slice %arg9[%dma_start3A_219, %dma_start3A_220] : memref<10240x64xf32, #tpu.memory_space<vmem_shared>> -> memref<10240x64xf32, #tpu.memory_space<vmem_shared>>
        tpu.enqueue_indirect_dma source(%dma_start3A_215 : memref<96x64xf32, #tpu.memory_space<vmem>>) target(%dma_start3A_221 : memref<10240x64xf32, #tpu.memory_space<vmem_shared>>) offsets(%dma_start3A_218 : memref<96xi32, #tpu.memory_space<vmem>>) semaphore(%run_scoped3A_211 : memref<!tpu.dma_semaphore, #tpu.memory_space<semaphore_mem>>) {add = true}
        %dma_wait3A_222 = arith.constant 0 : i32
        %dma_wait3A_223 = arith.constant 0 : i32
        %dma_wait3A_224 = tpu.memref_slice %arg8[%select_n3A_119, %dma_wait3A_222, %dma_wait3A_223] : memref<4x96x64xf32, #tpu.memory_space<vmem>> -> memref<1x96x64xf32, #tpu.memory_space<vmem>>
        %dma_wait3A_225 = tpu.memref_squeeze %dma_wait3A_224 : memref<1x96x64xf32, #tpu.memory_space<vmem>> -> memref<96x64xf32, #tpu.memory_space<vmem>>
        %dma_wait3A_226 = arith.constant 0 : i32
        %dma_wait3A_227 = tpu.memref_slice %arg7[%select_n3A_210, %dma_wait3A_226] : memref<40x96xi32, #tpu.memory_space<vmem>> -> memref<1x96xi32, #tpu.memory_space<vmem>>
        %dma_wait3A_228 = tpu.memref_squeeze %dma_wait3A_227 : memref<1x96xi32, #tpu.memory_space<vmem>> -> memref<96xi32, #tpu.memory_space<vmem>>
        %dma_wait3A_229 = arith.constant 0 : i32
        %dma_wait3A_230 = arith.constant 0 : i32
        %dma_wait3A_231 = tpu.memref_slice %arg9[%dma_wait3A_229, %dma_wait3A_230] : memref<10240x64xf32, #tpu.memory_space<vmem_shared>> -> memref<10240x64xf32, #tpu.memory_space<vmem_shared>>
        tpu.wait_indirect_dma semaphore(%run_scoped3A_211 : memref<!tpu.dma_semaphore, #tpu.memory_space<semaphore_mem>>) src(%dma_wait3A_225 : memref<96x64xf32, #tpu.memory_space<vmem>>) dst(%dma_wait3A_231 : memref<10240x64xf32, #tpu.memory_space<vmem_shared>>)
        tpu.yield
      }) : () -> ()
    }
    %barrier3A_78 = arith.constant 0 : index
    tpu.barrier barrier_id(%barrier3A_78)
    %add3A_79 = arith.constant 0 : i32
    %add3A_80 = arith.addi %mul3A_0, %add3A_79 : i32
    %add3A_81 = arith.constant 0 : i32
    %add3A_82 = arith.addi %mul3A_0, %add3A_81 : i32
    "tpu.region"() ({
      %run_scoped3A_107 = tpu.sem_alloc : memref<!tpu.dma_semaphore, #tpu.memory_space<semaphore_mem>>
      %dma_start3A_108 = arith.constant 0 : i32
      %dma_start3A_109 = tpu.memref_slice %arg5[%arg0, %add3A_82, %dma_start3A_108] : memref<2x10240x64xf32, #tpu.memory_space<hbm>> -> memref<1x96x64xf32, #tpu.memory_space<hbm>>
      %dma_start3A_110 = tpu.memref_squeeze %dma_start3A_109 : memref<1x96x64xf32, #tpu.memory_space<hbm>> -> memref<96x64xf32, #tpu.memory_space<hbm>>
      %dma_start3A_111 = arith.constant 0 : i32
      %dma_start3A_112 = tpu.memref_slice %arg9[%add3A_80, %dma_start3A_111] : memref<10240x64xf32, #tpu.memory_space<vmem_shared>> -> memref<96x64xf32, #tpu.memory_space<vmem_shared>>
      tpu.enqueue_dma source(%dma_start3A_112 : memref<96x64xf32, #tpu.memory_space<vmem_shared>>) target(%dma_start3A_110 : memref<96x64xf32, #tpu.memory_space<hbm>>) target_semaphore(%run_scoped3A_107 : memref<!tpu.dma_semaphore, #tpu.memory_space<semaphore_mem>>)
      %dma_wait3A = arith.constant 0 : i32
      %dma_wait3A_113 = tpu.memref_slice %arg5[%arg0, %add3A_82, %dma_wait3A] : memref<2x10240x64xf32, #tpu.memory_space<hbm>> -> memref<1x96x64xf32, #tpu.memory_space<hbm>>
      %dma_wait3A_114 = tpu.memref_squeeze %dma_wait3A_113 : memref<1x96x64xf32, #tpu.memory_space<hbm>> -> memref<96x64xf32, #tpu.memory_space<hbm>>
      %dma_wait3A_115 = arith.constant 0 : i32
      %dma_wait3A_116 = tpu.memref_slice %arg9[%add3A_80, %dma_wait3A_115] : memref<10240x64xf32, #tpu.memory_space<vmem_shared>> -> memref<96x64xf32, #tpu.memory_space<vmem_shared>>
      tpu.wait_dma2 semaphore(%run_scoped3A_107 : memref<!tpu.dma_semaphore, #tpu.memory_space<semaphore_mem>>) src(%dma_wait3A_116 : memref<96x64xf32, #tpu.memory_space<vmem_shared>>) dst(%dma_wait3A_114 : memref<96x64xf32, #tpu.memory_space<hbm>>)
      tpu.yield
    }) : () -> ()
    %add3A_83 = arith.constant 96 : i32
    %add3A_84 = arith.addi %mul3A_0, %add3A_83 : i32
    %add3A_85 = arith.constant 96 : i32
    %add3A_86 = arith.addi %mul3A_0, %add3A_85 : i32
    "tpu.region"() ({
      %run_scoped3A_107 = tpu.sem_alloc : memref<!tpu.dma_semaphore, #tpu.memory_space<semaphore_mem>>
      %dma_start3A_108 = arith.constant 0 : i32
      %dma_start3A_109 = tpu.memref_slice %arg5[%arg0, %add3A_86, %dma_start3A_108] : memref<2x10240x64xf32, #tpu.memory_space<hbm>> -> memref<1x96x64xf32, #tpu.memory_space<hbm>>
      %dma_start3A_110 = tpu.memref_squeeze %dma_start3A_109 : memref<1x96x64xf32, #tpu.memory_space<hbm>> -> memref<96x64xf32, #tpu.memory_space<hbm>>
      %dma_start3A_111 = arith.constant 0 : i32
      %dma_start3A_112 = tpu.memref_slice %arg9[%add3A_84, %dma_start3A_111] : memref<10240x64xf32, #tpu.memory_space<vmem_shared>> -> memref<96x64xf32, #tpu.memory_space<vmem_shared>>
      tpu.enqueue_dma source(%dma_start3A_112 : memref<96x64xf32, #tpu.memory_space<vmem_shared>>) target(%dma_start3A_110 : memref<96x64xf32, #tpu.memory_space<hbm>>) target_semaphore(%run_scoped3A_107 : memref<!tpu.dma_semaphore, #tpu.memory_space<semaphore_mem>>)
      %dma_wait3A = arith.constant 0 : i32
      %dma_wait3A_113 = tpu.memref_slice %arg5[%arg0, %add3A_86, %dma_wait3A] : memref<2x10240x64xf32, #tpu.memory_space<hbm>> -> memref<1x96x64xf32, #tpu.memory_space<hbm>>
      %dma_wait3A_114 = tpu.memref_squeeze %dma_wait3A_113 : memref<1x96x64xf32, #tpu.memory_space<hbm>> -> memref<96x64xf32, #tpu.memory_space<hbm>>
      %dma_wait3A_115 = arith.constant 0 : i32
      %dma_wait3A_116 = tpu.memref_slice %arg9[%add3A_84, %dma_wait3A_115] : memref<10240x64xf32, #tpu.memory_space<vmem_shared>> -> memref<96x64xf32, #tpu.memory_space<vmem_shared>>
      tpu.wait_dma2 semaphore(%run_scoped3A_107 : memref<!tpu.dma_semaphore, #tpu.memory_space<semaphore_mem>>) src(%dma_wait3A_116 : memref<96x64xf32, #tpu.memory_space<vmem_shared>>) dst(%dma_wait3A_114 : memref<96x64xf32, #tpu.memory_space<hbm>>)
      tpu.yield
    }) : () -> ()
    %add3A_87 = arith.constant 192 : i32
    %add3A_88 = arith.addi %mul3A_0, %add3A_87 : i32
    %add3A_89 = arith.constant 192 : i32
    %add3A_90 = arith.addi %mul3A_0, %add3A_89 : i32
    "tpu.region"() ({
      %run_scoped3A_107 = tpu.sem_alloc : memref<!tpu.dma_semaphore, #tpu.memory_space<semaphore_mem>>
      %dma_start3A_108 = arith.constant 0 : i32
      %dma_start3A_109 = tpu.memref_slice %arg5[%arg0, %add3A_90, %dma_start3A_108] : memref<2x10240x64xf32, #tpu.memory_space<hbm>> -> memref<1x96x64xf32, #tpu.memory_space<hbm>>
      %dma_start3A_110 = tpu.memref_squeeze %dma_start3A_109 : memref<1x96x64xf32, #tpu.memory_space<hbm>> -> memref<96x64xf32, #tpu.memory_space<hbm>>
      %dma_start3A_111 = arith.constant 0 : i32
      %dma_start3A_112 = tpu.memref_slice %arg9[%add3A_88, %dma_start3A_111] : memref<10240x64xf32, #tpu.memory_space<vmem_shared>> -> memref<96x64xf32, #tpu.memory_space<vmem_shared>>
      tpu.enqueue_dma source(%dma_start3A_112 : memref<96x64xf32, #tpu.memory_space<vmem_shared>>) target(%dma_start3A_110 : memref<96x64xf32, #tpu.memory_space<hbm>>) target_semaphore(%run_scoped3A_107 : memref<!tpu.dma_semaphore, #tpu.memory_space<semaphore_mem>>)
      %dma_wait3A = arith.constant 0 : i32
      %dma_wait3A_113 = tpu.memref_slice %arg5[%arg0, %add3A_90, %dma_wait3A] : memref<2x10240x64xf32, #tpu.memory_space<hbm>> -> memref<1x96x64xf32, #tpu.memory_space<hbm>>
      %dma_wait3A_114 = tpu.memref_squeeze %dma_wait3A_113 : memref<1x96x64xf32, #tpu.memory_space<hbm>> -> memref<96x64xf32, #tpu.memory_space<hbm>>
      %dma_wait3A_115 = arith.constant 0 : i32
      %dma_wait3A_116 = tpu.memref_slice %arg9[%add3A_88, %dma_wait3A_115] : memref<10240x64xf32, #tpu.memory_space<vmem_shared>> -> memref<96x64xf32, #tpu.memory_space<vmem_shared>>
      tpu.wait_dma2 semaphore(%run_scoped3A_107 : memref<!tpu.dma_semaphore, #tpu.memory_space<semaphore_mem>>) src(%dma_wait3A_116 : memref<96x64xf32, #tpu.memory_space<vmem_shared>>) dst(%dma_wait3A_114 : memref<96x64xf32, #tpu.memory_space<hbm>>)
      tpu.yield
    }) : () -> ()
    %add3A_91 = arith.constant 288 : i32
    %add3A_92 = arith.addi %mul3A_0, %add3A_91 : i32
    %add3A_93 = arith.constant 288 : i32
    %add3A_94 = arith.addi %mul3A_0, %add3A_93 : i32
    "tpu.region"() ({
      %run_scoped3A_107 = tpu.sem_alloc : memref<!tpu.dma_semaphore, #tpu.memory_space<semaphore_mem>>
      %dma_start3A_108 = arith.constant 0 : i32
      %dma_start3A_109 = tpu.memref_slice %arg5[%arg0, %add3A_94, %dma_start3A_108] : memref<2x10240x64xf32, #tpu.memory_space<hbm>> -> memref<1x96x64xf32, #tpu.memory_space<hbm>>
      %dma_start3A_110 = tpu.memref_squeeze %dma_start3A_109 : memref<1x96x64xf32, #tpu.memory_space<hbm>> -> memref<96x64xf32, #tpu.memory_space<hbm>>
      %dma_start3A_111 = arith.constant 0 : i32
      %dma_start3A_112 = tpu.memref_slice %arg9[%add3A_92, %dma_start3A_111] : memref<10240x64xf32, #tpu.memory_space<vmem_shared>> -> memref<96x64xf32, #tpu.memory_space<vmem_shared>>
      tpu.enqueue_dma source(%dma_start3A_112 : memref<96x64xf32, #tpu.memory_space<vmem_shared>>) target(%dma_start3A_110 : memref<96x64xf32, #tpu.memory_space<hbm>>) target_semaphore(%run_scoped3A_107 : memref<!tpu.dma_semaphore, #tpu.memory_space<semaphore_mem>>)
      %dma_wait3A = arith.constant 0 : i32
      %dma_wait3A_113 = tpu.memref_slice %arg5[%arg0, %add3A_94, %dma_wait3A] : memref<2x10240x64xf32, #tpu.memory_space<hbm>> -> memref<1x96x64xf32, #tpu.memory_space<hbm>>
      %dma_wait3A_114 = tpu.memref_squeeze %dma_wait3A_113 : memref<1x96x64xf32, #tpu.memory_space<hbm>> -> memref<96x64xf32, #tpu.memory_space<hbm>>
      %dma_wait3A_115 = arith.constant 0 : i32
      %dma_wait3A_116 = tpu.memref_slice %arg9[%add3A_92, %dma_wait3A_115] : memref<10240x64xf32, #tpu.memory_space<vmem_shared>> -> memref<96x64xf32, #tpu.memory_space<vmem_shared>>
      tpu.wait_dma2 semaphore(%run_scoped3A_107 : memref<!tpu.dma_semaphore, #tpu.memory_space<semaphore_mem>>) src(%dma_wait3A_116 : memref<96x64xf32, #tpu.memory_space<vmem_shared>>) dst(%dma_wait3A_114 : memref<96x64xf32, #tpu.memory_space<hbm>>)
      tpu.yield
    }) : () -> ()
    %add3A_95 = arith.constant 384 : i32
    %add3A_96 = arith.addi %mul3A_0, %add3A_95 : i32
    %add3A_97 = arith.constant 384 : i32
    %add3A_98 = arith.addi %mul3A_0, %add3A_97 : i32
    "tpu.region"() ({
      %run_scoped3A_107 = tpu.sem_alloc : memref<!tpu.dma_semaphore, #tpu.memory_space<semaphore_mem>>
      %dma_start3A_108 = arith.constant 0 : i32
      %dma_start3A_109 = tpu.memref_slice %arg5[%arg0, %add3A_98, %dma_start3A_108] : memref<2x10240x64xf32, #tpu.memory_space<hbm>> -> memref<1x96x64xf32, #tpu.memory_space<hbm>>
      %dma_start3A_110 = tpu.memref_squeeze %dma_start3A_109 : memref<1x96x64xf32, #tpu.memory_space<hbm>> -> memref<96x64xf32, #tpu.memory_space<hbm>>
      %dma_start3A_111 = arith.constant 0 : i32
      %dma_start3A_112 = tpu.memref_slice %arg9[%add3A_96, %dma_start3A_111] : memref<10240x64xf32, #tpu.memory_space<vmem_shared>> -> memref<96x64xf32, #tpu.memory_space<vmem_shared>>
      tpu.enqueue_dma source(%dma_start3A_112 : memref<96x64xf32, #tpu.memory_space<vmem_shared>>) target(%dma_start3A_110 : memref<96x64xf32, #tpu.memory_space<hbm>>) target_semaphore(%run_scoped3A_107 : memref<!tpu.dma_semaphore, #tpu.memory_space<semaphore_mem>>)
      %dma_wait3A = arith.constant 0 : i32
      %dma_wait3A_113 = tpu.memref_slice %arg5[%arg0, %add3A_98, %dma_wait3A] : memref<2x10240x64xf32, #tpu.memory_space<hbm>> -> memref<1x96x64xf32, #tpu.memory_space<hbm>>
      %dma_wait3A_114 = tpu.memref_squeeze %dma_wait3A_113 : memref<1x96x64xf32, #tpu.memory_space<hbm>> -> memref<96x64xf32, #tpu.memory_space<hbm>>
      %dma_wait3A_115 = arith.constant 0 : i32
      %dma_wait3A_116 = tpu.memref_slice %arg9[%add3A_96, %dma_wait3A_115] : memref<10240x64xf32, #tpu.memory_space<vmem_shared>> -> memref<96x64xf32, #tpu.memory_space<vmem_shared>>
      tpu.wait_dma2 semaphore(%run_scoped3A_107 : memref<!tpu.dma_semaphore, #tpu.memory_space<semaphore_mem>>) src(%dma_wait3A_116 : memref<96x64xf32, #tpu.memory_space<vmem_shared>>) dst(%dma_wait3A_114 : memref<96x64xf32, #tpu.memory_space<hbm>>)
      tpu.yield
    }) : () -> ()
    %add3A_99 = arith.constant 480 : i32
    %add3A_100 = arith.addi %mul3A_0, %add3A_99 : i32
    %add3A_101 = arith.constant 480 : i32
    %add3A_102 = arith.addi %mul3A_0, %add3A_101 : i32
    "tpu.region"() ({
      %run_scoped3A_107 = tpu.sem_alloc : memref<!tpu.dma_semaphore, #tpu.memory_space<semaphore_mem>>
      %dma_start3A_108 = arith.constant 0 : i32
      %dma_start3A_109 = tpu.memref_slice %arg5[%arg0, %add3A_102, %dma_start3A_108] : memref<2x10240x64xf32, #tpu.memory_space<hbm>> -> memref<1x96x64xf32, #tpu.memory_space<hbm>>
      %dma_start3A_110 = tpu.memref_squeeze %dma_start3A_109 : memref<1x96x64xf32, #tpu.memory_space<hbm>> -> memref<96x64xf32, #tpu.memory_space<hbm>>
      %dma_start3A_111 = arith.constant 0 : i32
      %dma_start3A_112 = tpu.memref_slice %arg9[%add3A_100, %dma_start3A_111] : memref<10240x64xf32, #tpu.memory_space<vmem_shared>> -> memref<96x64xf32, #tpu.memory_space<vmem_shared>>
      tpu.enqueue_dma source(%dma_start3A_112 : memref<96x64xf32, #tpu.memory_space<vmem_shared>>) target(%dma_start3A_110 : memref<96x64xf32, #tpu.memory_space<hbm>>) target_semaphore(%run_scoped3A_107 : memref<!tpu.dma_semaphore, #tpu.memory_space<semaphore_mem>>)
      %dma_wait3A = arith.constant 0 : i32
      %dma_wait3A_113 = tpu.memref_slice %arg5[%arg0, %add3A_102, %dma_wait3A] : memref<2x10240x64xf32, #tpu.memory_space<hbm>> -> memref<1x96x64xf32, #tpu.memory_space<hbm>>
      %dma_wait3A_114 = tpu.memref_squeeze %dma_wait3A_113 : memref<1x96x64xf32, #tpu.memory_space<hbm>> -> memref<96x64xf32, #tpu.memory_space<hbm>>
      %dma_wait3A_115 = arith.constant 0 : i32
      %dma_wait3A_116 = tpu.memref_slice %arg9[%add3A_100, %dma_wait3A_115] : memref<10240x64xf32, #tpu.memory_space<vmem_shared>> -> memref<96x64xf32, #tpu.memory_space<vmem_shared>>
      tpu.wait_dma2 semaphore(%run_scoped3A_107 : memref<!tpu.dma_semaphore, #tpu.memory_space<semaphore_mem>>) src(%dma_wait3A_116 : memref<96x64xf32, #tpu.memory_space<vmem_shared>>) dst(%dma_wait3A_114 : memref<96x64xf32, #tpu.memory_space<hbm>>)
      tpu.yield
    }) : () -> ()
    %add3A_103 = arith.constant 576 : i32
    %add3A_104 = arith.addi %mul3A_0, %add3A_103 : i32
    %add3A_105 = arith.constant 576 : i32
    %add3A_106 = arith.addi %mul3A_0, %add3A_105 : i32
    "tpu.region"() ({
      %run_scoped3A_107 = tpu.sem_alloc : memref<!tpu.dma_semaphore, #tpu.memory_space<semaphore_mem>>
      %dma_start3A_108 = arith.constant 0 : i32
      %dma_start3A_109 = tpu.memref_slice %arg5[%arg0, %add3A_106, %dma_start3A_108] : memref<2x10240x64xf32, #tpu.memory_space<hbm>> -> memref<1x64x64xf32, #tpu.memory_space<hbm>>
      %dma_start3A_110 = tpu.memref_squeeze %dma_start3A_109 : memref<1x64x64xf32, #tpu.memory_space<hbm>> -> memref<64x64xf32, #tpu.memory_space<hbm>>
      %dma_start3A_111 = arith.constant 0 : i32
      %dma_start3A_112 = tpu.memref_slice %arg9[%add3A_104, %dma_start3A_111] : memref<10240x64xf32, #tpu.memory_space<vmem_shared>> -> memref<64x64xf32, #tpu.memory_space<vmem_shared>>
      tpu.enqueue_dma source(%dma_start3A_112 : memref<64x64xf32, #tpu.memory_space<vmem_shared>>) target(%dma_start3A_110 : memref<64x64xf32, #tpu.memory_space<hbm>>) target_semaphore(%run_scoped3A_107 : memref<!tpu.dma_semaphore, #tpu.memory_space<semaphore_mem>>)
      %dma_wait3A = arith.constant 0 : i32
      %dma_wait3A_113 = tpu.memref_slice %arg5[%arg0, %add3A_106, %dma_wait3A] : memref<2x10240x64xf32, #tpu.memory_space<hbm>> -> memref<1x64x64xf32, #tpu.memory_space<hbm>>
      %dma_wait3A_114 = tpu.memref_squeeze %dma_wait3A_113 : memref<1x64x64xf32, #tpu.memory_space<hbm>> -> memref<64x64xf32, #tpu.memory_space<hbm>>
      %dma_wait3A_115 = arith.constant 0 : i32
      %dma_wait3A_116 = tpu.memref_slice %arg9[%add3A_104, %dma_wait3A_115] : memref<10240x64xf32, #tpu.memory_space<vmem_shared>> -> memref<64x64xf32, #tpu.memory_space<vmem_shared>>
      tpu.wait_dma2 semaphore(%run_scoped3A_107 : memref<!tpu.dma_semaphore, #tpu.memory_space<semaphore_mem>>) src(%dma_wait3A_116 : memref<64x64xf32, #tpu.memory_space<vmem_shared>>) dst(%dma_wait3A_114 : memref<64x64xf32, #tpu.memory_space<hbm>>)
      tpu.yield
    }) : () -> ()
    return
  }
}

#map = affine_map<(d0, d1) -> (0, 0)>
#map1 = affine_map<(d0, d1) -> (0, 0, 0)>
module attributes {stable_mosaic.version = 14 : i64} {
  func.func @_deg_kernel(%arg0: i32, %arg1: i32, %arg2: memref<2560x128xi32, #tpu.memory_space<hbm>>, %arg3: memref<2x10240x16xf32, #tpu.memory_space<hbm>>, %arg4: memref<80x128xi32, #tpu.memory_space<vmem>>, %arg5: memref<128x16xf32, #tpu.memory_space<vmem>>, %arg6: memref<10240x16xf32, #tpu.memory_space<vmem_shared>>) attributes {dimension_semantics = [#tpu.dimension_semantics<core_parallel>, #tpu.dimension_semantics<subcore_parallel>], iteration_bounds = array<i64: 2, 16>, scalar_prefetch = 0 : i64, scratch_operands = 3 : i64, tpu.core_type = #tpu.core_type<sc_vector_subcore>, window_params = [{transform_indices = #map}, {transform_indices = #map1}]} {
    %mul3A = arith.constant 2 : i32
    %mul3A_0 = arith.muli %arg1, %mul3A : i32
    %add3A = arith.addi %mul3A_0, %arg0 : i32
    %mul3A_1 = arith.constant 640 : i32
    %mul3A_2 = arith.muli %arg1, %mul3A_1 : i32
    %scan3A = arith.constant 0 : i32
    %scan3A_3 = arith.constant 0 : i32
    %scan3A_4 = arith.constant 128 : i32
    %scan3A_5 = arith.addi %scan3A_3, %scan3A_4 : i32
    %scan3A_6 = arith.constant 1 : i32
    scf.for %scan3A_53 = %scan3A_3 to %scan3A_5 step %scan3A_6  : i32 {
      %broadcast_in_dim3A = arith.constant 0.000000e+00 : f32
      %broadcast_in_dim3A_54 = vector.broadcast %broadcast_in_dim3A : f32 to vector<16xf32>
      %swap3A = arith.index_cast %scan3A_53 : i32 to index
      %swap3A_55 = arith.constant 0 : index
      %swap3A_56 = tpu.vector_load %arg5[%swap3A, %swap3A_55] {strides = array<i32>} : memref<128x16xf32, #tpu.memory_space<vmem>>, vector<1x16xf32>,
      %swap3A_57 = vector.shape_cast %swap3A_56 : vector<1x16xf32> to vector<16xf32>
      %swap3A_58 = vector.shape_cast %broadcast_in_dim3A_54 : vector<16xf32> to vector<1x16xf32>
      tpu.vector_store %arg5[%swap3A, %swap3A_55], %swap3A_58 {strides = array<i32>} : memref<128x16xf32, #tpu.memory_space<vmem>>, vector<1x16xf32>,
    }
    %scan3A_7 = arith.constant 128 : i32
    %add3A_8 = arith.constant 0 : i32
    %add3A_9 = arith.addi %mul3A_2, %add3A_8 : i32
    "tpu.region"() ({
      %run_scoped3A = tpu.sem_alloc : memref<!tpu.dma_semaphore, #tpu.memory_space<semaphore_mem>>
      %dma_start3A = arith.constant 0 : i32
      %dma_start3A_53 = tpu.memref_slice %arg6[%add3A_9, %dma_start3A] : memref<10240x16xf32, #tpu.memory_space<vmem_shared>> -> memref<128x16xf32, #tpu.memory_space<vmem_shared>>
      %dma_start3A_54 = arith.constant 0 : i32
      %dma_start3A_55 = tpu.memref_slice %arg6[%add3A_9, %dma_start3A_54] : memref<10240x16xf32, #tpu.memory_space<vmem_shared>> -> memref<128x16xf32, #tpu.memory_space<vmem_shared>>
      tpu.enqueue_dma source(%arg5 : memref<128x16xf32, #tpu.memory_space<vmem>>) target(%dma_start3A_55 : memref<128x16xf32, #tpu.memory_space<vmem_shared>>) target_semaphore(%run_scoped3A : memref<!tpu.dma_semaphore, #tpu.memory_space<semaphore_mem>>)
      %dma_wait3A = arith.constant 0 : i32
      %dma_wait3A_56 = tpu.memref_slice %arg6[%add3A_9, %dma_wait3A] : memref<10240x16xf32, #tpu.memory_space<vmem_shared>> -> memref<128x16xf32, #tpu.memory_space<vmem_shared>>
      %dma_wait3A_57 = arith.constant 0 : i32
      %dma_wait3A_58 = tpu.memref_slice %arg6[%add3A_9, %dma_wait3A_57] : memref<10240x16xf32, #tpu.memory_space<vmem_shared>> -> memref<128x16xf32, #tpu.memory_space<vmem_shared>>
      tpu.wait_dma2 semaphore(%run_scoped3A : memref<!tpu.dma_semaphore, #tpu.memory_space<semaphore_mem>>) src(%arg5 : memref<128x16xf32, #tpu.memory_space<vmem>>) dst(%dma_wait3A_58 : memref<128x16xf32, #tpu.memory_space<vmem_shared>>)
      tpu.yield
    }) : () -> ()
    %add3A_10 = arith.constant 128 : i32
    %add3A_11 = arith.addi %mul3A_2, %add3A_10 : i32
    "tpu.region"() ({
      %run_scoped3A = tpu.sem_alloc : memref<!tpu.dma_semaphore, #tpu.memory_space<semaphore_mem>>
      %dma_start3A = arith.constant 0 : i32
      %dma_start3A_53 = tpu.memref_slice %arg6[%add3A_11, %dma_start3A] : memref<10240x16xf32, #tpu.memory_space<vmem_shared>> -> memref<128x16xf32, #tpu.memory_space<vmem_shared>>
      %dma_start3A_54 = arith.constant 0 : i32
      %dma_start3A_55 = tpu.memref_slice %arg6[%add3A_11, %dma_start3A_54] : memref<10240x16xf32, #tpu.memory_space<vmem_shared>> -> memref<128x16xf32, #tpu.memory_space<vmem_shared>>
      tpu.enqueue_dma source(%arg5 : memref<128x16xf32, #tpu.memory_space<vmem>>) target(%dma_start3A_55 : memref<128x16xf32, #tpu.memory_space<vmem_shared>>) target_semaphore(%run_scoped3A : memref<!tpu.dma_semaphore, #tpu.memory_space<semaphore_mem>>)
      %dma_wait3A = arith.constant 0 : i32
      %dma_wait3A_56 = tpu.memref_slice %arg6[%add3A_11, %dma_wait3A] : memref<10240x16xf32, #tpu.memory_space<vmem_shared>> -> memref<128x16xf32, #tpu.memory_space<vmem_shared>>
      %dma_wait3A_57 = arith.constant 0 : i32
      %dma_wait3A_58 = tpu.memref_slice %arg6[%add3A_11, %dma_wait3A_57] : memref<10240x16xf32, #tpu.memory_space<vmem_shared>> -> memref<128x16xf32, #tpu.memory_space<vmem_shared>>
      tpu.wait_dma2 semaphore(%run_scoped3A : memref<!tpu.dma_semaphore, #tpu.memory_space<semaphore_mem>>) src(%arg5 : memref<128x16xf32, #tpu.memory_space<vmem>>) dst(%dma_wait3A_58 : memref<128x16xf32, #tpu.memory_space<vmem_shared>>)
      tpu.yield
    }) : () -> ()
    %add3A_12 = arith.constant 256 : i32
    %add3A_13 = arith.addi %mul3A_2, %add3A_12 : i32
    "tpu.region"() ({
      %run_scoped3A = tpu.sem_alloc : memref<!tpu.dma_semaphore, #tpu.memory_space<semaphore_mem>>
      %dma_start3A = arith.constant 0 : i32
      %dma_start3A_53 = tpu.memref_slice %arg6[%add3A_13, %dma_start3A] : memref<10240x16xf32, #tpu.memory_space<vmem_shared>> -> memref<128x16xf32, #tpu.memory_space<vmem_shared>>
      %dma_start3A_54 = arith.constant 0 : i32
      %dma_start3A_55 = tpu.memref_slice %arg6[%add3A_13, %dma_start3A_54] : memref<10240x16xf32, #tpu.memory_space<vmem_shared>> -> memref<128x16xf32, #tpu.memory_space<vmem_shared>>
      tpu.enqueue_dma source(%arg5 : memref<128x16xf32, #tpu.memory_space<vmem>>) target(%dma_start3A_55 : memref<128x16xf32, #tpu.memory_space<vmem_shared>>) target_semaphore(%run_scoped3A : memref<!tpu.dma_semaphore, #tpu.memory_space<semaphore_mem>>)
      %dma_wait3A = arith.constant 0 : i32
      %dma_wait3A_56 = tpu.memref_slice %arg6[%add3A_13, %dma_wait3A] : memref<10240x16xf32, #tpu.memory_space<vmem_shared>> -> memref<128x16xf32, #tpu.memory_space<vmem_shared>>
      %dma_wait3A_57 = arith.constant 0 : i32
      %dma_wait3A_58 = tpu.memref_slice %arg6[%add3A_13, %dma_wait3A_57] : memref<10240x16xf32, #tpu.memory_space<vmem_shared>> -> memref<128x16xf32, #tpu.memory_space<vmem_shared>>
      tpu.wait_dma2 semaphore(%run_scoped3A : memref<!tpu.dma_semaphore, #tpu.memory_space<semaphore_mem>>) src(%arg5 : memref<128x16xf32, #tpu.memory_space<vmem>>) dst(%dma_wait3A_58 : memref<128x16xf32, #tpu.memory_space<vmem_shared>>)
      tpu.yield
    }) : () -> ()
    %add3A_14 = arith.constant 384 : i32
    %add3A_15 = arith.addi %mul3A_2, %add3A_14 : i32
    "tpu.region"() ({
      %run_scoped3A = tpu.sem_alloc : memref<!tpu.dma_semaphore, #tpu.memory_space<semaphore_mem>>
      %dma_start3A = arith.constant 0 : i32
      %dma_start3A_53 = tpu.memref_slice %arg6[%add3A_15, %dma_start3A] : memref<10240x16xf32, #tpu.memory_space<vmem_shared>> -> memref<128x16xf32, #tpu.memory_space<vmem_shared>>
      %dma_start3A_54 = arith.constant 0 : i32
      %dma_start3A_55 = tpu.memref_slice %arg6[%add3A_15, %dma_start3A_54] : memref<10240x16xf32, #tpu.memory_space<vmem_shared>> -> memref<128x16xf32, #tpu.memory_space<vmem_shared>>
      tpu.enqueue_dma source(%arg5 : memref<128x16xf32, #tpu.memory_space<vmem>>) target(%dma_start3A_55 : memref<128x16xf32, #tpu.memory_space<vmem_shared>>) target_semaphore(%run_scoped3A : memref<!tpu.dma_semaphore, #tpu.memory_space<semaphore_mem>>)
      %dma_wait3A = arith.constant 0 : i32
      %dma_wait3A_56 = tpu.memref_slice %arg6[%add3A_15, %dma_wait3A] : memref<10240x16xf32, #tpu.memory_space<vmem_shared>> -> memref<128x16xf32, #tpu.memory_space<vmem_shared>>
      %dma_wait3A_57 = arith.constant 0 : i32
      %dma_wait3A_58 = tpu.memref_slice %arg6[%add3A_15, %dma_wait3A_57] : memref<10240x16xf32, #tpu.memory_space<vmem_shared>> -> memref<128x16xf32, #tpu.memory_space<vmem_shared>>
      tpu.wait_dma2 semaphore(%run_scoped3A : memref<!tpu.dma_semaphore, #tpu.memory_space<semaphore_mem>>) src(%arg5 : memref<128x16xf32, #tpu.memory_space<vmem>>) dst(%dma_wait3A_58 : memref<128x16xf32, #tpu.memory_space<vmem_shared>>)
      tpu.yield
    }) : () -> ()
    %add3A_16 = arith.constant 512 : i32
    %add3A_17 = arith.addi %mul3A_2, %add3A_16 : i32
    "tpu.region"() ({
      %run_scoped3A = tpu.sem_alloc : memref<!tpu.dma_semaphore, #tpu.memory_space<semaphore_mem>>
      %dma_start3A = arith.constant 0 : i32
      %dma_start3A_53 = tpu.memref_slice %arg6[%add3A_17, %dma_start3A] : memref<10240x16xf32, #tpu.memory_space<vmem_shared>> -> memref<128x16xf32, #tpu.memory_space<vmem_shared>>
      %dma_start3A_54 = arith.constant 0 : i32
      %dma_start3A_55 = tpu.memref_slice %arg6[%add3A_17, %dma_start3A_54] : memref<10240x16xf32, #tpu.memory_space<vmem_shared>> -> memref<128x16xf32, #tpu.memory_space<vmem_shared>>
      tpu.enqueue_dma source(%arg5 : memref<128x16xf32, #tpu.memory_space<vmem>>) target(%dma_start3A_55 : memref<128x16xf32, #tpu.memory_space<vmem_shared>>) target_semaphore(%run_scoped3A : memref<!tpu.dma_semaphore, #tpu.memory_space<semaphore_mem>>)
      %dma_wait3A = arith.constant 0 : i32
      %dma_wait3A_56 = tpu.memref_slice %arg6[%add3A_17, %dma_wait3A] : memref<10240x16xf32, #tpu.memory_space<vmem_shared>> -> memref<128x16xf32, #tpu.memory_space<vmem_shared>>
      %dma_wait3A_57 = arith.constant 0 : i32
      %dma_wait3A_58 = tpu.memref_slice %arg6[%add3A_17, %dma_wait3A_57] : memref<10240x16xf32, #tpu.memory_space<vmem_shared>> -> memref<128x16xf32, #tpu.memory_space<vmem_shared>>
      tpu.wait_dma2 semaphore(%run_scoped3A : memref<!tpu.dma_semaphore, #tpu.memory_space<semaphore_mem>>) src(%arg5 : memref<128x16xf32, #tpu.memory_space<vmem>>) dst(%dma_wait3A_58 : memref<128x16xf32, #tpu.memory_space<vmem_shared>>)
      tpu.yield
    }) : () -> ()
    %scan3A_18 = arith.constant 0 : i32
    %scan3A_19 = arith.constant 0 : i32
    %scan3A_20 = arith.constant 128 : i32
    %scan3A_21 = arith.addi %scan3A_19, %scan3A_20 : i32
    %scan3A_22 = arith.constant 1 : i32
    scf.for %scan3A_53 = %scan3A_19 to %scan3A_21 step %scan3A_22  : i32 {
      %broadcast_in_dim3A = arith.constant 1.000000e+00 : f32
      %broadcast_in_dim3A_54 = vector.broadcast %broadcast_in_dim3A : f32 to vector<16xf32>
      %swap3A = arith.index_cast %scan3A_53 : i32 to index
      %swap3A_55 = arith.constant 0 : index
      %swap3A_56 = tpu.vector_load %arg5[%swap3A, %swap3A_55] {strides = array<i32>} : memref<128x16xf32, #tpu.memory_space<vmem>>, vector<1x16xf32>,
      %swap3A_57 = vector.shape_cast %swap3A_56 : vector<1x16xf32> to vector<16xf32>
      %swap3A_58 = vector.shape_cast %broadcast_in_dim3A_54 : vector<16xf32> to vector<1x16xf32>
      tpu.vector_store %arg5[%swap3A, %swap3A_55], %swap3A_58 {strides = array<i32>} : memref<128x16xf32, #tpu.memory_space<vmem>>, vector<1x16xf32>,
    }
    %scan3A_23 = arith.constant 128 : i32
    %barrier3A = arith.constant 0 : index
    tpu.barrier barrier_id(%barrier3A)
    %mul3A_24 = arith.constant 80 : i32
    %mul3A_25 = arith.muli %add3A, %mul3A_24 : i32
    "tpu.region"() ({
      %run_scoped3A = tpu.sem_alloc : memref<!tpu.dma_semaphore, #tpu.memory_space<semaphore_mem>>
      %dma_start3A = arith.constant 0 : i32
      %dma_start3A_53 = tpu.memref_slice %arg2[%mul3A_25, %dma_start3A] : memref<2560x128xi32, #tpu.memory_space<hbm>> -> memref<80x128xi32, #tpu.memory_space<hbm>>
      %dma_start3A_54 = arith.constant 0 : i32
      %dma_start3A_55 = tpu.memref_slice %arg2[%mul3A_25, %dma_start3A_54] : memref<2560x128xi32, #tpu.memory_space<hbm>> -> memref<80x128xi32, #tpu.memory_space<hbm>>
      tpu.enqueue_dma source(%dma_start3A_55 : memref<80x128xi32, #tpu.memory_space<hbm>>) target(%arg4 : memref<80x128xi32, #tpu.memory_space<vmem>>) target_semaphore(%run_scoped3A : memref<!tpu.dma_semaphore, #tpu.memory_space<semaphore_mem>>)
      %dma_wait3A = arith.constant 0 : i32
      %dma_wait3A_56 = tpu.memref_slice %arg2[%mul3A_25, %dma_wait3A] : memref<2560x128xi32, #tpu.memory_space<hbm>> -> memref<80x128xi32, #tpu.memory_space<hbm>>
      %dma_wait3A_57 = arith.constant 0 : i32
      %dma_wait3A_58 = tpu.memref_slice %arg2[%mul3A_25, %dma_wait3A_57] : memref<2560x128xi32, #tpu.memory_space<hbm>> -> memref<80x128xi32, #tpu.memory_space<hbm>>
      tpu.wait_dma2 semaphore(%run_scoped3A : memref<!tpu.dma_semaphore, #tpu.memory_space<semaphore_mem>>) src(%dma_wait3A_58 : memref<80x128xi32, #tpu.memory_space<hbm>>) dst(%arg4 : memref<80x128xi32, #tpu.memory_space<vmem>>)
      tpu.yield
    }) : () -> ()
    %scan3A_26 = arith.constant 0 : i32
    %scan3A_27 = arith.constant 0 : i32
    %scan3A_28 = arith.constant 80 : i32
    %scan3A_29 = arith.addi %scan3A_27, %scan3A_28 : i32
    %scan3A_30 = arith.constant 1 : i32
    scf.for %scan3A_53 = %scan3A_27 to %scan3A_29 step %scan3A_30  : i32 {
      "tpu.region"() ({
        %run_scoped3A = tpu.sem_alloc : memref<!tpu.dma_semaphore, #tpu.memory_space<semaphore_mem>>
        %dma_start3A = arith.constant 0 : i32
        %dma_start3A_54 = tpu.memref_slice %arg4[%scan3A_53, %dma_start3A] : memref<80x128xi32, #tpu.memory_space<vmem>> -> memref<1x128xi32, #tpu.memory_space<vmem>>
        %dma_start3A_55 = tpu.memref_squeeze %dma_start3A_54 : memref<1x128xi32, #tpu.memory_space<vmem>> -> memref<128xi32, #tpu.memory_space<vmem>>
        %dma_start3A_56 = arith.constant 0 : i32
        %dma_start3A_57 = arith.constant 0 : i32
        %dma_start3A_58 = tpu.memref_slice %arg6[%dma_start3A_56, %dma_start3A_57] : memref<10240x16xf32, #tpu.memory_space<vmem_shared>> -> memref<10240x16xf32, #tpu.memory_space<vmem_shared>>
        tpu.enqueue_indirect_dma source(%arg5 : memref<128x16xf32, #tpu.memory_space<vmem>>) target(%dma_start3A_58 : memref<10240x16xf32, #tpu.memory_space<vmem_shared>>) offsets(%dma_start3A_55 : memref<128xi32, #tpu.memory_space<vmem>>) semaphore(%run_scoped3A : memref<!tpu.dma_semaphore, #tpu.memory_space<semaphore_mem>>) {add = true}
        %dma_wait3A = arith.constant 0 : i32
        %dma_wait3A_59 = tpu.memref_slice %arg4[%scan3A_53, %dma_wait3A] : memref<80x128xi32, #tpu.memory_space<vmem>> -> memref<1x128xi32, #tpu.memory_space<vmem>>
        %dma_wait3A_60 = tpu.memref_squeeze %dma_wait3A_59 : memref<1x128xi32, #tpu.memory_space<vmem>> -> memref<128xi32, #tpu.memory_space<vmem>>
        %dma_wait3A_61 = arith.constant 0 : i32
        %dma_wait3A_62 = arith.constant 0 : i32
        %dma_wait3A_63 = tpu.memref_slice %arg6[%dma_wait3A_61, %dma_wait3A_62] : memref<10240x16xf32, #tpu.memory_space<vmem_shared>> -> memref<10240x16xf32, #tpu.memory_space<vmem_shared>>
        tpu.wait_indirect_dma semaphore(%run_scoped3A : memref<!tpu.dma_semaphore, #tpu.memory_space<semaphore_mem>>) src(%arg5 : memref<128x16xf32, #tpu.memory_space<vmem>>) dst(%dma_wait3A_63 : memref<10240x16xf32, #tpu.memory_space<vmem_shared>>)
        tpu.yield
      }) : () -> ()
    }
    %scan3A_31 = arith.constant 80 : i32
    %barrier3A_32 = arith.constant 0 : index
    tpu.barrier barrier_id(%barrier3A_32)
    %add3A_33 = arith.constant 0 : i32
    %add3A_34 = arith.addi %mul3A_2, %add3A_33 : i32
    %add3A_35 = arith.constant 0 : i32
    %add3A_36 = arith.addi %mul3A_2, %add3A_35 : i32
    "tpu.region"() ({
      %run_scoped3A = tpu.sem_alloc : memref<!tpu.dma_semaphore, #tpu.memory_space<semaphore_mem>>
      %dma_start3A = arith.constant 0 : i32
      %dma_start3A_53 = tpu.memref_slice %arg3[%arg0, %add3A_36, %dma_start3A] : memref<2x10240x16xf32, #tpu.memory_space<hbm>> -> memref<1x128x16xf32, #tpu.memory_space<hbm>>
      %dma_start3A_54 = tpu.memref_squeeze %dma_start3A_53 : memref<1x128x16xf32, #tpu.memory_space<hbm>> -> memref<128x16xf32, #tpu.memory_space<hbm>>
      %dma_start3A_55 = arith.constant 0 : i32
      %dma_start3A_56 = tpu.memref_slice %arg6[%add3A_34, %dma_start3A_55] : memref<10240x16xf32, #tpu.memory_space<vmem_shared>> -> memref<128x16xf32, #tpu.memory_space<vmem_shared>>
      tpu.enqueue_dma source(%dma_start3A_56 : memref<128x16xf32, #tpu.memory_space<vmem_shared>>) target(%dma_start3A_54 : memref<128x16xf32, #tpu.memory_space<hbm>>) target_semaphore(%run_scoped3A : memref<!tpu.dma_semaphore, #tpu.memory_space<semaphore_mem>>)
      %dma_wait3A = arith.constant 0 : i32
      %dma_wait3A_57 = tpu.memref_slice %arg3[%arg0, %add3A_36, %dma_wait3A] : memref<2x10240x16xf32, #tpu.memory_space<hbm>> -> memref<1x128x16xf32, #tpu.memory_space<hbm>>
      %dma_wait3A_58 = tpu.memref_squeeze %dma_wait3A_57 : memref<1x128x16xf32, #tpu.memory_space<hbm>> -> memref<128x16xf32, #tpu.memory_space<hbm>>
      %dma_wait3A_59 = arith.constant 0 : i32
      %dma_wait3A_60 = tpu.memref_slice %arg6[%add3A_34, %dma_wait3A_59] : memref<10240x16xf32, #tpu.memory_space<vmem_shared>> -> memref<128x16xf32, #tpu.memory_space<vmem_shared>>
      tpu.wait_dma2 semaphore(%run_scoped3A : memref<!tpu.dma_semaphore, #tpu.memory_space<semaphore_mem>>) src(%dma_wait3A_60 : memref<128x16xf32, #tpu.memory_space<vmem_shared>>) dst(%dma_wait3A_58 : memref<128x16xf32, #tpu.memory_space<hbm>>)
      tpu.yield
    }) : () -> ()
    %add3A_37 = arith.constant 128 : i32
    %add3A_38 = arith.addi %mul3A_2, %add3A_37 : i32
    %add3A_39 = arith.constant 128 : i32
    %add3A_40 = arith.addi %mul3A_2, %add3A_39 : i32
    "tpu.region"() ({
      %run_scoped3A = tpu.sem_alloc : memref<!tpu.dma_semaphore, #tpu.memory_space<semaphore_mem>>
      %dma_start3A = arith.constant 0 : i32
      %dma_start3A_53 = tpu.memref_slice %arg3[%arg0, %add3A_40, %dma_start3A] : memref<2x10240x16xf32, #tpu.memory_space<hbm>> -> memref<1x128x16xf32, #tpu.memory_space<hbm>>
      %dma_start3A_54 = tpu.memref_squeeze %dma_start3A_53 : memref<1x128x16xf32, #tpu.memory_space<hbm>> -> memref<128x16xf32, #tpu.memory_space<hbm>>
      %dma_start3A_55 = arith.constant 0 : i32
      %dma_start3A_56 = tpu.memref_slice %arg6[%add3A_38, %dma_start3A_55] : memref<10240x16xf32, #tpu.memory_space<vmem_shared>> -> memref<128x16xf32, #tpu.memory_space<vmem_shared>>
      tpu.enqueue_dma source(%dma_start3A_56 : memref<128x16xf32, #tpu.memory_space<vmem_shared>>) target(%dma_start3A_54 : memref<128x16xf32, #tpu.memory_space<hbm>>) target_semaphore(%run_scoped3A : memref<!tpu.dma_semaphore, #tpu.memory_space<semaphore_mem>>)
      %dma_wait3A = arith.constant 0 : i32
      %dma_wait3A_57 = tpu.memref_slice %arg3[%arg0, %add3A_40, %dma_wait3A] : memref<2x10240x16xf32, #tpu.memory_space<hbm>> -> memref<1x128x16xf32, #tpu.memory_space<hbm>>
      %dma_wait3A_58 = tpu.memref_squeeze %dma_wait3A_57 : memref<1x128x16xf32, #tpu.memory_space<hbm>> -> memref<128x16xf32, #tpu.memory_space<hbm>>
      %dma_wait3A_59 = arith.constant 0 : i32
      %dma_wait3A_60 = tpu.memref_slice %arg6[%add3A_38, %dma_wait3A_59] : memref<10240x16xf32, #tpu.memory_space<vmem_shared>> -> memref<128x16xf32, #tpu.memory_space<vmem_shared>>
      tpu.wait_dma2 semaphore(%run_scoped3A : memref<!tpu.dma_semaphore, #tpu.memory_space<semaphore_mem>>) src(%dma_wait3A_60 : memref<128x16xf32, #tpu.memory_space<vmem_shared>>) dst(%dma_wait3A_58 : memref<128x16xf32, #tpu.memory_space<hbm>>)
      tpu.yield
    }) : () -> ()
    %add3A_41 = arith.constant 256 : i32
    %add3A_42 = arith.addi %mul3A_2, %add3A_41 : i32
    %add3A_43 = arith.constant 256 : i32
    %add3A_44 = arith.addi %mul3A_2, %add3A_43 : i32
    "tpu.region"() ({
      %run_scoped3A = tpu.sem_alloc : memref<!tpu.dma_semaphore, #tpu.memory_space<semaphore_mem>>
      %dma_start3A = arith.constant 0 : i32
      %dma_start3A_53 = tpu.memref_slice %arg3[%arg0, %add3A_44, %dma_start3A] : memref<2x10240x16xf32, #tpu.memory_space<hbm>> -> memref<1x128x16xf32, #tpu.memory_space<hbm>>
      %dma_start3A_54 = tpu.memref_squeeze %dma_start3A_53 : memref<1x128x16xf32, #tpu.memory_space<hbm>> -> memref<128x16xf32, #tpu.memory_space<hbm>>
      %dma_start3A_55 = arith.constant 0 : i32
      %dma_start3A_56 = tpu.memref_slice %arg6[%add3A_42, %dma_start3A_55] : memref<10240x16xf32, #tpu.memory_space<vmem_shared>> -> memref<128x16xf32, #tpu.memory_space<vmem_shared>>
      tpu.enqueue_dma source(%dma_start3A_56 : memref<128x16xf32, #tpu.memory_space<vmem_shared>>) target(%dma_start3A_54 : memref<128x16xf32, #tpu.memory_space<hbm>>) target_semaphore(%run_scoped3A : memref<!tpu.dma_semaphore, #tpu.memory_space<semaphore_mem>>)
      %dma_wait3A = arith.constant 0 : i32
      %dma_wait3A_57 = tpu.memref_slice %arg3[%arg0, %add3A_44, %dma_wait3A] : memref<2x10240x16xf32, #tpu.memory_space<hbm>> -> memref<1x128x16xf32, #tpu.memory_space<hbm>>
      %dma_wait3A_58 = tpu.memref_squeeze %dma_wait3A_57 : memref<1x128x16xf32, #tpu.memory_space<hbm>> -> memref<128x16xf32, #tpu.memory_space<hbm>>
      %dma_wait3A_59 = arith.constant 0 : i32
      %dma_wait3A_60 = tpu.memref_slice %arg6[%add3A_42, %dma_wait3A_59] : memref<10240x16xf32, #tpu.memory_space<vmem_shared>> -> memref<128x16xf32, #tpu.memory_space<vmem_shared>>
      tpu.wait_dma2 semaphore(%run_scoped3A : memref<!tpu.dma_semaphore, #tpu.memory_space<semaphore_mem>>) src(%dma_wait3A_60 : memref<128x16xf32, #tpu.memory_space<vmem_shared>>) dst(%dma_wait3A_58 : memref<128x16xf32, #tpu.memory_space<hbm>>)
      tpu.yield
    }) : () -> ()
    %add3A_45 = arith.constant 384 : i32
    %add3A_46 = arith.addi %mul3A_2, %add3A_45 : i32
    %add3A_47 = arith.constant 384 : i32
    %add3A_48 = arith.addi %mul3A_2, %add3A_47 : i32
    "tpu.region"() ({
      %run_scoped3A = tpu.sem_alloc : memref<!tpu.dma_semaphore, #tpu.memory_space<semaphore_mem>>
      %dma_start3A = arith.constant 0 : i32
      %dma_start3A_53 = tpu.memref_slice %arg3[%arg0, %add3A_48, %dma_start3A] : memref<2x10240x16xf32, #tpu.memory_space<hbm>> -> memref<1x128x16xf32, #tpu.memory_space<hbm>>
      %dma_start3A_54 = tpu.memref_squeeze %dma_start3A_53 : memref<1x128x16xf32, #tpu.memory_space<hbm>> -> memref<128x16xf32, #tpu.memory_space<hbm>>
      %dma_start3A_55 = arith.constant 0 : i32
      %dma_start3A_56 = tpu.memref_slice %arg6[%add3A_46, %dma_start3A_55] : memref<10240x16xf32, #tpu.memory_space<vmem_shared>> -> memref<128x16xf32, #tpu.memory_space<vmem_shared>>
      tpu.enqueue_dma source(%dma_start3A_56 : memref<128x16xf32, #tpu.memory_space<vmem_shared>>) target(%dma_start3A_54 : memref<128x16xf32, #tpu.memory_space<hbm>>) target_semaphore(%run_scoped3A : memref<!tpu.dma_semaphore, #tpu.memory_space<semaphore_mem>>)
      %dma_wait3A = arith.constant 0 : i32
      %dma_wait3A_57 = tpu.memref_slice %arg3[%arg0, %add3A_48, %dma_wait3A] : memref<2x10240x16xf32, #tpu.memory_space<hbm>> -> memref<1x128x16xf32, #tpu.memory_space<hbm>>
      %dma_wait3A_58 = tpu.memref_squeeze %dma_wait3A_57 : memref<1x128x16xf32, #tpu.memory_space<hbm>> -> memref<128x16xf32, #tpu.memory_space<hbm>>
      %dma_wait3A_59 = arith.constant 0 : i32
      %dma_wait3A_60 = tpu.memref_slice %arg6[%add3A_46, %dma_wait3A_59] : memref<10240x16xf32, #tpu.memory_space<vmem_shared>> -> memref<128x16xf32, #tpu.memory_space<vmem_shared>>
      tpu.wait_dma2 semaphore(%run_scoped3A : memref<!tpu.dma_semaphore, #tpu.memory_space<semaphore_mem>>) src(%dma_wait3A_60 : memref<128x16xf32, #tpu.memory_space<vmem_shared>>) dst(%dma_wait3A_58 : memref<128x16xf32, #tpu.memory_space<hbm>>)
      tpu.yield
    }) : () -> ()
    %add3A_49 = arith.constant 512 : i32
    %add3A_50 = arith.addi %mul3A_2, %add3A_49 : i32
    %add3A_51 = arith.constant 512 : i32
    %add3A_52 = arith.addi %mul3A_2, %add3A_51 : i32
    "tpu.region"() ({
      %run_scoped3A = tpu.sem_alloc : memref<!tpu.dma_semaphore, #tpu.memory_space<semaphore_mem>>
      %dma_start3A = arith.constant 0 : i32
      %dma_start3A_53 = tpu.memref_slice %arg3[%arg0, %add3A_52, %dma_start3A] : memref<2x10240x16xf32, #tpu.memory_space<hbm>> -> memref<1x128x16xf32, #tpu.memory_space<hbm>>
      %dma_start3A_54 = tpu.memref_squeeze %dma_start3A_53 : memref<1x128x16xf32, #tpu.memory_space<hbm>> -> memref<128x16xf32, #tpu.memory_space<hbm>>
      %dma_start3A_55 = arith.constant 0 : i32
      %dma_start3A_56 = tpu.memref_slice %arg6[%add3A_50, %dma_start3A_55] : memref<10240x16xf32, #tpu.memory_space<vmem_shared>> -> memref<128x16xf32, #tpu.memory_space<vmem_shared>>
      tpu.enqueue_dma source(%dma_start3A_56 : memref<128x16xf32, #tpu.memory_space<vmem_shared>>) target(%dma_start3A_54 : memref<128x16xf32, #tpu.memory_space<hbm>>) target_semaphore(%run_scoped3A : memref<!tpu.dma_semaphore, #tpu.memory_space<semaphore_mem>>)
      %dma_wait3A = arith.constant 0 : i32
      %dma_wait3A_57 = tpu.memref_slice %arg3[%arg0, %add3A_52, %dma_wait3A] : memref<2x10240x16xf32, #tpu.memory_space<hbm>> -> memref<1x128x16xf32, #tpu.memory_space<hbm>>
      %dma_wait3A_58 = tpu.memref_squeeze %dma_wait3A_57 : memref<1x128x16xf32, #tpu.memory_space<hbm>> -> memref<128x16xf32, #tpu.memory_space<hbm>>
      %dma_wait3A_59 = arith.constant 0 : i32
      %dma_wait3A_60 = tpu.memref_slice %arg6[%add3A_50, %dma_wait3A_59] : memref<10240x16xf32, #tpu.memory_space<vmem_shared>> -> memref<128x16xf32, #tpu.memory_space<vmem_shared>>
      tpu.wait_dma2 semaphore(%run_scoped3A : memref<!tpu.dma_semaphore, #tpu.memory_space<semaphore_mem>>) src(%dma_wait3A_60 : memref<128x16xf32, #tpu.memory_space<vmem_shared>>) dst(%dma_wait3A_58 : memref<128x16xf32, #tpu.memory_space<hbm>>)
      tpu.yield
    }) : () -> ()
    return
  }
}

#map = affine_map<(d0, d1) -> (0, 0)>
#map1 = affine_map<(d0, d1) -> (0, 0, 0)>
module attributes {stable_mosaic.version = 14 : i64} {
  func.func @agg(%arg0: i32, %arg1: i32, %arg2: memref<10240x128xf32, #tpu.memory_space<hbm>>, %arg3: memref<3440x96xi32, #tpu.memory_space<hbm>>, %arg4: memref<3440x96xi32, #tpu.memory_space<hbm>>, %arg5: memref<2x10240x128xf32, #tpu.memory_space<hbm>>, %arg6: memref<47x96xi32, #tpu.memory_space<vmem>>, %arg7: memref<47x96xi32, #tpu.memory_space<vmem>>, %arg8: memref<3x96x128xf32, #tpu.memory_space<vmem>>, %arg9: memref<10240x128xf32, #tpu.memory_space<vmem_shared>>, %arg10: memref<!tpu.dma_semaphore, #tpu.memory_space<semaphore_mem>>) attributes {dimension_semantics = [#tpu.dimension_semantics<core_parallel>, #tpu.dimension_semantics<subcore_parallel>], iteration_bounds = array<i64: 2, 16>, scalar_prefetch = 0 : i64, scratch_operands = 5 : i64, tpu.core_type = #tpu.core_type<sc_vector_subcore>, window_params = [{transform_indices = #map}, {transform_indices = #map}, {transform_indices = #map}, {transform_indices = #map1}]} {
    %mul3A = arith.constant 640 : i32
    %mul3A_0 = arith.muli %arg1, %mul3A : i32
    %eq3A = arith.constant 1 : i32
    %eq3A_1 = arith.cmpi eq, %arg0, %eq3A : i32
    %jit3A = arith.constant 188 : i32
    %jit3A_2 = arith.constant 24 : i32
    %select_n3A = arith.select %eq3A_1, %jit3A, %jit3A_2 : i32
    %mul3A_3 = arith.constant 188 : i32
    %mul3A_4 = arith.muli %arg1, %mul3A_3 : i32
    %mul3A_5 = arith.constant 24 : i32
    %mul3A_6 = arith.muli %arg1, %mul3A_5 : i32
    %add3A = arith.constant 3008 : i32
    %add3A_7 = arith.addi %add3A, %mul3A_6 : i32
    %select_n3A_8 = arith.select %eq3A_1, %mul3A_4, %add3A_7 : i32
    %scan3A = arith.constant 0 : i32
    %scan3A_9 = arith.constant 0 : i32
    %scan3A_10 = arith.constant 96 : i32
    %scan3A_11 = arith.addi %scan3A_9, %scan3A_10 : i32
    %scan3A_12 = arith.constant 1 : i32
    scf.for %scan3A_95 = %scan3A_9 to %scan3A_11 step %scan3A_12  : i32 {
      %broadcast_in_dim3A = arith.constant 0.000000e+00 : f32
      %broadcast_in_dim3A_96 = vector.broadcast %broadcast_in_dim3A : f32 to vector<16xf32>
      %swap3A = arith.constant 0 : i32
      %swap3A_97 = arith.index_cast %swap3A : i32 to index
      %swap3A_98 = arith.index_cast %scan3A_95 : i32 to index
      %swap3A_99 = arith.constant 0 : index
      %swap3A_100 = tpu.vector_load %arg8[%swap3A_97, %swap3A_98, %swap3A_99] {strides = array<i32>} : memref<3x96x128xf32, #tpu.memory_space<vmem>>, vector<1x1x16xf32>,
      %swap3A_101 = vector.shape_cast %swap3A_100 : vector<1x1x16xf32> to vector<16xf32>
      %swap3A_102 = vector.shape_cast %broadcast_in_dim3A_96 : vector<16xf32> to vector<1x1x16xf32>
      tpu.vector_store %arg8[%swap3A_97, %swap3A_98, %swap3A_99], %swap3A_102 {strides = array<i32>} : memref<3x96x128xf32, #tpu.memory_space<vmem>>, vector<1x1x16xf32>,
      %broadcast_in_dim3A_103 = arith.constant 0.000000e+00 : f32
      %broadcast_in_dim3A_104 = vector.broadcast %broadcast_in_dim3A_103 : f32 to vector<16xf32>
      %swap3A_105 = arith.constant 0 : i32
      %swap3A_106 = arith.index_cast %swap3A_105 : i32 to index
      %swap3A_107 = arith.index_cast %scan3A_95 : i32 to index
      %swap3A_108 = arith.constant 16 : index
      %swap3A_109 = tpu.vector_load %arg8[%swap3A_106, %swap3A_107, %swap3A_108] {strides = array<i32>} : memref<3x96x128xf32, #tpu.memory_space<vmem>>, vector<1x1x16xf32>,
      %swap3A_110 = vector.shape_cast %swap3A_109 : vector<1x1x16xf32> to vector<16xf32>
      %swap3A_111 = vector.shape_cast %broadcast_in_dim3A_104 : vector<16xf32> to vector<1x1x16xf32>
      tpu.vector_store %arg8[%swap3A_106, %swap3A_107, %swap3A_108], %swap3A_111 {strides = array<i32>} : memref<3x96x128xf32, #tpu.memory_space<vmem>>, vector<1x1x16xf32>,
      %broadcast_in_dim3A_112 = arith.constant 0.000000e+00 : f32
      %broadcast_in_dim3A_113 = vector.broadcast %broadcast_in_dim3A_112 : f32 to vector<16xf32>
      %swap3A_114 = arith.constant 0 : i32
      %swap3A_115 = arith.index_cast %swap3A_114 : i32 to index
      %swap3A_116 = arith.index_cast %scan3A_95 : i32 to index
      %swap3A_117 = arith.constant 32 : index
      %swap3A_118 = tpu.vector_load %arg8[%swap3A_115, %swap3A_116, %swap3A_117] {strides = array<i32>} : memref<3x96x128xf32, #tpu.memory_space<vmem>>, vector<1x1x16xf32>,
      %swap3A_119 = vector.shape_cast %swap3A_118 : vector<1x1x16xf32> to vector<16xf32>
      %swap3A_120 = vector.shape_cast %broadcast_in_dim3A_113 : vector<16xf32> to vector<1x1x16xf32>
      tpu.vector_store %arg8[%swap3A_115, %swap3A_116, %swap3A_117], %swap3A_120 {strides = array<i32>} : memref<3x96x128xf32, #tpu.memory_space<vmem>>, vector<1x1x16xf32>,
      %broadcast_in_dim3A_121 = arith.constant 0.000000e+00 : f32
      %broadcast_in_dim3A_122 = vector.broadcast %broadcast_in_dim3A_121 : f32 to vector<16xf32>
      %swap3A_123 = arith.constant 0 : i32
      %swap3A_124 = arith.index_cast %swap3A_123 : i32 to index
      %swap3A_125 = arith.index_cast %scan3A_95 : i32 to index
      %swap3A_126 = arith.constant 48 : index
      %swap3A_127 = tpu.vector_load %arg8[%swap3A_124, %swap3A_125, %swap3A_126] {strides = array<i32>} : memref<3x96x128xf32, #tpu.memory_space<vmem>>, vector<1x1x16xf32>,
      %swap3A_128 = vector.shape_cast %swap3A_127 : vector<1x1x16xf32> to vector<16xf32>
      %swap3A_129 = vector.shape_cast %broadcast_in_dim3A_122 : vector<16xf32> to vector<1x1x16xf32>
      tpu.vector_store %arg8[%swap3A_124, %swap3A_125, %swap3A_126], %swap3A_129 {strides = array<i32>} : memref<3x96x128xf32, #tpu.memory_space<vmem>>, vector<1x1x16xf32>,
      %broadcast_in_dim3A_130 = arith.constant 0.000000e+00 : f32
      %broadcast_in_dim3A_131 = vector.broadcast %broadcast_in_dim3A_130 : f32 to vector<16xf32>
      %swap3A_132 = arith.constant 0 : i32
      %swap3A_133 = arith.index_cast %swap3A_132 : i32 to index
      %swap3A_134 = arith.index_cast %scan3A_95 : i32 to index
      %swap3A_135 = arith.constant 64 : index
      %swap3A_136 = tpu.vector_load %arg8[%swap3A_133, %swap3A_134, %swap3A_135] {strides = array<i32>} : memref<3x96x128xf32, #tpu.memory_space<vmem>>, vector<1x1x16xf32>,
      %swap3A_137 = vector.shape_cast %swap3A_136 : vector<1x1x16xf32> to vector<16xf32>
      %swap3A_138 = vector.shape_cast %broadcast_in_dim3A_131 : vector<16xf32> to vector<1x1x16xf32>
      tpu.vector_store %arg8[%swap3A_133, %swap3A_134, %swap3A_135], %swap3A_138 {strides = array<i32>} : memref<3x96x128xf32, #tpu.memory_space<vmem>>, vector<1x1x16xf32>,
      %broadcast_in_dim3A_139 = arith.constant 0.000000e+00 : f32
      %broadcast_in_dim3A_140 = vector.broadcast %broadcast_in_dim3A_139 : f32 to vector<16xf32>
      %swap3A_141 = arith.constant 0 : i32
      %swap3A_142 = arith.index_cast %swap3A_141 : i32 to index
      %swap3A_143 = arith.index_cast %scan3A_95 : i32 to index
      %swap3A_144 = arith.constant 80 : index
      %swap3A_145 = tpu.vector_load %arg8[%swap3A_142, %swap3A_143, %swap3A_144] {strides = array<i32>} : memref<3x96x128xf32, #tpu.memory_space<vmem>>, vector<1x1x16xf32>,
      %swap3A_146 = vector.shape_cast %swap3A_145 : vector<1x1x16xf32> to vector<16xf32>
      %swap3A_147 = vector.shape_cast %broadcast_in_dim3A_140 : vector<16xf32> to vector<1x1x16xf32>
      tpu.vector_store %arg8[%swap3A_142, %swap3A_143, %swap3A_144], %swap3A_147 {strides = array<i32>} : memref<3x96x128xf32, #tpu.memory_space<vmem>>, vector<1x1x16xf32>,
      %broadcast_in_dim3A_148 = arith.constant 0.000000e+00 : f32
      %broadcast_in_dim3A_149 = vector.broadcast %broadcast_in_dim3A_148 : f32 to vector<16xf32>
      %swap3A_150 = arith.constant 0 : i32
      %swap3A_151 = arith.index_cast %swap3A_150 : i32 to index
      %swap3A_152 = arith.index_cast %scan3A_95 : i32 to index
      %swap3A_153 = arith.constant 96 : index
      %swap3A_154 = tpu.vector_load %arg8[%swap3A_151, %swap3A_152, %swap3A_153] {strides = array<i32>} : memref<3x96x128xf32, #tpu.memory_space<vmem>>, vector<1x1x16xf32>,
      %swap3A_155 = vector.shape_cast %swap3A_154 : vector<1x1x16xf32> to vector<16xf32>
      %swap3A_156 = vector.shape_cast %broadcast_in_dim3A_149 : vector<16xf32> to vector<1x1x16xf32>
      tpu.vector_store %arg8[%swap3A_151, %swap3A_152, %swap3A_153], %swap3A_156 {strides = array<i32>} : memref<3x96x128xf32, #tpu.memory_space<vmem>>, vector<1x1x16xf32>,
      %broadcast_in_dim3A_157 = arith.constant 0.000000e+00 : f32
      %broadcast_in_dim3A_158 = vector.broadcast %broadcast_in_dim3A_157 : f32 to vector<16xf32>
      %swap3A_159 = arith.constant 0 : i32
      %swap3A_160 = arith.index_cast %swap3A_159 : i32 to index
      %swap3A_161 = arith.index_cast %scan3A_95 : i32 to index
      %swap3A_162 = arith.constant 112 : index
      %swap3A_163 = tpu.vector_load %arg8[%swap3A_160, %swap3A_161, %swap3A_162] {strides = array<i32>} : memref<3x96x128xf32, #tpu.memory_space<vmem>>, vector<1x1x16xf32>,
      %swap3A_164 = vector.shape_cast %swap3A_163 : vector<1x1x16xf32> to vector<16xf32>
      %swap3A_165 = vector.shape_cast %broadcast_in_dim3A_158 : vector<16xf32> to vector<1x1x16xf32>
      tpu.vector_store %arg8[%swap3A_160, %swap3A_161, %swap3A_162], %swap3A_165 {strides = array<i32>} : memref<3x96x128xf32, #tpu.memory_space<vmem>>, vector<1x1x16xf32>,
    }
    %scan3A_13 = arith.constant 96 : i32
    %add3A_14 = arith.constant 0 : i32
    %add3A_15 = arith.addi %mul3A_0, %add3A_14 : i32
    %run_scoped3A = arith.constant 0 : i32
    "tpu.region"() ({
      %run_scoped3A_95 = tpu.sem_alloc : memref<!tpu.dma_semaphore, #tpu.memory_space<semaphore_mem>>
      %dma_start3A_96 = arith.constant 0 : i32
      %dma_start3A_97 = arith.constant 0 : i32
      %dma_start3A_98 = tpu.memref_slice %arg8[%run_scoped3A, %dma_start3A_96, %dma_start3A_97] : memref<3x96x128xf32, #tpu.memory_space<vmem>> -> memref<1x96x128xf32, #tpu.memory_space<vmem>>
      %dma_start3A_99 = tpu.memref_squeeze %dma_start3A_98 : memref<1x96x128xf32, #tpu.memory_space<vmem>> -> memref<96x128xf32, #tpu.memory_space<vmem>>
      %dma_start3A_100 = arith.constant 0 : i32
      %dma_start3A_101 = tpu.memref_slice %arg9[%add3A_15, %dma_start3A_100] : memref<10240x128xf32, #tpu.memory_space<vmem_shared>> -> memref<96x128xf32, #tpu.memory_space<vmem_shared>>
      %dma_start3A_102 = arith.constant 0 : i32
      %dma_start3A_103 = tpu.memref_slice %arg9[%add3A_15, %dma_start3A_102] : memref<10240x128xf32, #tpu.memory_space<vmem_shared>> -> memref<96x128xf32, #tpu.memory_space<vmem_shared>>
      %dma_start3A_104 = arith.constant 0 : i32
      %dma_start3A_105 = arith.constant 0 : i32
      %dma_start3A_106 = tpu.memref_slice %arg8[%run_scoped3A, %dma_start3A_104, %dma_start3A_105] : memref<3x96x128xf32, #tpu.memory_space<vmem>> -> memref<1x96x128xf32, #tpu.memory_space<vmem>>
      %dma_start3A_107 = tpu.memref_squeeze %dma_start3A_106 : memref<1x96x128xf32, #tpu.memory_space<vmem>> -> memref<96x128xf32, #tpu.memory_space<vmem>>
      tpu.enqueue_dma source(%dma_start3A_107 : memref<96x128xf32, #tpu.memory_space<vmem>>) target(%dma_start3A_103 : memref<96x128xf32, #tpu.memory_space<vmem_shared>>) target_semaphore(%run_scoped3A_95 : memref<!tpu.dma_semaphore, #tpu.memory_space<semaphore_mem>>)
      %dma_wait3A = arith.constant 0 : i32
      %dma_wait3A_108 = arith.constant 0 : i32
      %dma_wait3A_109 = tpu.memref_slice %arg8[%run_scoped3A, %dma_wait3A, %dma_wait3A_108] : memref<3x96x128xf32, #tpu.memory_space<vmem>> -> memref<1x96x128xf32, #tpu.memory_space<vmem>>
      %dma_wait3A_110 = tpu.memref_squeeze %dma_wait3A_109 : memref<1x96x128xf32, #tpu.memory_space<vmem>> -> memref<96x128xf32, #tpu.memory_space<vmem>>
      %dma_wait3A_111 = arith.constant 0 : i32
      %dma_wait3A_112 = tpu.memref_slice %arg9[%add3A_15, %dma_wait3A_111] : memref<10240x128xf32, #tpu.memory_space<vmem_shared>> -> memref<96x128xf32, #tpu.memory_space<vmem_shared>>
      %dma_wait3A_113 = arith.constant 0 : i32
      %dma_wait3A_114 = tpu.memref_slice %arg9[%add3A_15, %dma_wait3A_113] : memref<10240x128xf32, #tpu.memory_space<vmem_shared>> -> memref<96x128xf32, #tpu.memory_space<vmem_shared>>
      %dma_wait3A_115 = arith.constant 0 : i32
      %dma_wait3A_116 = arith.constant 0 : i32
      %dma_wait3A_117 = tpu.memref_slice %arg8[%run_scoped3A, %dma_wait3A_115, %dma_wait3A_116] : memref<3x96x128xf32, #tpu.memory_space<vmem>> -> memref<1x96x128xf32, #tpu.memory_space<vmem>>
      %dma_wait3A_118 = tpu.memref_squeeze %dma_wait3A_117 : memref<1x96x128xf32, #tpu.memory_space<vmem>> -> memref<96x128xf32, #tpu.memory_space<vmem>>
      tpu.wait_dma2 semaphore(%run_scoped3A_95 : memref<!tpu.dma_semaphore, #tpu.memory_space<semaphore_mem>>) src(%dma_wait3A_118 : memref<96x128xf32, #tpu.memory_space<vmem>>) dst(%dma_wait3A_114 : memref<96x128xf32, #tpu.memory_space<vmem_shared>>)
      tpu.yield
    }) : () -> ()
    %add3A_16 = arith.constant 96 : i32
    %add3A_17 = arith.addi %mul3A_0, %add3A_16 : i32
    %run_scoped3A_18 = arith.constant 0 : i32
    "tpu.region"() ({
      %run_scoped3A_95 = tpu.sem_alloc : memref<!tpu.dma_semaphore, #tpu.memory_space<semaphore_mem>>
      %dma_start3A_96 = arith.constant 0 : i32
      %dma_start3A_97 = arith.constant 0 : i32
      %dma_start3A_98 = tpu.memref_slice %arg8[%run_scoped3A_18, %dma_start3A_96, %dma_start3A_97] : memref<3x96x128xf32, #tpu.memory_space<vmem>> -> memref<1x96x128xf32, #tpu.memory_space<vmem>>
      %dma_start3A_99 = tpu.memref_squeeze %dma_start3A_98 : memref<1x96x128xf32, #tpu.memory_space<vmem>> -> memref<96x128xf32, #tpu.memory_space<vmem>>
      %dma_start3A_100 = arith.constant 0 : i32
      %dma_start3A_101 = tpu.memref_slice %arg9[%add3A_17, %dma_start3A_100] : memref<10240x128xf32, #tpu.memory_space<vmem_shared>> -> memref<96x128xf32, #tpu.memory_space<vmem_shared>>
      %dma_start3A_102 = arith.constant 0 : i32
      %dma_start3A_103 = tpu.memref_slice %arg9[%add3A_17, %dma_start3A_102] : memref<10240x128xf32, #tpu.memory_space<vmem_shared>> -> memref<96x128xf32, #tpu.memory_space<vmem_shared>>
      %dma_start3A_104 = arith.constant 0 : i32
      %dma_start3A_105 = arith.constant 0 : i32
      %dma_start3A_106 = tpu.memref_slice %arg8[%run_scoped3A_18, %dma_start3A_104, %dma_start3A_105] : memref<3x96x128xf32, #tpu.memory_space<vmem>> -> memref<1x96x128xf32, #tpu.memory_space<vmem>>
      %dma_start3A_107 = tpu.memref_squeeze %dma_start3A_106 : memref<1x96x128xf32, #tpu.memory_space<vmem>> -> memref<96x128xf32, #tpu.memory_space<vmem>>
      tpu.enqueue_dma source(%dma_start3A_107 : memref<96x128xf32, #tpu.memory_space<vmem>>) target(%dma_start3A_103 : memref<96x128xf32, #tpu.memory_space<vmem_shared>>) target_semaphore(%run_scoped3A_95 : memref<!tpu.dma_semaphore, #tpu.memory_space<semaphore_mem>>)
      %dma_wait3A = arith.constant 0 : i32
      %dma_wait3A_108 = arith.constant 0 : i32
      %dma_wait3A_109 = tpu.memref_slice %arg8[%run_scoped3A_18, %dma_wait3A, %dma_wait3A_108] : memref<3x96x128xf32, #tpu.memory_space<vmem>> -> memref<1x96x128xf32, #tpu.memory_space<vmem>>
      %dma_wait3A_110 = tpu.memref_squeeze %dma_wait3A_109 : memref<1x96x128xf32, #tpu.memory_space<vmem>> -> memref<96x128xf32, #tpu.memory_space<vmem>>
      %dma_wait3A_111 = arith.constant 0 : i32
      %dma_wait3A_112 = tpu.memref_slice %arg9[%add3A_17, %dma_wait3A_111] : memref<10240x128xf32, #tpu.memory_space<vmem_shared>> -> memref<96x128xf32, #tpu.memory_space<vmem_shared>>
      %dma_wait3A_113 = arith.constant 0 : i32
      %dma_wait3A_114 = tpu.memref_slice %arg9[%add3A_17, %dma_wait3A_113] : memref<10240x128xf32, #tpu.memory_space<vmem_shared>> -> memref<96x128xf32, #tpu.memory_space<vmem_shared>>
      %dma_wait3A_115 = arith.constant 0 : i32
      %dma_wait3A_116 = arith.constant 0 : i32
      %dma_wait3A_117 = tpu.memref_slice %arg8[%run_scoped3A_18, %dma_wait3A_115, %dma_wait3A_116] : memref<3x96x128xf32, #tpu.memory_space<vmem>> -> memref<1x96x128xf32, #tpu.memory_space<vmem>>
      %dma_wait3A_118 = tpu.memref_squeeze %dma_wait3A_117 : memref<1x96x128xf32, #tpu.memory_space<vmem>> -> memref<96x128xf32, #tpu.memory_space<vmem>>
      tpu.wait_dma2 semaphore(%run_scoped3A_95 : memref<!tpu.dma_semaphore, #tpu.memory_space<semaphore_mem>>) src(%dma_wait3A_118 : memref<96x128xf32, #tpu.memory_space<vmem>>) dst(%dma_wait3A_114 : memref<96x128xf32, #tpu.memory_space<vmem_shared>>)
      tpu.yield
    }) : () -> ()
    %add3A_19 = arith.constant 192 : i32
    %add3A_20 = arith.addi %mul3A_0, %add3A_19 : i32
    %run_scoped3A_21 = arith.constant 0 : i32
    "tpu.region"() ({
      %run_scoped3A_95 = tpu.sem_alloc : memref<!tpu.dma_semaphore, #tpu.memory_space<semaphore_mem>>
      %dma_start3A_96 = arith.constant 0 : i32
      %dma_start3A_97 = arith.constant 0 : i32
      %dma_start3A_98 = tpu.memref_slice %arg8[%run_scoped3A_21, %dma_start3A_96, %dma_start3A_97] : memref<3x96x128xf32, #tpu.memory_space<vmem>> -> memref<1x96x128xf32, #tpu.memory_space<vmem>>
      %dma_start3A_99 = tpu.memref_squeeze %dma_start3A_98 : memref<1x96x128xf32, #tpu.memory_space<vmem>> -> memref<96x128xf32, #tpu.memory_space<vmem>>
      %dma_start3A_100 = arith.constant 0 : i32
      %dma_start3A_101 = tpu.memref_slice %arg9[%add3A_20, %dma_start3A_100] : memref<10240x128xf32, #tpu.memory_space<vmem_shared>> -> memref<96x128xf32, #tpu.memory_space<vmem_shared>>
      %dma_start3A_102 = arith.constant 0 : i32
      %dma_start3A_103 = tpu.memref_slice %arg9[%add3A_20, %dma_start3A_102] : memref<10240x128xf32, #tpu.memory_space<vmem_shared>> -> memref<96x128xf32, #tpu.memory_space<vmem_shared>>
      %dma_start3A_104 = arith.constant 0 : i32
      %dma_start3A_105 = arith.constant 0 : i32
      %dma_start3A_106 = tpu.memref_slice %arg8[%run_scoped3A_21, %dma_start3A_104, %dma_start3A_105] : memref<3x96x128xf32, #tpu.memory_space<vmem>> -> memref<1x96x128xf32, #tpu.memory_space<vmem>>
      %dma_start3A_107 = tpu.memref_squeeze %dma_start3A_106 : memref<1x96x128xf32, #tpu.memory_space<vmem>> -> memref<96x128xf32, #tpu.memory_space<vmem>>
      tpu.enqueue_dma source(%dma_start3A_107 : memref<96x128xf32, #tpu.memory_space<vmem>>) target(%dma_start3A_103 : memref<96x128xf32, #tpu.memory_space<vmem_shared>>) target_semaphore(%run_scoped3A_95 : memref<!tpu.dma_semaphore, #tpu.memory_space<semaphore_mem>>)
      %dma_wait3A = arith.constant 0 : i32
      %dma_wait3A_108 = arith.constant 0 : i32
      %dma_wait3A_109 = tpu.memref_slice %arg8[%run_scoped3A_21, %dma_wait3A, %dma_wait3A_108] : memref<3x96x128xf32, #tpu.memory_space<vmem>> -> memref<1x96x128xf32, #tpu.memory_space<vmem>>
      %dma_wait3A_110 = tpu.memref_squeeze %dma_wait3A_109 : memref<1x96x128xf32, #tpu.memory_space<vmem>> -> memref<96x128xf32, #tpu.memory_space<vmem>>
      %dma_wait3A_111 = arith.constant 0 : i32
      %dma_wait3A_112 = tpu.memref_slice %arg9[%add3A_20, %dma_wait3A_111] : memref<10240x128xf32, #tpu.memory_space<vmem_shared>> -> memref<96x128xf32, #tpu.memory_space<vmem_shared>>
      %dma_wait3A_113 = arith.constant 0 : i32
      %dma_wait3A_114 = tpu.memref_slice %arg9[%add3A_20, %dma_wait3A_113] : memref<10240x128xf32, #tpu.memory_space<vmem_shared>> -> memref<96x128xf32, #tpu.memory_space<vmem_shared>>
      %dma_wait3A_115 = arith.constant 0 : i32
      %dma_wait3A_116 = arith.constant 0 : i32
      %dma_wait3A_117 = tpu.memref_slice %arg8[%run_scoped3A_21, %dma_wait3A_115, %dma_wait3A_116] : memref<3x96x128xf32, #tpu.memory_space<vmem>> -> memref<1x96x128xf32, #tpu.memory_space<vmem>>
      %dma_wait3A_118 = tpu.memref_squeeze %dma_wait3A_117 : memref<1x96x128xf32, #tpu.memory_space<vmem>> -> memref<96x128xf32, #tpu.memory_space<vmem>>
      tpu.wait_dma2 semaphore(%run_scoped3A_95 : memref<!tpu.dma_semaphore, #tpu.memory_space<semaphore_mem>>) src(%dma_wait3A_118 : memref<96x128xf32, #tpu.memory_space<vmem>>) dst(%dma_wait3A_114 : memref<96x128xf32, #tpu.memory_space<vmem_shared>>)
      tpu.yield
    }) : () -> ()
    %add3A_22 = arith.constant 288 : i32
    %add3A_23 = arith.addi %mul3A_0, %add3A_22 : i32
    %run_scoped3A_24 = arith.constant 0 : i32
    "tpu.region"() ({
      %run_scoped3A_95 = tpu.sem_alloc : memref<!tpu.dma_semaphore, #tpu.memory_space<semaphore_mem>>
      %dma_start3A_96 = arith.constant 0 : i32
      %dma_start3A_97 = arith.constant 0 : i32
      %dma_start3A_98 = tpu.memref_slice %arg8[%run_scoped3A_24, %dma_start3A_96, %dma_start3A_97] : memref<3x96x128xf32, #tpu.memory_space<vmem>> -> memref<1x96x128xf32, #tpu.memory_space<vmem>>
      %dma_start3A_99 = tpu.memref_squeeze %dma_start3A_98 : memref<1x96x128xf32, #tpu.memory_space<vmem>> -> memref<96x128xf32, #tpu.memory_space<vmem>>
      %dma_start3A_100 = arith.constant 0 : i32
      %dma_start3A_101 = tpu.memref_slice %arg9[%add3A_23, %dma_start3A_100] : memref<10240x128xf32, #tpu.memory_space<vmem_shared>> -> memref<96x128xf32, #tpu.memory_space<vmem_shared>>
      %dma_start3A_102 = arith.constant 0 : i32
      %dma_start3A_103 = tpu.memref_slice %arg9[%add3A_23, %dma_start3A_102] : memref<10240x128xf32, #tpu.memory_space<vmem_shared>> -> memref<96x128xf32, #tpu.memory_space<vmem_shared>>
      %dma_start3A_104 = arith.constant 0 : i32
      %dma_start3A_105 = arith.constant 0 : i32
      %dma_start3A_106 = tpu.memref_slice %arg8[%run_scoped3A_24, %dma_start3A_104, %dma_start3A_105] : memref<3x96x128xf32, #tpu.memory_space<vmem>> -> memref<1x96x128xf32, #tpu.memory_space<vmem>>
      %dma_start3A_107 = tpu.memref_squeeze %dma_start3A_106 : memref<1x96x128xf32, #tpu.memory_space<vmem>> -> memref<96x128xf32, #tpu.memory_space<vmem>>
      tpu.enqueue_dma source(%dma_start3A_107 : memref<96x128xf32, #tpu.memory_space<vmem>>) target(%dma_start3A_103 : memref<96x128xf32, #tpu.memory_space<vmem_shared>>) target_semaphore(%run_scoped3A_95 : memref<!tpu.dma_semaphore, #tpu.memory_space<semaphore_mem>>)
      %dma_wait3A = arith.constant 0 : i32
      %dma_wait3A_108 = arith.constant 0 : i32
      %dma_wait3A_109 = tpu.memref_slice %arg8[%run_scoped3A_24, %dma_wait3A, %dma_wait3A_108] : memref<3x96x128xf32, #tpu.memory_space<vmem>> -> memref<1x96x128xf32, #tpu.memory_space<vmem>>
      %dma_wait3A_110 = tpu.memref_squeeze %dma_wait3A_109 : memref<1x96x128xf32, #tpu.memory_space<vmem>> -> memref<96x128xf32, #tpu.memory_space<vmem>>
      %dma_wait3A_111 = arith.constant 0 : i32
      %dma_wait3A_112 = tpu.memref_slice %arg9[%add3A_23, %dma_wait3A_111] : memref<10240x128xf32, #tpu.memory_space<vmem_shared>> -> memref<96x128xf32, #tpu.memory_space<vmem_shared>>
      %dma_wait3A_113 = arith.constant 0 : i32
      %dma_wait3A_114 = tpu.memref_slice %arg9[%add3A_23, %dma_wait3A_113] : memref<10240x128xf32, #tpu.memory_space<vmem_shared>> -> memref<96x128xf32, #tpu.memory_space<vmem_shared>>
      %dma_wait3A_115 = arith.constant 0 : i32
      %dma_wait3A_116 = arith.constant 0 : i32
      %dma_wait3A_117 = tpu.memref_slice %arg8[%run_scoped3A_24, %dma_wait3A_115, %dma_wait3A_116] : memref<3x96x128xf32, #tpu.memory_space<vmem>> -> memref<1x96x128xf32, #tpu.memory_space<vmem>>
      %dma_wait3A_118 = tpu.memref_squeeze %dma_wait3A_117 : memref<1x96x128xf32, #tpu.memory_space<vmem>> -> memref<96x128xf32, #tpu.memory_space<vmem>>
      tpu.wait_dma2 semaphore(%run_scoped3A_95 : memref<!tpu.dma_semaphore, #tpu.memory_space<semaphore_mem>>) src(%dma_wait3A_118 : memref<96x128xf32, #tpu.memory_space<vmem>>) dst(%dma_wait3A_114 : memref<96x128xf32, #tpu.memory_space<vmem_shared>>)
      tpu.yield
    }) : () -> ()
    %add3A_25 = arith.constant 384 : i32
    %add3A_26 = arith.addi %mul3A_0, %add3A_25 : i32
    %run_scoped3A_27 = arith.constant 0 : i32
    "tpu.region"() ({
      %run_scoped3A_95 = tpu.sem_alloc : memref<!tpu.dma_semaphore, #tpu.memory_space<semaphore_mem>>
      %dma_start3A_96 = arith.constant 0 : i32
      %dma_start3A_97 = arith.constant 0 : i32
      %dma_start3A_98 = tpu.memref_slice %arg8[%run_scoped3A_27, %dma_start3A_96, %dma_start3A_97] : memref<3x96x128xf32, #tpu.memory_space<vmem>> -> memref<1x96x128xf32, #tpu.memory_space<vmem>>
      %dma_start3A_99 = tpu.memref_squeeze %dma_start3A_98 : memref<1x96x128xf32, #tpu.memory_space<vmem>> -> memref<96x128xf32, #tpu.memory_space<vmem>>
      %dma_start3A_100 = arith.constant 0 : i32
      %dma_start3A_101 = tpu.memref_slice %arg9[%add3A_26, %dma_start3A_100] : memref<10240x128xf32, #tpu.memory_space<vmem_shared>> -> memref<96x128xf32, #tpu.memory_space<vmem_shared>>
      %dma_start3A_102 = arith.constant 0 : i32
      %dma_start3A_103 = tpu.memref_slice %arg9[%add3A_26, %dma_start3A_102] : memref<10240x128xf32, #tpu.memory_space<vmem_shared>> -> memref<96x128xf32, #tpu.memory_space<vmem_shared>>
      %dma_start3A_104 = arith.constant 0 : i32
      %dma_start3A_105 = arith.constant 0 : i32
      %dma_start3A_106 = tpu.memref_slice %arg8[%run_scoped3A_27, %dma_start3A_104, %dma_start3A_105] : memref<3x96x128xf32, #tpu.memory_space<vmem>> -> memref<1x96x128xf32, #tpu.memory_space<vmem>>
      %dma_start3A_107 = tpu.memref_squeeze %dma_start3A_106 : memref<1x96x128xf32, #tpu.memory_space<vmem>> -> memref<96x128xf32, #tpu.memory_space<vmem>>
      tpu.enqueue_dma source(%dma_start3A_107 : memref<96x128xf32, #tpu.memory_space<vmem>>) target(%dma_start3A_103 : memref<96x128xf32, #tpu.memory_space<vmem_shared>>) target_semaphore(%run_scoped3A_95 : memref<!tpu.dma_semaphore, #tpu.memory_space<semaphore_mem>>)
      %dma_wait3A = arith.constant 0 : i32
      %dma_wait3A_108 = arith.constant 0 : i32
      %dma_wait3A_109 = tpu.memref_slice %arg8[%run_scoped3A_27, %dma_wait3A, %dma_wait3A_108] : memref<3x96x128xf32, #tpu.memory_space<vmem>> -> memref<1x96x128xf32, #tpu.memory_space<vmem>>
      %dma_wait3A_110 = tpu.memref_squeeze %dma_wait3A_109 : memref<1x96x128xf32, #tpu.memory_space<vmem>> -> memref<96x128xf32, #tpu.memory_space<vmem>>
      %dma_wait3A_111 = arith.constant 0 : i32
      %dma_wait3A_112 = tpu.memref_slice %arg9[%add3A_26, %dma_wait3A_111] : memref<10240x128xf32, #tpu.memory_space<vmem_shared>> -> memref<96x128xf32, #tpu.memory_space<vmem_shared>>
      %dma_wait3A_113 = arith.constant 0 : i32
      %dma_wait3A_114 = tpu.memref_slice %arg9[%add3A_26, %dma_wait3A_113] : memref<10240x128xf32, #tpu.memory_space<vmem_shared>> -> memref<96x128xf32, #tpu.memory_space<vmem_shared>>
      %dma_wait3A_115 = arith.constant 0 : i32
      %dma_wait3A_116 = arith.constant 0 : i32
      %dma_wait3A_117 = tpu.memref_slice %arg8[%run_scoped3A_27, %dma_wait3A_115, %dma_wait3A_116] : memref<3x96x128xf32, #tpu.memory_space<vmem>> -> memref<1x96x128xf32, #tpu.memory_space<vmem>>
      %dma_wait3A_118 = tpu.memref_squeeze %dma_wait3A_117 : memref<1x96x128xf32, #tpu.memory_space<vmem>> -> memref<96x128xf32, #tpu.memory_space<vmem>>
      tpu.wait_dma2 semaphore(%run_scoped3A_95 : memref<!tpu.dma_semaphore, #tpu.memory_space<semaphore_mem>>) src(%dma_wait3A_118 : memref<96x128xf32, #tpu.memory_space<vmem>>) dst(%dma_wait3A_114 : memref<96x128xf32, #tpu.memory_space<vmem_shared>>)
      tpu.yield
    }) : () -> ()
    %add3A_28 = arith.constant 480 : i32
    %add3A_29 = arith.addi %mul3A_0, %add3A_28 : i32
    %run_scoped3A_30 = arith.constant 0 : i32
    "tpu.region"() ({
      %run_scoped3A_95 = tpu.sem_alloc : memref<!tpu.dma_semaphore, #tpu.memory_space<semaphore_mem>>
      %dma_start3A_96 = arith.constant 0 : i32
      %dma_start3A_97 = arith.constant 0 : i32
      %dma_start3A_98 = tpu.memref_slice %arg8[%run_scoped3A_30, %dma_start3A_96, %dma_start3A_97] : memref<3x96x128xf32, #tpu.memory_space<vmem>> -> memref<1x96x128xf32, #tpu.memory_space<vmem>>
      %dma_start3A_99 = tpu.memref_squeeze %dma_start3A_98 : memref<1x96x128xf32, #tpu.memory_space<vmem>> -> memref<96x128xf32, #tpu.memory_space<vmem>>
      %dma_start3A_100 = arith.constant 0 : i32
      %dma_start3A_101 = tpu.memref_slice %arg9[%add3A_29, %dma_start3A_100] : memref<10240x128xf32, #tpu.memory_space<vmem_shared>> -> memref<96x128xf32, #tpu.memory_space<vmem_shared>>
      %dma_start3A_102 = arith.constant 0 : i32
      %dma_start3A_103 = tpu.memref_slice %arg9[%add3A_29, %dma_start3A_102] : memref<10240x128xf32, #tpu.memory_space<vmem_shared>> -> memref<96x128xf32, #tpu.memory_space<vmem_shared>>
      %dma_start3A_104 = arith.constant 0 : i32
      %dma_start3A_105 = arith.constant 0 : i32
      %dma_start3A_106 = tpu.memref_slice %arg8[%run_scoped3A_30, %dma_start3A_104, %dma_start3A_105] : memref<3x96x128xf32, #tpu.memory_space<vmem>> -> memref<1x96x128xf32, #tpu.memory_space<vmem>>
      %dma_start3A_107 = tpu.memref_squeeze %dma_start3A_106 : memref<1x96x128xf32, #tpu.memory_space<vmem>> -> memref<96x128xf32, #tpu.memory_space<vmem>>
      tpu.enqueue_dma source(%dma_start3A_107 : memref<96x128xf32, #tpu.memory_space<vmem>>) target(%dma_start3A_103 : memref<96x128xf32, #tpu.memory_space<vmem_shared>>) target_semaphore(%run_scoped3A_95 : memref<!tpu.dma_semaphore, #tpu.memory_space<semaphore_mem>>)
      %dma_wait3A = arith.constant 0 : i32
      %dma_wait3A_108 = arith.constant 0 : i32
      %dma_wait3A_109 = tpu.memref_slice %arg8[%run_scoped3A_30, %dma_wait3A, %dma_wait3A_108] : memref<3x96x128xf32, #tpu.memory_space<vmem>> -> memref<1x96x128xf32, #tpu.memory_space<vmem>>
      %dma_wait3A_110 = tpu.memref_squeeze %dma_wait3A_109 : memref<1x96x128xf32, #tpu.memory_space<vmem>> -> memref<96x128xf32, #tpu.memory_space<vmem>>
      %dma_wait3A_111 = arith.constant 0 : i32
      %dma_wait3A_112 = tpu.memref_slice %arg9[%add3A_29, %dma_wait3A_111] : memref<10240x128xf32, #tpu.memory_space<vmem_shared>> -> memref<96x128xf32, #tpu.memory_space<vmem_shared>>
      %dma_wait3A_113 = arith.constant 0 : i32
      %dma_wait3A_114 = tpu.memref_slice %arg9[%add3A_29, %dma_wait3A_113] : memref<10240x128xf32, #tpu.memory_space<vmem_shared>> -> memref<96x128xf32, #tpu.memory_space<vmem_shared>>
      %dma_wait3A_115 = arith.constant 0 : i32
      %dma_wait3A_116 = arith.constant 0 : i32
      %dma_wait3A_117 = tpu.memref_slice %arg8[%run_scoped3A_30, %dma_wait3A_115, %dma_wait3A_116] : memref<3x96x128xf32, #tpu.memory_space<vmem>> -> memref<1x96x128xf32, #tpu.memory_space<vmem>>
      %dma_wait3A_118 = tpu.memref_squeeze %dma_wait3A_117 : memref<1x96x128xf32, #tpu.memory_space<vmem>> -> memref<96x128xf32, #tpu.memory_space<vmem>>
      tpu.wait_dma2 semaphore(%run_scoped3A_95 : memref<!tpu.dma_semaphore, #tpu.memory_space<semaphore_mem>>) src(%dma_wait3A_118 : memref<96x128xf32, #tpu.memory_space<vmem>>) dst(%dma_wait3A_114 : memref<96x128xf32, #tpu.memory_space<vmem_shared>>)
      tpu.yield
    }) : () -> ()
    %add3A_31 = arith.constant 576 : i32
    %add3A_32 = arith.addi %mul3A_0, %add3A_31 : i32
    %run_scoped3A_33 = arith.constant 0 : i32
    "tpu.region"() ({
      %run_scoped3A_95 = tpu.sem_alloc : memref<!tpu.dma_semaphore, #tpu.memory_space<semaphore_mem>>
      %dma_start3A_96 = arith.constant 0 : i32
      %dma_start3A_97 = arith.constant 0 : i32
      %dma_start3A_98 = tpu.memref_slice %arg8[%run_scoped3A_33, %dma_start3A_96, %dma_start3A_97] : memref<3x96x128xf32, #tpu.memory_space<vmem>> -> memref<1x96x128xf32, #tpu.memory_space<vmem>>
      %dma_start3A_99 = tpu.memref_squeeze %dma_start3A_98 : memref<1x96x128xf32, #tpu.memory_space<vmem>> -> memref<96x128xf32, #tpu.memory_space<vmem>>
      %dma_start3A_100 = arith.constant 0 : i32
      %dma_start3A_101 = arith.constant 0 : i32
      %dma_start3A_102 = tpu.memref_slice %dma_start3A_99[%dma_start3A_100, %dma_start3A_101] : memref<96x128xf32, #tpu.memory_space<vmem>> -> memref<64x128xf32, #tpu.memory_space<vmem>>
      %dma_start3A_103 = arith.constant 0 : i32
      %dma_start3A_104 = tpu.memref_slice %arg9[%add3A_32, %dma_start3A_103] : memref<10240x128xf32, #tpu.memory_space<vmem_shared>> -> memref<64x128xf32, #tpu.memory_space<vmem_shared>>
      %dma_start3A_105 = arith.constant 0 : i32
      %dma_start3A_106 = tpu.memref_slice %arg9[%add3A_32, %dma_start3A_105] : memref<10240x128xf32, #tpu.memory_space<vmem_shared>> -> memref<64x128xf32, #tpu.memory_space<vmem_shared>>
      %dma_start3A_107 = arith.constant 0 : i32
      %dma_start3A_108 = arith.constant 0 : i32
      %dma_start3A_109 = tpu.memref_slice %arg8[%run_scoped3A_33, %dma_start3A_107, %dma_start3A_108] : memref<3x96x128xf32, #tpu.memory_space<vmem>> -> memref<1x96x128xf32, #tpu.memory_space<vmem>>
      %dma_start3A_110 = tpu.memref_squeeze %dma_start3A_109 : memref<1x96x128xf32, #tpu.memory_space<vmem>> -> memref<96x128xf32, #tpu.memory_space<vmem>>
      %dma_start3A_111 = arith.constant 0 : i32
      %dma_start3A_112 = arith.constant 0 : i32
      %dma_start3A_113 = tpu.memref_slice %dma_start3A_110[%dma_start3A_111, %dma_start3A_112] : memref<96x128xf32, #tpu.memory_space<vmem>> -> memref<64x128xf32, #tpu.memory_space<vmem>>
      tpu.enqueue_dma source(%dma_start3A_113 : memref<64x128xf32, #tpu.memory_space<vmem>>) target(%dma_start3A_106 : memref<64x128xf32, #tpu.memory_space<vmem_shared>>) target_semaphore(%run_scoped3A_95 : memref<!tpu.dma_semaphore, #tpu.memory_space<semaphore_mem>>)
      %dma_wait3A = arith.constant 0 : i32
      %dma_wait3A_114 = arith.constant 0 : i32
      %dma_wait3A_115 = tpu.memref_slice %arg8[%run_scoped3A_33, %dma_wait3A, %dma_wait3A_114] : memref<3x96x128xf32, #tpu.memory_space<vmem>> -> memref<1x96x128xf32, #tpu.memory_space<vmem>>
      %dma_wait3A_116 = tpu.memref_squeeze %dma_wait3A_115 : memref<1x96x128xf32, #tpu.memory_space<vmem>> -> memref<96x128xf32, #tpu.memory_space<vmem>>
      %dma_wait3A_117 = arith.constant 0 : i32
      %dma_wait3A_118 = arith.constant 0 : i32
      %dma_wait3A_119 = tpu.memref_slice %dma_wait3A_116[%dma_wait3A_117, %dma_wait3A_118] : memref<96x128xf32, #tpu.memory_space<vmem>> -> memref<64x128xf32, #tpu.memory_space<vmem>>
      %dma_wait3A_120 = arith.constant 0 : i32
      %dma_wait3A_121 = tpu.memref_slice %arg9[%add3A_32, %dma_wait3A_120] : memref<10240x128xf32, #tpu.memory_space<vmem_shared>> -> memref<64x128xf32, #tpu.memory_space<vmem_shared>>
      %dma_wait3A_122 = arith.constant 0 : i32
      %dma_wait3A_123 = tpu.memref_slice %arg9[%add3A_32, %dma_wait3A_122] : memref<10240x128xf32, #tpu.memory_space<vmem_shared>> -> memref<64x128xf32, #tpu.memory_space<vmem_shared>>
      %dma_wait3A_124 = arith.constant 0 : i32
      %dma_wait3A_125 = arith.constant 0 : i32
      %dma_wait3A_126 = tpu.memref_slice %arg8[%run_scoped3A_33, %dma_wait3A_124, %dma_wait3A_125] : memref<3x96x128xf32, #tpu.memory_space<vmem>> -> memref<1x96x128xf32, #tpu.memory_space<vmem>>
      %dma_wait3A_127 = tpu.memref_squeeze %dma_wait3A_126 : memref<1x96x128xf32, #tpu.memory_space<vmem>> -> memref<96x128xf32, #tpu.memory_space<vmem>>
      %dma_wait3A_128 = arith.constant 0 : i32
      %dma_wait3A_129 = arith.constant 0 : i32
      %dma_wait3A_130 = tpu.memref_slice %dma_wait3A_127[%dma_wait3A_128, %dma_wait3A_129] : memref<96x128xf32, #tpu.memory_space<vmem>> -> memref<64x128xf32, #tpu.memory_space<vmem>>
      tpu.wait_dma2 semaphore(%run_scoped3A_95 : memref<!tpu.dma_semaphore, #tpu.memory_space<semaphore_mem>>) src(%dma_wait3A_130 : memref<64x128xf32, #tpu.memory_space<vmem>>) dst(%dma_wait3A_123 : memref<64x128xf32, #tpu.memory_space<vmem_shared>>)
      tpu.yield
    }) : () -> ()
    %barrier3A = arith.constant 0 : index
    tpu.barrier barrier_id(%barrier3A)
    "tpu.region"() ({
      %run_scoped3A_95 = tpu.sem_alloc : memref<!tpu.dma_semaphore, #tpu.memory_space<semaphore_mem>>
      %dma_start3A_96 = arith.constant 0 : i32
      %dma_start3A_97 = tpu.memref_slice %arg3[%select_n3A_8, %dma_start3A_96] : memref<3440x96xi32, #tpu.memory_space<hbm>> -> memref<47x96xi32, #tpu.memory_space<hbm>>
      %dma_start3A_98 = arith.constant 0 : i32
      %dma_start3A_99 = tpu.memref_slice %arg3[%select_n3A_8, %dma_start3A_98] : memref<3440x96xi32, #tpu.memory_space<hbm>> -> memref<47x96xi32, #tpu.memory_space<hbm>>
      tpu.enqueue_dma source(%dma_start3A_99 : memref<47x96xi32, #tpu.memory_space<hbm>>) target(%arg6 : memref<47x96xi32, #tpu.memory_space<vmem>>) target_semaphore(%run_scoped3A_95 : memref<!tpu.dma_semaphore, #tpu.memory_space<semaphore_mem>>)
      %dma_wait3A = arith.constant 0 : i32
      %dma_wait3A_100 = tpu.memref_slice %arg3[%select_n3A_8, %dma_wait3A] : memref<3440x96xi32, #tpu.memory_space<hbm>> -> memref<47x96xi32, #tpu.memory_space<hbm>>
      %dma_wait3A_101 = arith.constant 0 : i32
      %dma_wait3A_102 = tpu.memref_slice %arg3[%select_n3A_8, %dma_wait3A_101] : memref<3440x96xi32, #tpu.memory_space<hbm>> -> memref<47x96xi32, #tpu.memory_space<hbm>>
      tpu.wait_dma2 semaphore(%run_scoped3A_95 : memref<!tpu.dma_semaphore, #tpu.memory_space<semaphore_mem>>) src(%dma_wait3A_102 : memref<47x96xi32, #tpu.memory_space<hbm>>) dst(%arg6 : memref<47x96xi32, #tpu.memory_space<vmem>>)
      tpu.yield
    }) : () -> ()
    "tpu.region"() ({
      %run_scoped3A_95 = tpu.sem_alloc : memref<!tpu.dma_semaphore, #tpu.memory_space<semaphore_mem>>
      %dma_start3A_96 = arith.constant 0 : i32
      %dma_start3A_97 = tpu.memref_slice %arg4[%select_n3A_8, %dma_start3A_96] : memref<3440x96xi32, #tpu.memory_space<hbm>> -> memref<47x96xi32, #tpu.memory_space<hbm>>
      %dma_start3A_98 = arith.constant 0 : i32
      %dma_start3A_99 = tpu.memref_slice %arg4[%select_n3A_8, %dma_start3A_98] : memref<3440x96xi32, #tpu.memory_space<hbm>> -> memref<47x96xi32, #tpu.memory_space<hbm>>
      tpu.enqueue_dma source(%dma_start3A_99 : memref<47x96xi32, #tpu.memory_space<hbm>>) target(%arg7 : memref<47x96xi32, #tpu.memory_space<vmem>>) target_semaphore(%run_scoped3A_95 : memref<!tpu.dma_semaphore, #tpu.memory_space<semaphore_mem>>)
      %dma_wait3A = arith.constant 0 : i32
      %dma_wait3A_100 = tpu.memref_slice %arg4[%select_n3A_8, %dma_wait3A] : memref<3440x96xi32, #tpu.memory_space<hbm>> -> memref<47x96xi32, #tpu.memory_space<hbm>>
      %dma_wait3A_101 = arith.constant 0 : i32
      %dma_wait3A_102 = tpu.memref_slice %arg4[%select_n3A_8, %dma_wait3A_101] : memref<3440x96xi32, #tpu.memory_space<hbm>> -> memref<47x96xi32, #tpu.memory_space<hbm>>
      tpu.wait_dma2 semaphore(%run_scoped3A_95 : memref<!tpu.dma_semaphore, #tpu.memory_space<semaphore_mem>>) src(%dma_wait3A_102 : memref<47x96xi32, #tpu.memory_space<hbm>>) dst(%arg7 : memref<47x96xi32, #tpu.memory_space<vmem>>)
      tpu.yield
    }) : () -> ()
    %dma_start3A = arith.constant 0 : i32
    %dma_start3A_34 = arith.constant 0 : i32
    %dma_start3A_35 = arith.constant 0 : i32
    %dma_start3A_36 = arith.constant 0 : i32
    %dma_start3A_37 = tpu.memref_slice %arg8[%dma_start3A_34, %dma_start3A_35, %dma_start3A_36] : memref<3x96x128xf32, #tpu.memory_space<vmem>> -> memref<1x96x128xf32, #tpu.memory_space<vmem>>
    %dma_start3A_38 = tpu.memref_squeeze %dma_start3A_37 : memref<1x96x128xf32, #tpu.memory_space<vmem>> -> memref<96x128xf32, #tpu.memory_space<vmem>>
    %dma_start3A_39 = arith.constant 0 : i32
    %dma_start3A_40 = tpu.memref_slice %arg6[%dma_start3A, %dma_start3A_39] : memref<47x96xi32, #tpu.memory_space<vmem>> -> memref<1x96xi32, #tpu.memory_space<vmem>>
    %dma_start3A_41 = tpu.memref_squeeze %dma_start3A_40 : memref<1x96xi32, #tpu.memory_space<vmem>> -> memref<96xi32, #tpu.memory_space<vmem>>
    %dma_start3A_42 = arith.constant 0 : i32
    %dma_start3A_43 = arith.constant 0 : i32
    %dma_start3A_44 = tpu.memref_slice %arg2[%dma_start3A_42, %dma_start3A_43] : memref<10240x128xf32, #tpu.memory_space<hbm>> -> memref<10240x128xf32, #tpu.memory_space<hbm>>
    tpu.enqueue_indirect_dma source(%dma_start3A_44 : memref<10240x128xf32, #tpu.memory_space<hbm>>) target(%dma_start3A_38 : memref<96x128xf32, #tpu.memory_space<vmem>>) offsets(%dma_start3A_41 : memref<96xi32, #tpu.memory_space<vmem>>) semaphore(%arg10 : memref<!tpu.dma_semaphore, #tpu.memory_space<semaphore_mem>>)
    %dma_start3A_45 = arith.constant 1 : i32
    %dma_start3A_46 = arith.constant 1 : i32
    %dma_start3A_47 = arith.constant 0 : i32
    %dma_start3A_48 = arith.constant 0 : i32
    %dma_start3A_49 = tpu.memref_slice %arg8[%dma_start3A_46, %dma_start3A_47, %dma_start3A_48] : memref<3x96x128xf32, #tpu.memory_space<vmem>> -> memref<1x96x128xf32, #tpu.memory_space<vmem>>
    %dma_start3A_50 = tpu.memref_squeeze %dma_start3A_49 : memref<1x96x128xf32, #tpu.memory_space<vmem>> -> memref<96x128xf32, #tpu.memory_space<vmem>>
    %dma_start3A_51 = arith.constant 0 : i32
    %dma_start3A_52 = tpu.memref_slice %arg6[%dma_start3A_45, %dma_start3A_51] : memref<47x96xi32, #tpu.memory_space<vmem>> -> memref<1x96xi32, #tpu.memory_space<vmem>>
    %dma_start3A_53 = tpu.memref_squeeze %dma_start3A_52 : memref<1x96xi32, #tpu.memory_space<vmem>> -> memref<96xi32, #tpu.memory_space<vmem>>
    %dma_start3A_54 = arith.constant 0 : i32
    %dma_start3A_55 = arith.constant 0 : i32
    %dma_start3A_56 = tpu.memref_slice %arg2[%dma_start3A_54, %dma_start3A_55] : memref<10240x128xf32, #tpu.memory_space<hbm>> -> memref<10240x128xf32, #tpu.memory_space<hbm>>
    tpu.enqueue_indirect_dma source(%dma_start3A_56 : memref<10240x128xf32, #tpu.memory_space<hbm>>) target(%dma_start3A_50 : memref<96x128xf32, #tpu.memory_space<vmem>>) offsets(%dma_start3A_53 : memref<96xi32, #tpu.memory_space<vmem>>) semaphore(%arg10 : memref<!tpu.dma_semaphore, #tpu.memory_space<semaphore_mem>>)
    %while3A = arith.constant 0 : i32
    %while3A_57 = arith.constant 0 : i32
    %while3A_58 = arith.subi %select_n3A, %while3A_57 : i32
    %while3A_59 = arith.addi %while3A_57, %while3A_58 : i32
    %while3A_60 = arith.constant 1 : i32
    %while3A_61 = arith.divsi %while3A_58, %while3A_60 : i32
    %while3A_62 = arith.muli %while3A_61, %while3A_60 : i32
    %while3A_63 = arith.addi %while3A_57, %while3A_62 : i32
    %while3A_64 = arith.constant 1 : i32
    scf.for %while3A_95 = %while3A_57 to %while3A_63 step %while3A_64  : i32 {
      %jit3A_96 = arith.constant 3 : i32
      %eq3A_97 = arith.constant 0 : i32
      %eq3A_98 = arith.cmpi eq, %jit3A_96, %eq3A_97 : i32
      %jit3A_99 = arith.constant 1 : i32
      %select_n3A_100 = arith.select %eq3A_98, %jit3A_99, %jit3A_96 : i32
      %rem3A = arith.remsi %while3A_95, %select_n3A_100 : i32
      %ne3A = arith.constant 0 : i32
      %ne3A_101 = arith.cmpi ne, %rem3A, %ne3A : i32
      %lt3A = arith.constant 0 : i32
      %lt3A_102 = arith.cmpi slt, %rem3A, %lt3A : i32
      %lt3A_103 = arith.constant 0 : i32
      %lt3A_104 = arith.cmpi slt, %select_n3A_100, %lt3A_103 : i32
      %ne3A_105 = arith.xori %lt3A_102, %lt3A_104 : i1
      %and3A = arith.andi %ne3A_105, %ne3A_101 : i1
      %add3A_106 = arith.addi %rem3A, %select_n3A_100 : i32
      %select_n3A_107 = arith.select %and3A, %add3A_106, %rem3A : i32
      %jit3A_108 = arith.constant 47 : i32
      %eq3A_109 = arith.constant 0 : i32
      %eq3A_110 = arith.cmpi eq, %jit3A_108, %eq3A_109 : i32
      %jit3A_111 = arith.constant 1 : i32
      %select_n3A_112 = arith.select %eq3A_110, %jit3A_111, %jit3A_108 : i32
      %rem3A_113 = arith.remsi %while3A_95, %select_n3A_112 : i32
      %ne3A_114 = arith.constant 0 : i32
      %ne3A_115 = arith.cmpi ne, %rem3A_113, %ne3A_114 : i32
      %lt3A_116 = arith.constant 0 : i32
      %lt3A_117 = arith.cmpi slt, %rem3A_113, %lt3A_116 : i32
      %lt3A_118 = arith.constant 0 : i32
      %lt3A_119 = arith.cmpi slt, %select_n3A_112, %lt3A_118 : i32
      %ne3A_120 = arith.xori %lt3A_117, %lt3A_119 : i1
      %and3A_121 = arith.andi %ne3A_120, %ne3A_115 : i1
      %add3A_122 = arith.addi %rem3A_113, %select_n3A_112 : i32
      %select_n3A_123 = arith.select %and3A_121, %add3A_122, %rem3A_113 : i32
      %dma_wait3A = arith.constant 0 : i32
      %dma_wait3A_124 = arith.constant 0 : i32
      %dma_wait3A_125 = tpu.memref_slice %arg8[%select_n3A_107, %dma_wait3A, %dma_wait3A_124] : memref<3x96x128xf32, #tpu.memory_space<vmem>> -> memref<1x96x128xf32, #tpu.memory_space<vmem>>
      %dma_wait3A_126 = tpu.memref_squeeze %dma_wait3A_125 : memref<1x96x128xf32, #tpu.memory_space<vmem>> -> memref<96x128xf32, #tpu.memory_space<vmem>>
      %dma_wait3A_127 = arith.constant 0 : i32
      %dma_wait3A_128 = tpu.memref_slice %arg6[%select_n3A_123, %dma_wait3A_127] : memref<47x96xi32, #tpu.memory_space<vmem>> -> memref<1x96xi32, #tpu.memory_space<vmem>>
      %dma_wait3A_129 = tpu.memref_squeeze %dma_wait3A_128 : memref<1x96xi32, #tpu.memory_space<vmem>> -> memref<96xi32, #tpu.memory_space<vmem>>
      %dma_wait3A_130 = arith.constant 0 : i32
      %dma_wait3A_131 = arith.constant 0 : i32
      %dma_wait3A_132 = tpu.memref_slice %arg2[%dma_wait3A_130, %dma_wait3A_131] : memref<10240x128xf32, #tpu.memory_space<hbm>> -> memref<10240x128xf32, #tpu.memory_space<hbm>>
      tpu.wait_indirect_dma semaphore(%arg10 : memref<!tpu.dma_semaphore, #tpu.memory_space<semaphore_mem>>) src(%dma_wait3A_132 : memref<10240x128xf32, #tpu.memory_space<hbm>>) dst(%dma_wait3A_126 : memref<96x128xf32, #tpu.memory_space<vmem>>)
      %add3A_133 = arith.constant 2 : i32
      %add3A_134 = arith.addi %while3A_95, %add3A_133 : i32
      %lt3A_135 = arith.cmpi slt, %add3A_134, %select_n3A : i32
      %jit3A_136 = arith.constant 47 : i32
      %eq3A_137 = arith.constant 0 : i32
      %eq3A_138 = arith.cmpi eq, %jit3A_136, %eq3A_137 : i32
      %jit3A_139 = arith.constant 1 : i32
      %select_n3A_140 = arith.select %eq3A_138, %jit3A_139, %jit3A_136 : i32
      %rem3A_141 = arith.remsi %add3A_134, %select_n3A_140 : i32
      %ne3A_142 = arith.constant 0 : i32
      %ne3A_143 = arith.cmpi ne, %rem3A_141, %ne3A_142 : i32
      %lt3A_144 = arith.constant 0 : i32
      %lt3A_145 = arith.cmpi slt, %rem3A_141, %lt3A_144 : i32
      %lt3A_146 = arith.constant 0 : i32
      %lt3A_147 = arith.cmpi slt, %select_n3A_140, %lt3A_146 : i32
      %ne3A_148 = arith.xori %lt3A_145, %lt3A_147 : i1
      %and3A_149 = arith.andi %ne3A_148, %ne3A_143 : i1
      %add3A_150 = arith.addi %rem3A_141, %select_n3A_140 : i32
      %select_n3A_151 = arith.select %and3A_149, %add3A_150, %rem3A_141 : i32
      %eq3A_152 = arith.constant 0 : i32
      %eq3A_153 = arith.cmpi eq, %select_n3A_151, %eq3A_152 : i32
      %and3A_154 = arith.andi %lt3A_135, %eq3A_153 : i1
      %convert_element_type3A = arith.extui %and3A_154 : i1 to i32
      %cond3A = arith.constant 0 : i32
      %cond3A_155 = arith.cmpi ne, %convert_element_type3A, %cond3A : i32
      scf.if %cond3A_155 {
        %add3A_199 = arith.addi %select_n3A_8, %add3A_134 : i32
        "tpu.region"() ({
          %run_scoped3A_200 = tpu.sem_alloc : memref<!tpu.dma_semaphore, #tpu.memory_space<semaphore_mem>>
          %dma_start3A_201 = arith.constant 0 : i32
          %dma_start3A_202 = tpu.memref_slice %arg3[%add3A_199, %dma_start3A_201] : memref<3440x96xi32, #tpu.memory_space<hbm>> -> memref<47x96xi32, #tpu.memory_space<hbm>>
          %dma_start3A_203 = arith.constant 0 : i32
          %dma_start3A_204 = tpu.memref_slice %arg3[%add3A_199, %dma_start3A_203] : memref<3440x96xi32, #tpu.memory_space<hbm>> -> memref<47x96xi32, #tpu.memory_space<hbm>>
          tpu.enqueue_dma source(%dma_start3A_204 : memref<47x96xi32, #tpu.memory_space<hbm>>) target(%arg6 : memref<47x96xi32, #tpu.memory_space<vmem>>) target_semaphore(%run_scoped3A_200 : memref<!tpu.dma_semaphore, #tpu.memory_space<semaphore_mem>>)
          %dma_wait3A_205 = arith.constant 0 : i32
          %dma_wait3A_206 = tpu.memref_slice %arg3[%add3A_199, %dma_wait3A_205] : memref<3440x96xi32, #tpu.memory_space<hbm>> -> memref<47x96xi32, #tpu.memory_space<hbm>>
          %dma_wait3A_207 = arith.constant 0 : i32
          %dma_wait3A_208 = tpu.memref_slice %arg3[%add3A_199, %dma_wait3A_207] : memref<3440x96xi32, #tpu.memory_space<hbm>> -> memref<47x96xi32, #tpu.memory_space<hbm>>
          tpu.wait_dma2 semaphore(%run_scoped3A_200 : memref<!tpu.dma_semaphore, #tpu.memory_space<semaphore_mem>>) src(%dma_wait3A_208 : memref<47x96xi32, #tpu.memory_space<hbm>>) dst(%arg6 : memref<47x96xi32, #tpu.memory_space<vmem>>)
          tpu.yield
        }) : () -> ()
      } else {
      }
      %lt3A_156 = arith.cmpi slt, %add3A_134, %select_n3A : i32
      %convert_element_type3A_157 = arith.extui %lt3A_156 : i1 to i32
      %cond3A_158 = arith.constant 0 : i32
      %cond3A_159 = arith.cmpi ne, %convert_element_type3A_157, %cond3A_158 : i32
      scf.if %cond3A_159 {
        %jit3A_199 = arith.constant 47 : i32
        %eq3A_200 = arith.constant 0 : i32
        %eq3A_201 = arith.cmpi eq, %jit3A_199, %eq3A_200 : i32
        %jit3A_202 = arith.constant 1 : i32
        %select_n3A_203 = arith.select %eq3A_201, %jit3A_202, %jit3A_199 : i32
        %rem3A_204 = arith.remsi %add3A_134, %select_n3A_203 : i32
        %ne3A_205 = arith.constant 0 : i32
        %ne3A_206 = arith.cmpi ne, %rem3A_204, %ne3A_205 : i32
        %lt3A_207 = arith.constant 0 : i32
        %lt3A_208 = arith.cmpi slt, %rem3A_204, %lt3A_207 : i32
        %lt3A_209 = arith.constant 0 : i32
        %lt3A_210 = arith.cmpi slt, %select_n3A_203, %lt3A_209 : i32
        %ne3A_211 = arith.xori %lt3A_208, %lt3A_210 : i1
        %and3A_212 = arith.andi %ne3A_211, %ne3A_206 : i1
        %add3A_213 = arith.addi %rem3A_204, %select_n3A_203 : i32
        %select_n3A_214 = arith.select %and3A_212, %add3A_213, %rem3A_204 : i32
        %jit3A_215 = arith.constant 3 : i32
        %eq3A_216 = arith.constant 0 : i32
        %eq3A_217 = arith.cmpi eq, %jit3A_215, %eq3A_216 : i32
        %jit3A_218 = arith.constant 1 : i32
        %select_n3A_219 = arith.select %eq3A_217, %jit3A_218, %jit3A_215 : i32
        %rem3A_220 = arith.remsi %add3A_134, %select_n3A_219 : i32
        %ne3A_221 = arith.constant 0 : i32
        %ne3A_222 = arith.cmpi ne, %rem3A_220, %ne3A_221 : i32
        %lt3A_223 = arith.constant 0 : i32
        %lt3A_224 = arith.cmpi slt, %rem3A_220, %lt3A_223 : i32
        %lt3A_225 = arith.constant 0 : i32
        %lt3A_226 = arith.cmpi slt, %select_n3A_219, %lt3A_225 : i32
        %ne3A_227 = arith.xori %lt3A_224, %lt3A_226 : i1
        %and3A_228 = arith.andi %ne3A_227, %ne3A_222 : i1
        %add3A_229 = arith.addi %rem3A_220, %select_n3A_219 : i32
        %select_n3A_230 = arith.select %and3A_228, %add3A_229, %rem3A_220 : i32
        %dma_start3A_231 = arith.constant 0 : i32
        %dma_start3A_232 = arith.constant 0 : i32
        %dma_start3A_233 = tpu.memref_slice %arg8[%select_n3A_230, %dma_start3A_231, %dma_start3A_232] : memref<3x96x128xf32, #tpu.memory_space<vmem>> -> memref<1x96x128xf32, #tpu.memory_space<vmem>>
        %dma_start3A_234 = tpu.memref_squeeze %dma_start3A_233 : memref<1x96x128xf32, #tpu.memory_space<vmem>> -> memref<96x128xf32, #tpu.memory_space<vmem>>
        %dma_start3A_235 = arith.constant 0 : i32
        %dma_start3A_236 = tpu.memref_slice %arg6[%select_n3A_214, %dma_start3A_235] : memref<47x96xi32, #tpu.memory_space<vmem>> -> memref<1x96xi32, #tpu.memory_space<vmem>>
        %dma_start3A_237 = tpu.memref_squeeze %dma_start3A_236 : memref<1x96xi32, #tpu.memory_space<vmem>> -> memref<96xi32, #tpu.memory_space<vmem>>
        %dma_start3A_238 = arith.constant 0 : i32
        %dma_start3A_239 = arith.constant 0 : i32
        %dma_start3A_240 = tpu.memref_slice %arg2[%dma_start3A_238, %dma_start3A_239] : memref<10240x128xf32, #tpu.memory_space<hbm>> -> memref<10240x128xf32, #tpu.memory_space<hbm>>
        tpu.enqueue_indirect_dma source(%dma_start3A_240 : memref<10240x128xf32, #tpu.memory_space<hbm>>) target(%dma_start3A_234 : memref<96x128xf32, #tpu.memory_space<vmem>>) offsets(%dma_start3A_237 : memref<96xi32, #tpu.memory_space<vmem>>) semaphore(%arg10 : memref<!tpu.dma_semaphore, #tpu.memory_space<semaphore_mem>>)
      } else {
      }
      %jit3A_160 = arith.constant 47 : i32
      %eq3A_161 = arith.constant 0 : i32
      %eq3A_162 = arith.cmpi eq, %jit3A_160, %eq3A_161 : i32
      %jit3A_163 = arith.constant 1 : i32
      %select_n3A_164 = arith.select %eq3A_162, %jit3A_163, %jit3A_160 : i32
      %rem3A_165 = arith.remsi %while3A_95, %select_n3A_164 : i32
      %ne3A_166 = arith.constant 0 : i32
      %ne3A_167 = arith.cmpi ne, %rem3A_165, %ne3A_166 : i32
      %lt3A_168 = arith.constant 0 : i32
      %lt3A_169 = arith.cmpi slt, %rem3A_165, %lt3A_168 : i32
      %lt3A_170 = arith.constant 0 : i32
      %lt3A_171 = arith.cmpi slt, %select_n3A_164, %lt3A_170 : i32
      %ne3A_172 = arith.xori %lt3A_169, %lt3A_171 : i1
      %and3A_173 = arith.andi %ne3A_172, %ne3A_167 : i1
      %add3A_174 = arith.addi %rem3A_165, %select_n3A_164 : i32
      %select_n3A_175 = arith.select %and3A_173, %add3A_174, %rem3A_165 : i32
      %eq3A_176 = arith.constant 0 : i32
      %eq3A_177 = arith.cmpi eq, %select_n3A_175, %eq3A_176 : i32
      %gt3A = arith.constant 0 : i32
      %gt3A_178 = arith.cmpi sgt, %while3A_95, %gt3A : i32
      %and3A_179 = arith.andi %eq3A_177, %gt3A_178 : i1
      %convert_element_type3A_180 = arith.extui %and3A_179 : i1 to i32
      %cond3A_181 = arith.constant 0 : i32
      %cond3A_182 = arith.cmpi ne, %convert_element_type3A_180, %cond3A_181 : i32
      scf.if %cond3A_182 {
        %add3A_199 = arith.addi %select_n3A_8, %while3A_95 : i32
        "tpu.region"() ({
          %run_scoped3A_200 = tpu.sem_alloc : memref<!tpu.dma_semaphore, #tpu.memory_space<semaphore_mem>>
          %dma_start3A_201 = arith.constant 0 : i32
          %dma_start3A_202 = tpu.memref_slice %arg4[%add3A_199, %dma_start3A_201] : memref<3440x96xi32, #tpu.memory_space<hbm>> -> memref<47x96xi32, #tpu.memory_space<hbm>>
          %dma_start3A_203 = arith.constant 0 : i32
          %dma_start3A_204 = tpu.memref_slice %arg4[%add3A_199, %dma_start3A_203] : memref<3440x96xi32, #tpu.memory_space<hbm>> -> memref<47x96xi32, #tpu.memory_space<hbm>>
          tpu.enqueue_dma source(%dma_start3A_204 : memref<47x96xi32, #tpu.memory_space<hbm>>) target(%arg7 : memref<47x96xi32, #tpu.memory_space<vmem>>) target_semaphore(%run_scoped3A_200 : memref<!tpu.dma_semaphore, #tpu.memory_space<semaphore_mem>>)
          %dma_wait3A_205 = arith.constant 0 : i32
          %dma_wait3A_206 = tpu.memref_slice %arg4[%add3A_199, %dma_wait3A_205] : memref<3440x96xi32, #tpu.memory_space<hbm>> -> memref<47x96xi32, #tpu.memory_space<hbm>>
          %dma_wait3A_207 = arith.constant 0 : i32
          %dma_wait3A_208 = tpu.memref_slice %arg4[%add3A_199, %dma_wait3A_207] : memref<3440x96xi32, #tpu.memory_space<hbm>> -> memref<47x96xi32, #tpu.memory_space<hbm>>
          tpu.wait_dma2 semaphore(%run_scoped3A_200 : memref<!tpu.dma_semaphore, #tpu.memory_space<semaphore_mem>>) src(%dma_wait3A_208 : memref<47x96xi32, #tpu.memory_space<hbm>>) dst(%arg7 : memref<47x96xi32, #tpu.memory_space<vmem>>)
          tpu.yield
        }) : () -> ()
      } else {
      }
      %jit3A_183 = arith.constant 47 : i32
      %eq3A_184 = arith.constant 0 : i32
      %eq3A_185 = arith.cmpi eq, %jit3A_183, %eq3A_184 : i32
      %jit3A_186 = arith.constant 1 : i32
      %select_n3A_187 = arith.select %eq3A_185, %jit3A_186, %jit3A_183 : i32
      %rem3A_188 = arith.remsi %while3A_95, %select_n3A_187 : i32
      %ne3A_189 = arith.constant 0 : i32
      %ne3A_190 = arith.cmpi ne, %rem3A_188, %ne3A_189 : i32
      %lt3A_191 = arith.constant 0 : i32
      %lt3A_192 = arith.cmpi slt, %rem3A_188, %lt3A_191 : i32
      %lt3A_193 = arith.constant 0 : i32
      %lt3A_194 = arith.cmpi slt, %select_n3A_187, %lt3A_193 : i32
      %ne3A_195 = arith.xori %lt3A_192, %lt3A_194 : i1
      %and3A_196 = arith.andi %ne3A_195, %ne3A_190 : i1
      %add3A_197 = arith.addi %rem3A_188, %select_n3A_187 : i32
      %select_n3A_198 = arith.select %and3A_196, %add3A_197, %rem3A_188 : i32
      "tpu.region"() ({
        %run_scoped3A_199 = tpu.sem_alloc : memref<!tpu.dma_semaphore, #tpu.memory_space<semaphore_mem>>
        %dma_start3A_200 = arith.constant 0 : i32
        %dma_start3A_201 = arith.constant 0 : i32
        %dma_start3A_202 = tpu.memref_slice %arg8[%select_n3A_107, %dma_start3A_200, %dma_start3A_201] : memref<3x96x128xf32, #tpu.memory_space<vmem>> -> memref<1x96x128xf32, #tpu.memory_space<vmem>>
        %dma_start3A_203 = tpu.memref_squeeze %dma_start3A_202 : memref<1x96x128xf32, #tpu.memory_space<vmem>> -> memref<96x128xf32, #tpu.memory_space<vmem>>
        %dma_start3A_204 = arith.constant 0 : i32
        %dma_start3A_205 = tpu.memref_slice %arg7[%select_n3A_198, %dma_start3A_204] : memref<47x96xi32, #tpu.memory_space<vmem>> -> memref<1x96xi32, #tpu.memory_space<vmem>>
        %dma_start3A_206 = tpu.memref_squeeze %dma_start3A_205 : memref<1x96xi32, #tpu.memory_space<vmem>> -> memref<96xi32, #tpu.memory_space<vmem>>
        %dma_start3A_207 = arith.constant 0 : i32
        %dma_start3A_208 = arith.constant 0 : i32
        %dma_start3A_209 = tpu.memref_slice %arg9[%dma_start3A_207, %dma_start3A_208] : memref<10240x128xf32, #tpu.memory_space<vmem_shared>> -> memref<10240x128xf32, #tpu.memory_space<vmem_shared>>
        tpu.enqueue_indirect_dma source(%dma_start3A_203 : memref<96x128xf32, #tpu.memory_space<vmem>>) target(%dma_start3A_209 : memref<10240x128xf32, #tpu.memory_space<vmem_shared>>) offsets(%dma_start3A_206 : memref<96xi32, #tpu.memory_space<vmem>>) semaphore(%run_scoped3A_199 : memref<!tpu.dma_semaphore, #tpu.memory_space<semaphore_mem>>) {add = true}
        %dma_wait3A_210 = arith.constant 0 : i32
        %dma_wait3A_211 = arith.constant 0 : i32
        %dma_wait3A_212 = tpu.memref_slice %arg8[%select_n3A_107, %dma_wait3A_210, %dma_wait3A_211] : memref<3x96x128xf32, #tpu.memory_space<vmem>> -> memref<1x96x128xf32, #tpu.memory_space<vmem>>
        %dma_wait3A_213 = tpu.memref_squeeze %dma_wait3A_212 : memref<1x96x128xf32, #tpu.memory_space<vmem>> -> memref<96x128xf32, #tpu.memory_space<vmem>>
        %dma_wait3A_214 = arith.constant 0 : i32
        %dma_wait3A_215 = tpu.memref_slice %arg7[%select_n3A_198, %dma_wait3A_214] : memref<47x96xi32, #tpu.memory_space<vmem>> -> memref<1x96xi32, #tpu.memory_space<vmem>>
        %dma_wait3A_216 = tpu.memref_squeeze %dma_wait3A_215 : memref<1x96xi32, #tpu.memory_space<vmem>> -> memref<96xi32, #tpu.memory_space<vmem>>
        %dma_wait3A_217 = arith.constant 0 : i32
        %dma_wait3A_218 = arith.constant 0 : i32
        %dma_wait3A_219 = tpu.memref_slice %arg9[%dma_wait3A_217, %dma_wait3A_218] : memref<10240x128xf32, #tpu.memory_space<vmem_shared>> -> memref<10240x128xf32, #tpu.memory_space<vmem_shared>>
        tpu.wait_indirect_dma semaphore(%run_scoped3A_199 : memref<!tpu.dma_semaphore, #tpu.memory_space<semaphore_mem>>) src(%dma_wait3A_213 : memref<96x128xf32, #tpu.memory_space<vmem>>) dst(%dma_wait3A_219 : memref<10240x128xf32, #tpu.memory_space<vmem_shared>>)
        tpu.yield
      }) : () -> ()
    }
    %while3A_65 = arith.constant 1 : i32
    scf.for %while3A_95 = %while3A_63 to %while3A_59 step %while3A_65  : i32 {
      %jit3A_96 = arith.constant 3 : i32
      %eq3A_97 = arith.constant 0 : i32
      %eq3A_98 = arith.cmpi eq, %jit3A_96, %eq3A_97 : i32
      %jit3A_99 = arith.constant 1 : i32
      %select_n3A_100 = arith.select %eq3A_98, %jit3A_99, %jit3A_96 : i32
      %rem3A = arith.remsi %while3A_95, %select_n3A_100 : i32
      %ne3A = arith.constant 0 : i32
      %ne3A_101 = arith.cmpi ne, %rem3A, %ne3A : i32
      %lt3A = arith.constant 0 : i32
      %lt3A_102 = arith.cmpi slt, %rem3A, %lt3A : i32
      %lt3A_103 = arith.constant 0 : i32
      %lt3A_104 = arith.cmpi slt, %select_n3A_100, %lt3A_103 : i32
      %ne3A_105 = arith.xori %lt3A_102, %lt3A_104 : i1
      %and3A = arith.andi %ne3A_105, %ne3A_101 : i1
      %add3A_106 = arith.addi %rem3A, %select_n3A_100 : i32
      %select_n3A_107 = arith.select %and3A, %add3A_106, %rem3A : i32
      %jit3A_108 = arith.constant 47 : i32
      %eq3A_109 = arith.constant 0 : i32
      %eq3A_110 = arith.cmpi eq, %jit3A_108, %eq3A_109 : i32
      %jit3A_111 = arith.constant 1 : i32
      %select_n3A_112 = arith.select %eq3A_110, %jit3A_111, %jit3A_108 : i32
      %rem3A_113 = arith.remsi %while3A_95, %select_n3A_112 : i32
      %ne3A_114 = arith.constant 0 : i32
      %ne3A_115 = arith.cmpi ne, %rem3A_113, %ne3A_114 : i32
      %lt3A_116 = arith.constant 0 : i32
      %lt3A_117 = arith.cmpi slt, %rem3A_113, %lt3A_116 : i32
      %lt3A_118 = arith.constant 0 : i32
      %lt3A_119 = arith.cmpi slt, %select_n3A_112, %lt3A_118 : i32
      %ne3A_120 = arith.xori %lt3A_117, %lt3A_119 : i1
      %and3A_121 = arith.andi %ne3A_120, %ne3A_115 : i1
      %add3A_122 = arith.addi %rem3A_113, %select_n3A_112 : i32
      %select_n3A_123 = arith.select %and3A_121, %add3A_122, %rem3A_113 : i32
      %dma_wait3A = arith.constant 0 : i32
      %dma_wait3A_124 = arith.constant 0 : i32
      %dma_wait3A_125 = tpu.memref_slice %arg8[%select_n3A_107, %dma_wait3A, %dma_wait3A_124] : memref<3x96x128xf32, #tpu.memory_space<vmem>> -> memref<1x96x128xf32, #tpu.memory_space<vmem>>
      %dma_wait3A_126 = tpu.memref_squeeze %dma_wait3A_125 : memref<1x96x128xf32, #tpu.memory_space<vmem>> -> memref<96x128xf32, #tpu.memory_space<vmem>>
      %dma_wait3A_127 = arith.constant 0 : i32
      %dma_wait3A_128 = tpu.memref_slice %arg6[%select_n3A_123, %dma_wait3A_127] : memref<47x96xi32, #tpu.memory_space<vmem>> -> memref<1x96xi32, #tpu.memory_space<vmem>>
      %dma_wait3A_129 = tpu.memref_squeeze %dma_wait3A_128 : memref<1x96xi32, #tpu.memory_space<vmem>> -> memref<96xi32, #tpu.memory_space<vmem>>
      %dma_wait3A_130 = arith.constant 0 : i32
      %dma_wait3A_131 = arith.constant 0 : i32
      %dma_wait3A_132 = tpu.memref_slice %arg2[%dma_wait3A_130, %dma_wait3A_131] : memref<10240x128xf32, #tpu.memory_space<hbm>> -> memref<10240x128xf32, #tpu.memory_space<hbm>>
      tpu.wait_indirect_dma semaphore(%arg10 : memref<!tpu.dma_semaphore, #tpu.memory_space<semaphore_mem>>) src(%dma_wait3A_132 : memref<10240x128xf32, #tpu.memory_space<hbm>>) dst(%dma_wait3A_126 : memref<96x128xf32, #tpu.memory_space<vmem>>)
      %add3A_133 = arith.constant 2 : i32
      %add3A_134 = arith.addi %while3A_95, %add3A_133 : i32
      %lt3A_135 = arith.cmpi slt, %add3A_134, %select_n3A : i32
      %jit3A_136 = arith.constant 47 : i32
      %eq3A_137 = arith.constant 0 : i32
      %eq3A_138 = arith.cmpi eq, %jit3A_136, %eq3A_137 : i32
      %jit3A_139 = arith.constant 1 : i32
      %select_n3A_140 = arith.select %eq3A_138, %jit3A_139, %jit3A_136 : i32
      %rem3A_141 = arith.remsi %add3A_134, %select_n3A_140 : i32
      %ne3A_142 = arith.constant 0 : i32
      %ne3A_143 = arith.cmpi ne, %rem3A_141, %ne3A_142 : i32
      %lt3A_144 = arith.constant 0 : i32
      %lt3A_145 = arith.cmpi slt, %rem3A_141, %lt3A_144 : i32
      %lt3A_146 = arith.constant 0 : i32
      %lt3A_147 = arith.cmpi slt, %select_n3A_140, %lt3A_146 : i32
      %ne3A_148 = arith.xori %lt3A_145, %lt3A_147 : i1
      %and3A_149 = arith.andi %ne3A_148, %ne3A_143 : i1
      %add3A_150 = arith.addi %rem3A_141, %select_n3A_140 : i32
      %select_n3A_151 = arith.select %and3A_149, %add3A_150, %rem3A_141 : i32
      %eq3A_152 = arith.constant 0 : i32
      %eq3A_153 = arith.cmpi eq, %select_n3A_151, %eq3A_152 : i32
      %and3A_154 = arith.andi %lt3A_135, %eq3A_153 : i1
      %convert_element_type3A = arith.extui %and3A_154 : i1 to i32
      %cond3A = arith.constant 0 : i32
      %cond3A_155 = arith.cmpi ne, %convert_element_type3A, %cond3A : i32
      scf.if %cond3A_155 {
        %add3A_199 = arith.addi %select_n3A_8, %add3A_134 : i32
        "tpu.region"() ({
          %run_scoped3A_200 = tpu.sem_alloc : memref<!tpu.dma_semaphore, #tpu.memory_space<semaphore_mem>>
          %dma_start3A_201 = arith.constant 0 : i32
          %dma_start3A_202 = tpu.memref_slice %arg3[%add3A_199, %dma_start3A_201] : memref<3440x96xi32, #tpu.memory_space<hbm>> -> memref<47x96xi32, #tpu.memory_space<hbm>>
          %dma_start3A_203 = arith.constant 0 : i32
          %dma_start3A_204 = tpu.memref_slice %arg3[%add3A_199, %dma_start3A_203] : memref<3440x96xi32, #tpu.memory_space<hbm>> -> memref<47x96xi32, #tpu.memory_space<hbm>>
          tpu.enqueue_dma source(%dma_start3A_204 : memref<47x96xi32, #tpu.memory_space<hbm>>) target(%arg6 : memref<47x96xi32, #tpu.memory_space<vmem>>) target_semaphore(%run_scoped3A_200 : memref<!tpu.dma_semaphore, #tpu.memory_space<semaphore_mem>>)
          %dma_wait3A_205 = arith.constant 0 : i32
          %dma_wait3A_206 = tpu.memref_slice %arg3[%add3A_199, %dma_wait3A_205] : memref<3440x96xi32, #tpu.memory_space<hbm>> -> memref<47x96xi32, #tpu.memory_space<hbm>>
          %dma_wait3A_207 = arith.constant 0 : i32
          %dma_wait3A_208 = tpu.memref_slice %arg3[%add3A_199, %dma_wait3A_207] : memref<3440x96xi32, #tpu.memory_space<hbm>> -> memref<47x96xi32, #tpu.memory_space<hbm>>
          tpu.wait_dma2 semaphore(%run_scoped3A_200 : memref<!tpu.dma_semaphore, #tpu.memory_space<semaphore_mem>>) src(%dma_wait3A_208 : memref<47x96xi32, #tpu.memory_space<hbm>>) dst(%arg6 : memref<47x96xi32, #tpu.memory_space<vmem>>)
          tpu.yield
        }) : () -> ()
      } else {
      }
      %lt3A_156 = arith.cmpi slt, %add3A_134, %select_n3A : i32
      %convert_element_type3A_157 = arith.extui %lt3A_156 : i1 to i32
      %cond3A_158 = arith.constant 0 : i32
      %cond3A_159 = arith.cmpi ne, %convert_element_type3A_157, %cond3A_158 : i32
      scf.if %cond3A_159 {
        %jit3A_199 = arith.constant 47 : i32
        %eq3A_200 = arith.constant 0 : i32
        %eq3A_201 = arith.cmpi eq, %jit3A_199, %eq3A_200 : i32
        %jit3A_202 = arith.constant 1 : i32
        %select_n3A_203 = arith.select %eq3A_201, %jit3A_202, %jit3A_199 : i32
        %rem3A_204 = arith.remsi %add3A_134, %select_n3A_203 : i32
        %ne3A_205 = arith.constant 0 : i32
        %ne3A_206 = arith.cmpi ne, %rem3A_204, %ne3A_205 : i32
        %lt3A_207 = arith.constant 0 : i32
        %lt3A_208 = arith.cmpi slt, %rem3A_204, %lt3A_207 : i32
        %lt3A_209 = arith.constant 0 : i32
        %lt3A_210 = arith.cmpi slt, %select_n3A_203, %lt3A_209 : i32
        %ne3A_211 = arith.xori %lt3A_208, %lt3A_210 : i1
        %and3A_212 = arith.andi %ne3A_211, %ne3A_206 : i1
        %add3A_213 = arith.addi %rem3A_204, %select_n3A_203 : i32
        %select_n3A_214 = arith.select %and3A_212, %add3A_213, %rem3A_204 : i32
        %jit3A_215 = arith.constant 3 : i32
        %eq3A_216 = arith.constant 0 : i32
        %eq3A_217 = arith.cmpi eq, %jit3A_215, %eq3A_216 : i32
        %jit3A_218 = arith.constant 1 : i32
        %select_n3A_219 = arith.select %eq3A_217, %jit3A_218, %jit3A_215 : i32
        %rem3A_220 = arith.remsi %add3A_134, %select_n3A_219 : i32
        %ne3A_221 = arith.constant 0 : i32
        %ne3A_222 = arith.cmpi ne, %rem3A_220, %ne3A_221 : i32
        %lt3A_223 = arith.constant 0 : i32
        %lt3A_224 = arith.cmpi slt, %rem3A_220, %lt3A_223 : i32
        %lt3A_225 = arith.constant 0 : i32
        %lt3A_226 = arith.cmpi slt, %select_n3A_219, %lt3A_225 : i32
        %ne3A_227 = arith.xori %lt3A_224, %lt3A_226 : i1
        %and3A_228 = arith.andi %ne3A_227, %ne3A_222 : i1
        %add3A_229 = arith.addi %rem3A_220, %select_n3A_219 : i32
        %select_n3A_230 = arith.select %and3A_228, %add3A_229, %rem3A_220 : i32
        %dma_start3A_231 = arith.constant 0 : i32
        %dma_start3A_232 = arith.constant 0 : i32
        %dma_start3A_233 = tpu.memref_slice %arg8[%select_n3A_230, %dma_start3A_231, %dma_start3A_232] : memref<3x96x128xf32, #tpu.memory_space<vmem>> -> memref<1x96x128xf32, #tpu.memory_space<vmem>>
        %dma_start3A_234 = tpu.memref_squeeze %dma_start3A_233 : memref<1x96x128xf32, #tpu.memory_space<vmem>> -> memref<96x128xf32, #tpu.memory_space<vmem>>
        %dma_start3A_235 = arith.constant 0 : i32
        %dma_start3A_236 = tpu.memref_slice %arg6[%select_n3A_214, %dma_start3A_235] : memref<47x96xi32, #tpu.memory_space<vmem>> -> memref<1x96xi32, #tpu.memory_space<vmem>>
        %dma_start3A_237 = tpu.memref_squeeze %dma_start3A_236 : memref<1x96xi32, #tpu.memory_space<vmem>> -> memref<96xi32, #tpu.memory_space<vmem>>
        %dma_start3A_238 = arith.constant 0 : i32
        %dma_start3A_239 = arith.constant 0 : i32
        %dma_start3A_240 = tpu.memref_slice %arg2[%dma_start3A_238, %dma_start3A_239] : memref<10240x128xf32, #tpu.memory_space<hbm>> -> memref<10240x128xf32, #tpu.memory_space<hbm>>
        tpu.enqueue_indirect_dma source(%dma_start3A_240 : memref<10240x128xf32, #tpu.memory_space<hbm>>) target(%dma_start3A_234 : memref<96x128xf32, #tpu.memory_space<vmem>>) offsets(%dma_start3A_237 : memref<96xi32, #tpu.memory_space<vmem>>) semaphore(%arg10 : memref<!tpu.dma_semaphore, #tpu.memory_space<semaphore_mem>>)
      } else {
      }
      %jit3A_160 = arith.constant 47 : i32
      %eq3A_161 = arith.constant 0 : i32
      %eq3A_162 = arith.cmpi eq, %jit3A_160, %eq3A_161 : i32
      %jit3A_163 = arith.constant 1 : i32
      %select_n3A_164 = arith.select %eq3A_162, %jit3A_163, %jit3A_160 : i32
      %rem3A_165 = arith.remsi %while3A_95, %select_n3A_164 : i32
      %ne3A_166 = arith.constant 0 : i32
      %ne3A_167 = arith.cmpi ne, %rem3A_165, %ne3A_166 : i32
      %lt3A_168 = arith.constant 0 : i32
      %lt3A_169 = arith.cmpi slt, %rem3A_165, %lt3A_168 : i32
      %lt3A_170 = arith.constant 0 : i32
      %lt3A_171 = arith.cmpi slt, %select_n3A_164, %lt3A_170 : i32
      %ne3A_172 = arith.xori %lt3A_169, %lt3A_171 : i1
      %and3A_173 = arith.andi %ne3A_172, %ne3A_167 : i1
      %add3A_174 = arith.addi %rem3A_165, %select_n3A_164 : i32
      %select_n3A_175 = arith.select %and3A_173, %add3A_174, %rem3A_165 : i32
      %eq3A_176 = arith.constant 0 : i32
      %eq3A_177 = arith.cmpi eq, %select_n3A_175, %eq3A_176 : i32
      %gt3A = arith.constant 0 : i32
      %gt3A_178 = arith.cmpi sgt, %while3A_95, %gt3A : i32
      %and3A_179 = arith.andi %eq3A_177, %gt3A_178 : i1
      %convert_element_type3A_180 = arith.extui %and3A_179 : i1 to i32
      %cond3A_181 = arith.constant 0 : i32
      %cond3A_182 = arith.cmpi ne, %convert_element_type3A_180, %cond3A_181 : i32
      scf.if %cond3A_182 {
        %add3A_199 = arith.addi %select_n3A_8, %while3A_95 : i32
        "tpu.region"() ({
          %run_scoped3A_200 = tpu.sem_alloc : memref<!tpu.dma_semaphore, #tpu.memory_space<semaphore_mem>>
          %dma_start3A_201 = arith.constant 0 : i32
          %dma_start3A_202 = tpu.memref_slice %arg4[%add3A_199, %dma_start3A_201] : memref<3440x96xi32, #tpu.memory_space<hbm>> -> memref<47x96xi32, #tpu.memory_space<hbm>>
          %dma_start3A_203 = arith.constant 0 : i32
          %dma_start3A_204 = tpu.memref_slice %arg4[%add3A_199, %dma_start3A_203] : memref<3440x96xi32, #tpu.memory_space<hbm>> -> memref<47x96xi32, #tpu.memory_space<hbm>>
          tpu.enqueue_dma source(%dma_start3A_204 : memref<47x96xi32, #tpu.memory_space<hbm>>) target(%arg7 : memref<47x96xi32, #tpu.memory_space<vmem>>) target_semaphore(%run_scoped3A_200 : memref<!tpu.dma_semaphore, #tpu.memory_space<semaphore_mem>>)
          %dma_wait3A_205 = arith.constant 0 : i32
          %dma_wait3A_206 = tpu.memref_slice %arg4[%add3A_199, %dma_wait3A_205] : memref<3440x96xi32, #tpu.memory_space<hbm>> -> memref<47x96xi32, #tpu.memory_space<hbm>>
          %dma_wait3A_207 = arith.constant 0 : i32
          %dma_wait3A_208 = tpu.memref_slice %arg4[%add3A_199, %dma_wait3A_207] : memref<3440x96xi32, #tpu.memory_space<hbm>> -> memref<47x96xi32, #tpu.memory_space<hbm>>
          tpu.wait_dma2 semaphore(%run_scoped3A_200 : memref<!tpu.dma_semaphore, #tpu.memory_space<semaphore_mem>>) src(%dma_wait3A_208 : memref<47x96xi32, #tpu.memory_space<hbm>>) dst(%arg7 : memref<47x96xi32, #tpu.memory_space<vmem>>)
          tpu.yield
        }) : () -> ()
      } else {
      }
      %jit3A_183 = arith.constant 47 : i32
      %eq3A_184 = arith.constant 0 : i32
      %eq3A_185 = arith.cmpi eq, %jit3A_183, %eq3A_184 : i32
      %jit3A_186 = arith.constant 1 : i32
      %select_n3A_187 = arith.select %eq3A_185, %jit3A_186, %jit3A_183 : i32
      %rem3A_188 = arith.remsi %while3A_95, %select_n3A_187 : i32
      %ne3A_189 = arith.constant 0 : i32
      %ne3A_190 = arith.cmpi ne, %rem3A_188, %ne3A_189 : i32
      %lt3A_191 = arith.constant 0 : i32
      %lt3A_192 = arith.cmpi slt, %rem3A_188, %lt3A_191 : i32
      %lt3A_193 = arith.constant 0 : i32
      %lt3A_194 = arith.cmpi slt, %select_n3A_187, %lt3A_193 : i32
      %ne3A_195 = arith.xori %lt3A_192, %lt3A_194 : i1
      %and3A_196 = arith.andi %ne3A_195, %ne3A_190 : i1
      %add3A_197 = arith.addi %rem3A_188, %select_n3A_187 : i32
      %select_n3A_198 = arith.select %and3A_196, %add3A_197, %rem3A_188 : i32
      "tpu.region"() ({
        %run_scoped3A_199 = tpu.sem_alloc : memref<!tpu.dma_semaphore, #tpu.memory_space<semaphore_mem>>
        %dma_start3A_200 = arith.constant 0 : i32
        %dma_start3A_201 = arith.constant 0 : i32
        %dma_start3A_202 = tpu.memref_slice %arg8[%select_n3A_107, %dma_start3A_200, %dma_start3A_201] : memref<3x96x128xf32, #tpu.memory_space<vmem>> -> memref<1x96x128xf32, #tpu.memory_space<vmem>>
        %dma_start3A_203 = tpu.memref_squeeze %dma_start3A_202 : memref<1x96x128xf32, #tpu.memory_space<vmem>> -> memref<96x128xf32, #tpu.memory_space<vmem>>
        %dma_start3A_204 = arith.constant 0 : i32
        %dma_start3A_205 = tpu.memref_slice %arg7[%select_n3A_198, %dma_start3A_204] : memref<47x96xi32, #tpu.memory_space<vmem>> -> memref<1x96xi32, #tpu.memory_space<vmem>>
        %dma_start3A_206 = tpu.memref_squeeze %dma_start3A_205 : memref<1x96xi32, #tpu.memory_space<vmem>> -> memref<96xi32, #tpu.memory_space<vmem>>
        %dma_start3A_207 = arith.constant 0 : i32
        %dma_start3A_208 = arith.constant 0 : i32
        %dma_start3A_209 = tpu.memref_slice %arg9[%dma_start3A_207, %dma_start3A_208] : memref<10240x128xf32, #tpu.memory_space<vmem_shared>> -> memref<10240x128xf32, #tpu.memory_space<vmem_shared>>
        tpu.enqueue_indirect_dma source(%dma_start3A_203 : memref<96x128xf32, #tpu.memory_space<vmem>>) target(%dma_start3A_209 : memref<10240x128xf32, #tpu.memory_space<vmem_shared>>) offsets(%dma_start3A_206 : memref<96xi32, #tpu.memory_space<vmem>>) semaphore(%run_scoped3A_199 : memref<!tpu.dma_semaphore, #tpu.memory_space<semaphore_mem>>) {add = true}
        %dma_wait3A_210 = arith.constant 0 : i32
        %dma_wait3A_211 = arith.constant 0 : i32
        %dma_wait3A_212 = tpu.memref_slice %arg8[%select_n3A_107, %dma_wait3A_210, %dma_wait3A_211] : memref<3x96x128xf32, #tpu.memory_space<vmem>> -> memref<1x96x128xf32, #tpu.memory_space<vmem>>
        %dma_wait3A_213 = tpu.memref_squeeze %dma_wait3A_212 : memref<1x96x128xf32, #tpu.memory_space<vmem>> -> memref<96x128xf32, #tpu.memory_space<vmem>>
        %dma_wait3A_214 = arith.constant 0 : i32
        %dma_wait3A_215 = tpu.memref_slice %arg7[%select_n3A_198, %dma_wait3A_214] : memref<47x96xi32, #tpu.memory_space<vmem>> -> memref<1x96xi32, #tpu.memory_space<vmem>>
        %dma_wait3A_216 = tpu.memref_squeeze %dma_wait3A_215 : memref<1x96xi32, #tpu.memory_space<vmem>> -> memref<96xi32, #tpu.memory_space<vmem>>
        %dma_wait3A_217 = arith.constant 0 : i32
        %dma_wait3A_218 = arith.constant 0 : i32
        %dma_wait3A_219 = tpu.memref_slice %arg9[%dma_wait3A_217, %dma_wait3A_218] : memref<10240x128xf32, #tpu.memory_space<vmem_shared>> -> memref<10240x128xf32, #tpu.memory_space<vmem_shared>>
        tpu.wait_indirect_dma semaphore(%run_scoped3A_199 : memref<!tpu.dma_semaphore, #tpu.memory_space<semaphore_mem>>) src(%dma_wait3A_213 : memref<96x128xf32, #tpu.memory_space<vmem>>) dst(%dma_wait3A_219 : memref<10240x128xf32, #tpu.memory_space<vmem_shared>>)
        tpu.yield
      }) : () -> ()
    }
    %barrier3A_66 = arith.constant 0 : index
    tpu.barrier barrier_id(%barrier3A_66)
    %add3A_67 = arith.constant 0 : i32
    %add3A_68 = arith.addi %mul3A_0, %add3A_67 : i32
    %add3A_69 = arith.constant 0 : i32
    %add3A_70 = arith.addi %mul3A_0, %add3A_69 : i32
    "tpu.region"() ({
      %run_scoped3A_95 = tpu.sem_alloc : memref<!tpu.dma_semaphore, #tpu.memory_space<semaphore_mem>>
      %dma_start3A_96 = arith.constant 0 : i32
      %dma_start3A_97 = tpu.memref_slice %arg5[%arg0, %add3A_70, %dma_start3A_96] : memref<2x10240x128xf32, #tpu.memory_space<hbm>> -> memref<1x96x128xf32, #tpu.memory_space<hbm>>
      %dma_start3A_98 = tpu.memref_squeeze %dma_start3A_97 : memref<1x96x128xf32, #tpu.memory_space<hbm>> -> memref<96x128xf32, #tpu.memory_space<hbm>>
      %dma_start3A_99 = arith.constant 0 : i32
      %dma_start3A_100 = tpu.memref_slice %arg9[%add3A_68, %dma_start3A_99] : memref<10240x128xf32, #tpu.memory_space<vmem_shared>> -> memref<96x128xf32, #tpu.memory_space<vmem_shared>>
      tpu.enqueue_dma source(%dma_start3A_100 : memref<96x128xf32, #tpu.memory_space<vmem_shared>>) target(%dma_start3A_98 : memref<96x128xf32, #tpu.memory_space<hbm>>) target_semaphore(%run_scoped3A_95 : memref<!tpu.dma_semaphore, #tpu.memory_space<semaphore_mem>>)
      %dma_wait3A = arith.constant 0 : i32
      %dma_wait3A_101 = tpu.memref_slice %arg5[%arg0, %add3A_70, %dma_wait3A] : memref<2x10240x128xf32, #tpu.memory_space<hbm>> -> memref<1x96x128xf32, #tpu.memory_space<hbm>>
      %dma_wait3A_102 = tpu.memref_squeeze %dma_wait3A_101 : memref<1x96x128xf32, #tpu.memory_space<hbm>> -> memref<96x128xf32, #tpu.memory_space<hbm>>
      %dma_wait3A_103 = arith.constant 0 : i32
      %dma_wait3A_104 = tpu.memref_slice %arg9[%add3A_68, %dma_wait3A_103] : memref<10240x128xf32, #tpu.memory_space<vmem_shared>> -> memref<96x128xf32, #tpu.memory_space<vmem_shared>>
      tpu.wait_dma2 semaphore(%run_scoped3A_95 : memref<!tpu.dma_semaphore, #tpu.memory_space<semaphore_mem>>) src(%dma_wait3A_104 : memref<96x128xf32, #tpu.memory_space<vmem_shared>>) dst(%dma_wait3A_102 : memref<96x128xf32, #tpu.memory_space<hbm>>)
      tpu.yield
    }) : () -> ()
    %add3A_71 = arith.constant 96 : i32
    %add3A_72 = arith.addi %mul3A_0, %add3A_71 : i32
    %add3A_73 = arith.constant 96 : i32
    %add3A_74 = arith.addi %mul3A_0, %add3A_73 : i32
    "tpu.region"() ({
      %run_scoped3A_95 = tpu.sem_alloc : memref<!tpu.dma_semaphore, #tpu.memory_space<semaphore_mem>>
      %dma_start3A_96 = arith.constant 0 : i32
      %dma_start3A_97 = tpu.memref_slice %arg5[%arg0, %add3A_74, %dma_start3A_96] : memref<2x10240x128xf32, #tpu.memory_space<hbm>> -> memref<1x96x128xf32, #tpu.memory_space<hbm>>
      %dma_start3A_98 = tpu.memref_squeeze %dma_start3A_97 : memref<1x96x128xf32, #tpu.memory_space<hbm>> -> memref<96x128xf32, #tpu.memory_space<hbm>>
      %dma_start3A_99 = arith.constant 0 : i32
      %dma_start3A_100 = tpu.memref_slice %arg9[%add3A_72, %dma_start3A_99] : memref<10240x128xf32, #tpu.memory_space<vmem_shared>> -> memref<96x128xf32, #tpu.memory_space<vmem_shared>>
      tpu.enqueue_dma source(%dma_start3A_100 : memref<96x128xf32, #tpu.memory_space<vmem_shared>>) target(%dma_start3A_98 : memref<96x128xf32, #tpu.memory_space<hbm>>) target_semaphore(%run_scoped3A_95 : memref<!tpu.dma_semaphore, #tpu.memory_space<semaphore_mem>>)
      %dma_wait3A = arith.constant 0 : i32
      %dma_wait3A_101 = tpu.memref_slice %arg5[%arg0, %add3A_74, %dma_wait3A] : memref<2x10240x128xf32, #tpu.memory_space<hbm>> -> memref<1x96x128xf32, #tpu.memory_space<hbm>>
      %dma_wait3A_102 = tpu.memref_squeeze %dma_wait3A_101 : memref<1x96x128xf32, #tpu.memory_space<hbm>> -> memref<96x128xf32, #tpu.memory_space<hbm>>
      %dma_wait3A_103 = arith.constant 0 : i32
      %dma_wait3A_104 = tpu.memref_slice %arg9[%add3A_72, %dma_wait3A_103] : memref<10240x128xf32, #tpu.memory_space<vmem_shared>> -> memref<96x128xf32, #tpu.memory_space<vmem_shared>>
      tpu.wait_dma2 semaphore(%run_scoped3A_95 : memref<!tpu.dma_semaphore, #tpu.memory_space<semaphore_mem>>) src(%dma_wait3A_104 : memref<96x128xf32, #tpu.memory_space<vmem_shared>>) dst(%dma_wait3A_102 : memref<96x128xf32, #tpu.memory_space<hbm>>)
      tpu.yield
    }) : () -> ()
    %add3A_75 = arith.constant 192 : i32
    %add3A_76 = arith.addi %mul3A_0, %add3A_75 : i32
    %add3A_77 = arith.constant 192 : i32
    %add3A_78 = arith.addi %mul3A_0, %add3A_77 : i32
    "tpu.region"() ({
      %run_scoped3A_95 = tpu.sem_alloc : memref<!tpu.dma_semaphore, #tpu.memory_space<semaphore_mem>>
      %dma_start3A_96 = arith.constant 0 : i32
      %dma_start3A_97 = tpu.memref_slice %arg5[%arg0, %add3A_78, %dma_start3A_96] : memref<2x10240x128xf32, #tpu.memory_space<hbm>> -> memref<1x96x128xf32, #tpu.memory_space<hbm>>
      %dma_start3A_98 = tpu.memref_squeeze %dma_start3A_97 : memref<1x96x128xf32, #tpu.memory_space<hbm>> -> memref<96x128xf32, #tpu.memory_space<hbm>>
      %dma_start3A_99 = arith.constant 0 : i32
      %dma_start3A_100 = tpu.memref_slice %arg9[%add3A_76, %dma_start3A_99] : memref<10240x128xf32, #tpu.memory_space<vmem_shared>> -> memref<96x128xf32, #tpu.memory_space<vmem_shared>>
      tpu.enqueue_dma source(%dma_start3A_100 : memref<96x128xf32, #tpu.memory_space<vmem_shared>>) target(%dma_start3A_98 : memref<96x128xf32, #tpu.memory_space<hbm>>) target_semaphore(%run_scoped3A_95 : memref<!tpu.dma_semaphore, #tpu.memory_space<semaphore_mem>>)
      %dma_wait3A = arith.constant 0 : i32
      %dma_wait3A_101 = tpu.memref_slice %arg5[%arg0, %add3A_78, %dma_wait3A] : memref<2x10240x128xf32, #tpu.memory_space<hbm>> -> memref<1x96x128xf32, #tpu.memory_space<hbm>>
      %dma_wait3A_102 = tpu.memref_squeeze %dma_wait3A_101 : memref<1x96x128xf32, #tpu.memory_space<hbm>> -> memref<96x128xf32, #tpu.memory_space<hbm>>
      %dma_wait3A_103 = arith.constant 0 : i32
      %dma_wait3A_104 = tpu.memref_slice %arg9[%add3A_76, %dma_wait3A_103] : memref<10240x128xf32, #tpu.memory_space<vmem_shared>> -> memref<96x128xf32, #tpu.memory_space<vmem_shared>>
      tpu.wait_dma2 semaphore(%run_scoped3A_95 : memref<!tpu.dma_semaphore, #tpu.memory_space<semaphore_mem>>) src(%dma_wait3A_104 : memref<96x128xf32, #tpu.memory_space<vmem_shared>>) dst(%dma_wait3A_102 : memref<96x128xf32, #tpu.memory_space<hbm>>)
      tpu.yield
    }) : () -> ()
    %add3A_79 = arith.constant 288 : i32
    %add3A_80 = arith.addi %mul3A_0, %add3A_79 : i32
    %add3A_81 = arith.constant 288 : i32
    %add3A_82 = arith.addi %mul3A_0, %add3A_81 : i32
    "tpu.region"() ({
      %run_scoped3A_95 = tpu.sem_alloc : memref<!tpu.dma_semaphore, #tpu.memory_space<semaphore_mem>>
      %dma_start3A_96 = arith.constant 0 : i32
      %dma_start3A_97 = tpu.memref_slice %arg5[%arg0, %add3A_82, %dma_start3A_96] : memref<2x10240x128xf32, #tpu.memory_space<hbm>> -> memref<1x96x128xf32, #tpu.memory_space<hbm>>
      %dma_start3A_98 = tpu.memref_squeeze %dma_start3A_97 : memref<1x96x128xf32, #tpu.memory_space<hbm>> -> memref<96x128xf32, #tpu.memory_space<hbm>>
      %dma_start3A_99 = arith.constant 0 : i32
      %dma_start3A_100 = tpu.memref_slice %arg9[%add3A_80, %dma_start3A_99] : memref<10240x128xf32, #tpu.memory_space<vmem_shared>> -> memref<96x128xf32, #tpu.memory_space<vmem_shared>>
      tpu.enqueue_dma source(%dma_start3A_100 : memref<96x128xf32, #tpu.memory_space<vmem_shared>>) target(%dma_start3A_98 : memref<96x128xf32, #tpu.memory_space<hbm>>) target_semaphore(%run_scoped3A_95 : memref<!tpu.dma_semaphore, #tpu.memory_space<semaphore_mem>>)
      %dma_wait3A = arith.constant 0 : i32
      %dma_wait3A_101 = tpu.memref_slice %arg5[%arg0, %add3A_82, %dma_wait3A] : memref<2x10240x128xf32, #tpu.memory_space<hbm>> -> memref<1x96x128xf32, #tpu.memory_space<hbm>>
      %dma_wait3A_102 = tpu.memref_squeeze %dma_wait3A_101 : memref<1x96x128xf32, #tpu.memory_space<hbm>> -> memref<96x128xf32, #tpu.memory_space<hbm>>
      %dma_wait3A_103 = arith.constant 0 : i32
      %dma_wait3A_104 = tpu.memref_slice %arg9[%add3A_80, %dma_wait3A_103] : memref<10240x128xf32, #tpu.memory_space<vmem_shared>> -> memref<96x128xf32, #tpu.memory_space<vmem_shared>>
      tpu.wait_dma2 semaphore(%run_scoped3A_95 : memref<!tpu.dma_semaphore, #tpu.memory_space<semaphore_mem>>) src(%dma_wait3A_104 : memref<96x128xf32, #tpu.memory_space<vmem_shared>>) dst(%dma_wait3A_102 : memref<96x128xf32, #tpu.memory_space<hbm>>)
      tpu.yield
    }) : () -> ()
    %add3A_83 = arith.constant 384 : i32
    %add3A_84 = arith.addi %mul3A_0, %add3A_83 : i32
    %add3A_85 = arith.constant 384 : i32
    %add3A_86 = arith.addi %mul3A_0, %add3A_85 : i32
    "tpu.region"() ({
      %run_scoped3A_95 = tpu.sem_alloc : memref<!tpu.dma_semaphore, #tpu.memory_space<semaphore_mem>>
      %dma_start3A_96 = arith.constant 0 : i32
      %dma_start3A_97 = tpu.memref_slice %arg5[%arg0, %add3A_86, %dma_start3A_96] : memref<2x10240x128xf32, #tpu.memory_space<hbm>> -> memref<1x96x128xf32, #tpu.memory_space<hbm>>
      %dma_start3A_98 = tpu.memref_squeeze %dma_start3A_97 : memref<1x96x128xf32, #tpu.memory_space<hbm>> -> memref<96x128xf32, #tpu.memory_space<hbm>>
      %dma_start3A_99 = arith.constant 0 : i32
      %dma_start3A_100 = tpu.memref_slice %arg9[%add3A_84, %dma_start3A_99] : memref<10240x128xf32, #tpu.memory_space<vmem_shared>> -> memref<96x128xf32, #tpu.memory_space<vmem_shared>>
      tpu.enqueue_dma source(%dma_start3A_100 : memref<96x128xf32, #tpu.memory_space<vmem_shared>>) target(%dma_start3A_98 : memref<96x128xf32, #tpu.memory_space<hbm>>) target_semaphore(%run_scoped3A_95 : memref<!tpu.dma_semaphore, #tpu.memory_space<semaphore_mem>>)
      %dma_wait3A = arith.constant 0 : i32
      %dma_wait3A_101 = tpu.memref_slice %arg5[%arg0, %add3A_86, %dma_wait3A] : memref<2x10240x128xf32, #tpu.memory_space<hbm>> -> memref<1x96x128xf32, #tpu.memory_space<hbm>>
      %dma_wait3A_102 = tpu.memref_squeeze %dma_wait3A_101 : memref<1x96x128xf32, #tpu.memory_space<hbm>> -> memref<96x128xf32, #tpu.memory_space<hbm>>
      %dma_wait3A_103 = arith.constant 0 : i32
      %dma_wait3A_104 = tpu.memref_slice %arg9[%add3A_84, %dma_wait3A_103] : memref<10240x128xf32, #tpu.memory_space<vmem_shared>> -> memref<96x128xf32, #tpu.memory_space<vmem_shared>>
      tpu.wait_dma2 semaphore(%run_scoped3A_95 : memref<!tpu.dma_semaphore, #tpu.memory_space<semaphore_mem>>) src(%dma_wait3A_104 : memref<96x128xf32, #tpu.memory_space<vmem_shared>>) dst(%dma_wait3A_102 : memref<96x128xf32, #tpu.memory_space<hbm>>)
      tpu.yield
    }) : () -> ()
    %add3A_87 = arith.constant 480 : i32
    %add3A_88 = arith.addi %mul3A_0, %add3A_87 : i32
    %add3A_89 = arith.constant 480 : i32
    %add3A_90 = arith.addi %mul3A_0, %add3A_89 : i32
    "tpu.region"() ({
      %run_scoped3A_95 = tpu.sem_alloc : memref<!tpu.dma_semaphore, #tpu.memory_space<semaphore_mem>>
      %dma_start3A_96 = arith.constant 0 : i32
      %dma_start3A_97 = tpu.memref_slice %arg5[%arg0, %add3A_90, %dma_start3A_96] : memref<2x10240x128xf32, #tpu.memory_space<hbm>> -> memref<1x96x128xf32, #tpu.memory_space<hbm>>
      %dma_start3A_98 = tpu.memref_squeeze %dma_start3A_97 : memref<1x96x128xf32, #tpu.memory_space<hbm>> -> memref<96x128xf32, #tpu.memory_space<hbm>>
      %dma_start3A_99 = arith.constant 0 : i32
      %dma_start3A_100 = tpu.memref_slice %arg9[%add3A_88, %dma_start3A_99] : memref<10240x128xf32, #tpu.memory_space<vmem_shared>> -> memref<96x128xf32, #tpu.memory_space<vmem_shared>>
      tpu.enqueue_dma source(%dma_start3A_100 : memref<96x128xf32, #tpu.memory_space<vmem_shared>>) target(%dma_start3A_98 : memref<96x128xf32, #tpu.memory_space<hbm>>) target_semaphore(%run_scoped3A_95 : memref<!tpu.dma_semaphore, #tpu.memory_space<semaphore_mem>>)
      %dma_wait3A = arith.constant 0 : i32
      %dma_wait3A_101 = tpu.memref_slice %arg5[%arg0, %add3A_90, %dma_wait3A] : memref<2x10240x128xf32, #tpu.memory_space<hbm>> -> memref<1x96x128xf32, #tpu.memory_space<hbm>>
      %dma_wait3A_102 = tpu.memref_squeeze %dma_wait3A_101 : memref<1x96x128xf32, #tpu.memory_space<hbm>> -> memref<96x128xf32, #tpu.memory_space<hbm>>
      %dma_wait3A_103 = arith.constant 0 : i32
      %dma_wait3A_104 = tpu.memref_slice %arg9[%add3A_88, %dma_wait3A_103] : memref<10240x128xf32, #tpu.memory_space<vmem_shared>> -> memref<96x128xf32, #tpu.memory_space<vmem_shared>>
      tpu.wait_dma2 semaphore(%run_scoped3A_95 : memref<!tpu.dma_semaphore, #tpu.memory_space<semaphore_mem>>) src(%dma_wait3A_104 : memref<96x128xf32, #tpu.memory_space<vmem_shared>>) dst(%dma_wait3A_102 : memref<96x128xf32, #tpu.memory_space<hbm>>)
      tpu.yield
    }) : () -> ()
    %add3A_91 = arith.constant 576 : i32
    %add3A_92 = arith.addi %mul3A_0, %add3A_91 : i32
    %add3A_93 = arith.constant 576 : i32
    %add3A_94 = arith.addi %mul3A_0, %add3A_93 : i32
    "tpu.region"() ({
      %run_scoped3A_95 = tpu.sem_alloc : memref<!tpu.dma_semaphore, #tpu.memory_space<semaphore_mem>>
      %dma_start3A_96 = arith.constant 0 : i32
      %dma_start3A_97 = tpu.memref_slice %arg5[%arg0, %add3A_94, %dma_start3A_96] : memref<2x10240x128xf32, #tpu.memory_space<hbm>> -> memref<1x64x128xf32, #tpu.memory_space<hbm>>
      %dma_start3A_98 = tpu.memref_squeeze %dma_start3A_97 : memref<1x64x128xf32, #tpu.memory_space<hbm>> -> memref<64x128xf32, #tpu.memory_space<hbm>>
      %dma_start3A_99 = arith.constant 0 : i32
      %dma_start3A_100 = tpu.memref_slice %arg9[%add3A_92, %dma_start3A_99] : memref<10240x128xf32, #tpu.memory_space<vmem_shared>> -> memref<64x128xf32, #tpu.memory_space<vmem_shared>>
      tpu.enqueue_dma source(%dma_start3A_100 : memref<64x128xf32, #tpu.memory_space<vmem_shared>>) target(%dma_start3A_98 : memref<64x128xf32, #tpu.memory_space<hbm>>) target_semaphore(%run_scoped3A_95 : memref<!tpu.dma_semaphore, #tpu.memory_space<semaphore_mem>>)
      %dma_wait3A = arith.constant 0 : i32
      %dma_wait3A_101 = tpu.memref_slice %arg5[%arg0, %add3A_94, %dma_wait3A] : memref<2x10240x128xf32, #tpu.memory_space<hbm>> -> memref<1x64x128xf32, #tpu.memory_space<hbm>>
      %dma_wait3A_102 = tpu.memref_squeeze %dma_wait3A_101 : memref<1x64x128xf32, #tpu.memory_space<hbm>> -> memref<64x128xf32, #tpu.memory_space<hbm>>
      %dma_wait3A_103 = arith.constant 0 : i32
      %dma_wait3A_104 = tpu.memref_slice %arg9[%add3A_92, %dma_wait3A_103] : memref<10240x128xf32, #tpu.memory_space<vmem_shared>> -> memref<64x128xf32, #tpu.memory_space<vmem_shared>>
      tpu.wait_dma2 semaphore(%run_scoped3A_95 : memref<!tpu.dma_semaphore, #tpu.memory_space<semaphore_mem>>) src(%dma_wait3A_104 : memref<64x128xf32, #tpu.memory_space<vmem_shared>>) dst(%dma_wait3A_102 : memref<64x128xf32, #tpu.memory_space<hbm>>)
      tpu.yield
    }) : () -> ()
    return
  }
}

module attributes {stable_mosaic.version = 14 : i64} {
  func.func @body(%arg0: i32, %arg1: memref<2x1024x16xf32, #tpu.memory_space<vmem>>, %arg2: memref<1024x128xf32, #tpu.memory_space<vmem>>, %arg3: memref<128x128xf32, #tpu.memory_space<vmem>>, %arg4: memref<1024x128xf32, #tpu.memory_space<vmem>>) attributes {dimension_semantics = [#tpu.dimension_semantics<arbitrary>], iteration_bounds = array<i64: 10>, scalar_prefetch = 0 : i64, scratch_operands = 0 : i64, tpu.core_type = #tpu.core_type<tc>, window_params = [{transform_indices = @transform_0, window_bounds = array<i64: 2, 1024, 16>}, {transform_indices = @transform_1, window_bounds = array<i64: 1024, 128>}, {pipeline_mode = #tpu.pipeline_mode<synchronous>, transform_indices = @transform_2, window_bounds = array<i64: 128, 128>}, {transform_indices = @transform_3, window_bounds = array<i64: 1024, 128>}]} {
    %get3A = arith.constant 0 : index
    %get3A_0 = arith.constant 0 : index
    %get3A_1 = vector.load %arg2[%get3A, %get3A_0] : memref<1024x128xf32, #tpu.memory_space<vmem>>, vector<1024x128xf32>
    %get3A_2 = arith.constant 0 : index
    %get3A_3 = arith.constant 0 : index
    %get3A_4 = vector.load %arg3[%get3A_2, %get3A_3] : memref<128x128xf32, #tpu.memory_space<vmem>>, vector<128x128xf32>
    %dot_general3A = arith.constant dense<0.000000e+00> : vector<1024x128xf32>
    %dot_general3A_5 = tpu.matmul %get3A_1, %get3A_4, %dot_general3A {dimension_numbers = #tpu.dot_dimension_numbers<[1], [1], [0], [0], [0, 0, 1, 0], [], []>, transpose_lhs_hint = false} : vector<1024x128xf32>, vector<128x128xf32>, vector<1024x128xf32> -> vector<1024x128xf32>
    %get3A_6 = arith.constant 0 : index
    %get3A_7 = arith.constant 0 : index
    %get3A_8 = arith.constant 0 : index
    %get3A_9 = vector.load %arg1[%get3A_6, %get3A_7, %get3A_8] : memref<2x1024x16xf32, #tpu.memory_space<vmem>>, vector<1x1024x1xf32>
    %get3A_10 = vector.shape_cast %get3A_9 : vector<1x1024x1xf32> to vector<1024x1xf32>
    %get3A_11 = arith.constant 1 : index
    %get3A_12 = arith.constant 0 : index
    %get3A_13 = arith.constant 0 : index
    %get3A_14 = vector.load %arg1[%get3A_11, %get3A_12, %get3A_13] : memref<2x1024x16xf32, #tpu.memory_space<vmem>>, vector<1x1024x1xf32>
    %get3A_15 = vector.shape_cast %get3A_14 : vector<1x1024x1xf32> to vector<1024x1xf32>
    %add3A = arith.addf %get3A_10, %get3A_15 : vector<1024x1xf32>
    %add3A_16 = arith.constant 1.000000e+00 : f32
    %add3A_17 = vector.broadcast %add3A_16 : f32 to vector<1024x1xf32>
    %add3A_18 = arith.addf %add3A, %add3A_17 : vector<1024x1xf32>
    %rsqrt3A = math.rsqrt %add3A_18 : vector<1024x1xf32>
    %mul3A = vector.broadcast %rsqrt3A : vector<1024x1xf32> to vector<1024x128xf32>
    %mul3A_19 = arith.mulf %dot_general3A_5, %mul3A : vector<1024x128xf32>
    %swap3A = arith.constant 0 : index
    %swap3A_20 = arith.constant 0 : index
    %swap3A_21 = vector.load %arg4[%swap3A, %swap3A_20] : memref<1024x128xf32, #tpu.memory_space<vmem>>, vector<1024x128xf32>
    tpu.vector_store %arg4[%swap3A, %swap3A_20], %mul3A_19 {strides = array<i32>} : memref<1024x128xf32, #tpu.memory_space<vmem>>, vector<1024x128xf32>,
    return
  }
  func.func @transform_0(%arg0: i32) -> (i32, i32, i32) {
    %c0_i32 = arith.constant 0 : i32
    %c0_i32_0 = arith.constant 0 : i32
    %c0_i32_1 = arith.constant 0 : i32
    return %c0_i32, %arg0, %c0_i32_0 : i32, i32, i32
  }
  func.func @transform_1(%arg0: i32) -> (i32, i32) {
    %c0_i32 = arith.constant 0 : i32
    %c0_i32_0 = arith.constant 0 : i32
    return %arg0, %c0_i32 : i32, i32
  }
  func.func @transform_2(%arg0: i32) -> (i32, i32) {
    %c0_i32 = arith.constant 0 : i32
    %c0_i32_0 = arith.constant 0 : i32
    %c0_i32_1 = arith.constant 0 : i32
    return %c0_i32, %c0_i32_0 : i32, i32
  }
  func.func @transform_3(%arg0: i32) -> (i32, i32) {
    %c0_i32 = arith.constant 0 : i32
    %c0_i32_0 = arith.constant 0 : i32
    return %arg0, %c0_i32 : i32, i32
  }
}

module attributes {stable_mosaic.version = 14 : i64} {
  func.func @body(%arg0: i32, %arg1: memref<2x1024x16xf32, #tpu.memory_space<vmem>>, %arg2: memref<2x1024x128xf32, #tpu.memory_space<vmem>>, %arg3: memref<1024x128xf32, #tpu.memory_space<vmem>>, %arg4: memref<1x128xf32, #tpu.memory_space<vmem>>, %arg5: memref<64x128xf32, #tpu.memory_space<vmem>>, %arg6: memref<1024x64xf32, #tpu.memory_space<vmem>>) attributes {dimension_semantics = [#tpu.dimension_semantics<arbitrary>], iteration_bounds = array<i64: 10>, scalar_prefetch = 0 : i64, scratch_operands = 0 : i64, tpu.core_type = #tpu.core_type<tc>, window_params = [{transform_indices = @transform_0, window_bounds = array<i64: 2, 1024, 16>}, {transform_indices = @transform_1, window_bounds = array<i64: 2, 1024, 128>}, {transform_indices = @transform_2, window_bounds = array<i64: 1024, 128>}, {pipeline_mode = #tpu.pipeline_mode<synchronous>, transform_indices = @transform_3, window_bounds = array<i64: 1, 128>}, {pipeline_mode = #tpu.pipeline_mode<synchronous>, transform_indices = @transform_4, window_bounds = array<i64: 64, 128>}, {transform_indices = @transform_5, window_bounds = array<i64: 1024, 64>}]} {
    %get3A = arith.constant 0 : index
    %get3A_0 = arith.constant 0 : index
    %get3A_1 = arith.constant 0 : index
    %get3A_2 = vector.load %arg1[%get3A, %get3A_0, %get3A_1] : memref<2x1024x16xf32, #tpu.memory_space<vmem>>, vector<1x1024x1xf32>
    %get3A_3 = vector.shape_cast %get3A_2 : vector<1x1024x1xf32> to vector<1024x1xf32>
    %get3A_4 = arith.constant 1 : index
    %get3A_5 = arith.constant 0 : index
    %get3A_6 = arith.constant 0 : index
    %get3A_7 = vector.load %arg1[%get3A_4, %get3A_5, %get3A_6] : memref<2x1024x16xf32, #tpu.memory_space<vmem>>, vector<1x1024x1xf32>
    %get3A_8 = vector.shape_cast %get3A_7 : vector<1x1024x1xf32> to vector<1024x1xf32>
    %add3A = arith.addf %get3A_3, %get3A_8 : vector<1024x1xf32>
    %add3A_9 = arith.constant 1.000000e+00 : f32
    %add3A_10 = vector.broadcast %add3A_9 : f32 to vector<1024x1xf32>
    %add3A_11 = arith.addf %add3A, %add3A_10 : vector<1024x1xf32>
    %rsqrt3A = math.rsqrt %add3A_11 : vector<1024x1xf32>
    %get3A_12 = arith.constant 0 : index
    %get3A_13 = arith.constant 0 : index
    %get3A_14 = arith.constant 0 : index
    %get3A_15 = vector.load %arg2[%get3A_12, %get3A_13, %get3A_14] : memref<2x1024x128xf32, #tpu.memory_space<vmem>>, vector<1x1024x128xf32>
    %get3A_16 = vector.shape_cast %get3A_15 : vector<1x1024x128xf32> to vector<1024x128xf32>
    %get3A_17 = arith.constant 1 : index
    %get3A_18 = arith.constant 0 : index
    %get3A_19 = arith.constant 0 : index
    %get3A_20 = vector.load %arg2[%get3A_17, %get3A_18, %get3A_19] : memref<2x1024x128xf32, #tpu.memory_space<vmem>>, vector<1x1024x128xf32>
    %get3A_21 = vector.shape_cast %get3A_20 : vector<1x1024x128xf32> to vector<1024x128xf32>
    %add3A_22 = arith.addf %get3A_16, %get3A_21 : vector<1024x128xf32>
    %get3A_23 = arith.constant 0 : index
    %get3A_24 = arith.constant 0 : index
    %get3A_25 = vector.load %arg3[%get3A_23, %get3A_24] : memref<1024x128xf32, #tpu.memory_space<vmem>>, vector<1024x128xf32>
    %add3A_26 = arith.addf %add3A_22, %get3A_25 : vector<1024x128xf32>
    %mul3A = vector.broadcast %rsqrt3A : vector<1024x1xf32> to vector<1024x128xf32>
    %mul3A_27 = arith.mulf %add3A_26, %mul3A : vector<1024x128xf32>
    %get3A_28 = arith.constant 0 : index
    %get3A_29 = arith.constant 0 : index
    %get3A_30 = vector.load %arg4[%get3A_28, %get3A_29] : memref<1x128xf32, #tpu.memory_space<vmem>>, vector<1x128xf32>
    %add3A_31 = vector.broadcast %get3A_30 : vector<1x128xf32> to vector<1024x128xf32>
    %add3A_32 = arith.addf %mul3A_27, %add3A_31 : vector<1024x128xf32>
    %max3A = arith.constant 0.000000e+00 : f32
    %max3A_33 = vector.broadcast %max3A : f32 to vector<1024x128xf32>
    %max3A_34 = arith.maximumf %add3A_32, %max3A_33 : vector<1024x128xf32>
    %get3A_35 = arith.constant 0 : index
    %get3A_36 = arith.constant 0 : index
    %get3A_37 = vector.load %arg5[%get3A_35, %get3A_36] : memref<64x128xf32, #tpu.memory_space<vmem>>, vector<64x128xf32>
    %dot_general3A = arith.constant dense<0.000000e+00> : vector<1024x64xf32>
    %dot_general3A_38 = tpu.matmul %max3A_34, %get3A_37, %dot_general3A {dimension_numbers = #tpu.dot_dimension_numbers<[1], [1], [0], [0], [0, 0, 1, 0], [], []>, transpose_lhs_hint = false} : vector<1024x128xf32>, vector<64x128xf32>, vector<1024x64xf32> -> vector<1024x64xf32>
    %mul3A_39 = vector.broadcast %rsqrt3A : vector<1024x1xf32> to vector<1024x64xf32>
    %mul3A_40 = arith.mulf %dot_general3A_38, %mul3A_39 : vector<1024x64xf32>
    %swap3A = arith.constant 0 : index
    %swap3A_41 = arith.constant 0 : index
    %swap3A_42 = vector.load %arg6[%swap3A, %swap3A_41] : memref<1024x64xf32, #tpu.memory_space<vmem>>, vector<1024x64xf32>
    tpu.vector_store %arg6[%swap3A, %swap3A_41], %mul3A_40 {strides = array<i32>} : memref<1024x64xf32, #tpu.memory_space<vmem>>, vector<1024x64xf32>,
    return
  }
  func.func @transform_0(%arg0: i32) -> (i32, i32, i32) {
    %c0_i32 = arith.constant 0 : i32
    %c0_i32_0 = arith.constant 0 : i32
    %c0_i32_1 = arith.constant 0 : i32
    return %c0_i32, %arg0, %c0_i32_0 : i32, i32, i32
  }
  func.func @transform_1(%arg0: i32) -> (i32, i32, i32) {
    %c0_i32 = arith.constant 0 : i32
    %c0_i32_0 = arith.constant 0 : i32
    %c0_i32_1 = arith.constant 0 : i32
    return %c0_i32, %arg0, %c0_i32_0 : i32, i32, i32
  }
  func.func @transform_2(%arg0: i32) -> (i32, i32) {
    %c0_i32 = arith.constant 0 : i32
    %c0_i32_0 = arith.constant 0 : i32
    return %arg0, %c0_i32 : i32, i32
  }
  func.func @transform_3(%arg0: i32) -> (i32, i32) {
    %c0_i32 = arith.constant 0 : i32
    %c0_i32_0 = arith.constant 0 : i32
    %c0_i32_1 = arith.constant 0 : i32
    return %c0_i32, %c0_i32_0 : i32, i32
  }
  func.func @transform_4(%arg0: i32) -> (i32, i32) {
    %c0_i32 = arith.constant 0 : i32
    %c0_i32_0 = arith.constant 0 : i32
    %c0_i32_1 = arith.constant 0 : i32
    return %c0_i32, %c0_i32_0 : i32, i32
  }
  func.func @transform_5(%arg0: i32) -> (i32, i32) {
    %c0_i32 = arith.constant 0 : i32
    %c0_i32_0 = arith.constant 0 : i32
    return %arg0, %c0_i32 : i32, i32
  }
}

module attributes {stable_mosaic.version = 14 : i64} {
  func.func @body(%arg0: i32, %arg1: memref<2x1024x16xf32, #tpu.memory_space<vmem>>, %arg2: memref<2x1024x64xf32, #tpu.memory_space<vmem>>, %arg3: memref<1024x64xf32, #tpu.memory_space<vmem>>, %arg4: memref<1x64xf32, #tpu.memory_space<vmem>>, %arg5: memref<1024x64xf32, #tpu.memory_space<vmem>>) attributes {dimension_semantics = [#tpu.dimension_semantics<arbitrary>], iteration_bounds = array<i64: 10>, scalar_prefetch = 0 : i64, scratch_operands = 0 : i64, tpu.core_type = #tpu.core_type<tc>, window_params = [{transform_indices = @transform_0, window_bounds = array<i64: 2, 1024, 16>}, {transform_indices = @transform_1, window_bounds = array<i64: 2, 1024, 64>}, {transform_indices = @transform_2, window_bounds = array<i64: 1024, 64>}, {pipeline_mode = #tpu.pipeline_mode<synchronous>, transform_indices = @transform_3, window_bounds = array<i64: 1, 64>}, {transform_indices = @transform_4, window_bounds = array<i64: 1024, 64>}]} {
    %get3A = arith.constant 0 : index
    %get3A_0 = arith.constant 0 : index
    %get3A_1 = arith.constant 0 : index
    %get3A_2 = vector.load %arg1[%get3A, %get3A_0, %get3A_1] : memref<2x1024x16xf32, #tpu.memory_space<vmem>>, vector<1x1024x1xf32>
    %get3A_3 = vector.shape_cast %get3A_2 : vector<1x1024x1xf32> to vector<1024x1xf32>
    %get3A_4 = arith.constant 1 : index
    %get3A_5 = arith.constant 0 : index
    %get3A_6 = arith.constant 0 : index
    %get3A_7 = vector.load %arg1[%get3A_4, %get3A_5, %get3A_6] : memref<2x1024x16xf32, #tpu.memory_space<vmem>>, vector<1x1024x1xf32>
    %get3A_8 = vector.shape_cast %get3A_7 : vector<1x1024x1xf32> to vector<1024x1xf32>
    %add3A = arith.addf %get3A_3, %get3A_8 : vector<1024x1xf32>
    %add3A_9 = arith.constant 1.000000e+00 : f32
    %add3A_10 = vector.broadcast %add3A_9 : f32 to vector<1024x1xf32>
    %add3A_11 = arith.addf %add3A, %add3A_10 : vector<1024x1xf32>
    %rsqrt3A = math.rsqrt %add3A_11 : vector<1024x1xf32>
    %get3A_12 = arith.constant 0 : index
    %get3A_13 = arith.constant 0 : index
    %get3A_14 = arith.constant 0 : index
    %get3A_15 = vector.load %arg2[%get3A_12, %get3A_13, %get3A_14] : memref<2x1024x64xf32, #tpu.memory_space<vmem>>, vector<1x1024x64xf32>
    %get3A_16 = vector.shape_cast %get3A_15 : vector<1x1024x64xf32> to vector<1024x64xf32>
    %get3A_17 = arith.constant 1 : index
    %get3A_18 = arith.constant 0 : index
    %get3A_19 = arith.constant 0 : index
    %get3A_20 = vector.load %arg2[%get3A_17, %get3A_18, %get3A_19] : memref<2x1024x64xf32, #tpu.memory_space<vmem>>, vector<1x1024x64xf32>
    %get3A_21 = vector.shape_cast %get3A_20 : vector<1x1024x64xf32> to vector<1024x64xf32>
    %add3A_22 = arith.addf %get3A_16, %get3A_21 : vector<1024x64xf32>
    %get3A_23 = arith.constant 0 : index
    %get3A_24 = arith.constant 0 : index
    %get3A_25 = vector.load %arg3[%get3A_23, %get3A_24] : memref<1024x64xf32, #tpu.memory_space<vmem>>, vector<1024x64xf32>
    %add3A_26 = arith.addf %add3A_22, %get3A_25 : vector<1024x64xf32>
    %mul3A = vector.broadcast %rsqrt3A : vector<1024x1xf32> to vector<1024x64xf32>
    %mul3A_27 = arith.mulf %add3A_26, %mul3A : vector<1024x64xf32>
    %get3A_28 = arith.constant 0 : index
    %get3A_29 = arith.constant 0 : index
    %get3A_30 = vector.load %arg4[%get3A_28, %get3A_29] : memref<1x64xf32, #tpu.memory_space<vmem>>, vector<1x64xf32>
    %add3A_31 = vector.broadcast %get3A_30 : vector<1x64xf32> to vector<1024x64xf32>
    %add3A_32 = arith.addf %mul3A_27, %add3A_31 : vector<1024x64xf32>
    %max3A = arith.constant 0.000000e+00 : f32
    %max3A_33 = vector.broadcast %max3A : f32 to vector<1024x64xf32>
    %max3A_34 = arith.maximumf %add3A_32, %max3A_33 : vector<1024x64xf32>
    %swap3A = arith.constant 0 : index
    %swap3A_35 = arith.constant 0 : index
    %swap3A_36 = vector.load %arg5[%swap3A, %swap3A_35] : memref<1024x64xf32, #tpu.memory_space<vmem>>, vector<1024x64xf32>
    tpu.vector_store %arg5[%swap3A, %swap3A_35], %max3A_34 {strides = array<i32>} : memref<1024x64xf32, #tpu.memory_space<vmem>>, vector<1024x64xf32>,
    return
  }
  func.func @transform_0(%arg0: i32) -> (i32, i32, i32) {
    %c0_i32 = arith.constant 0 : i32
    %c0_i32_0 = arith.constant 0 : i32
    %c0_i32_1 = arith.constant 0 : i32
    return %c0_i32, %arg0, %c0_i32_0 : i32, i32, i32
  }
  func.func @transform_1(%arg0: i32) -> (i32, i32, i32) {
    %c0_i32 = arith.constant 0 : i32
    %c0_i32_0 = arith.constant 0 : i32
    %c0_i32_1 = arith.constant 0 : i32
    return %c0_i32, %arg0, %c0_i32_0 : i32, i32, i32
  }
  func.func @transform_2(%arg0: i32) -> (i32, i32) {
    %c0_i32 = arith.constant 0 : i32
    %c0_i32_0 = arith.constant 0 : i32
    return %arg0, %c0_i32 : i32, i32
  }
  func.func @transform_3(%arg0: i32) -> (i32, i32) {
    %c0_i32 = arith.constant 0 : i32
    %c0_i32_0 = arith.constant 0 : i32
    %c0_i32_1 = arith.constant 0 : i32
    return %c0_i32, %c0_i32_0 : i32, i32
  }
  func.func @transform_4(%arg0: i32) -> (i32, i32) {
    %c0_i32 = arith.constant 0 : i32
    %c0_i32_0 = arith.constant 0 : i32
    return %arg0, %c0_i32 : i32, i32
  }
}

</mosaic_0001>

<sc_bundles>
// kernel: kernel.11.cloned.1.call-start
scs
__scs_entry_jumppad:
0x0: {  	(pc) =	sbr.rel $0x88, $3  }
0x1: {  	(tag) =	ssettag $0x0;
	lr =	simm.s32 $0x1  }
0x2: {  	[smem:$0x3F9B] =	sst lr;
	_ =	strace $0xD0000000  }
0x3: {  	_ = 	snop  }
0x4: {  	_ = 	snop  }
0x5: {  	_ = 	snop  }
0x6: {  	_ = 	snop  }
0x7: {  	_ = 	snop  }
__scs_overlays_trampoline_lowered:
0x8: {  	[smem:$0x3FAA] =	sst s0  }
0x9: {  	[smem:$0x3FAB] =	sst s1  }
0xa: {  	[smem:$0x3FAC] =	sst s2  }
0xb: {  	[smem:$0x3FAD] =	sst s3  }
0xc: {  	[smem:$0x3FAE] =	sst s4  }
0xd: {  	[smem:$0x3FAF] =	sst s5  }
0xe: {  	[smem:$0x3FB0] =	sst s6  }
0xf: {  	[smem:$0x3FB1] =	sst s7  }
0x10: {  	[smem:$0x3FB2] =	sst s8  }
0x11: {  	[smem:$0x3FB3] =	sst s9;
	s0 =	simm.s32 @!p0 $0x0  }
0x12: {  	s1 =	sld [smem:$0x3F99];
	s0 =	simm.s32 @p0 $0x1  }
0x13: {  	[smem:$0x3FB4] =	sst s0;
	s0 =	simm.s32 @!p1 $0x0  }
0x14: {  	s2 =	sld [smem:$0x3F98];
	s0 =	simm.s32 @p1 $0x1  }
0x15: {  	[smem:$0x3FB5] =	sst s0;
	s0 =	simm.s32 @!p2 $0x0  }
0x16: {  	s3 =	sld [smem:$0x3FDB];
	s0 =	simm.s32 @p2 $0x1  }
0x17: {  	s4 =	simm.s32 $0x1BF5;
	[smem:$0x3FB7] =	sst s0  }
0x18: {  	s0 =	sld [smem:$0x3F9A];
	_ =	swait.ge [sflag:s4], $0x0  }
0x19: {  	s7 =	sld [smem:$0x3F9B]  }
0x1a: {  	s8 =	sadd.s32 $0xFFFFE003, lr  }
0x1b: {  	s9 =	sadd.s32 $0xFFFFFEF7, lr;
	s5 =	simm.s32 $0xFFFFFFFF;
	p2 =	slt.u32 s8, $0xFFFFF086  }
0x1c: {  	p1 =	slt.u32 s9, $0xF7A;
	s5 =	simm.s32 @!p2 $0x0  }
0x1d: {  	s5 =	simm.s32 @p1 $0x1;
	p0 =	seq.s32 s7, s2  }
0x1e: {  	s7 =	smul.u32 @!p0 $0xF7A, s2;
	p2 =	seq.s32 @!p0 s5, $0x0  }
0x1f: {  	s9 =	smul.u32 $0xF7A, s1;
	s8 =	simm.s32 @!p0 $0x1BF5;
	p2 =	por !p2, p0  }
0x20: {  	[sflag:s8] =	ssyncset.s32 @!p0 $0xFFFFF086;
	s6 =	sadd.s32 @!p0 s3, s7;
	s7 =	simm.s32 @!p0 $0x108  }
0x21: {  	s3 =	sadd.s32 s3, s9;
	s6 =	sadd.s32 @!p0 $0x88, s6;
	s7 =	simm.s32 @p2 $0x1082  }
0x22: {  	[simem:s7], [sflag:s8] =	dma.local @!p0 [hbm:s6], $0xF7A  }
0x23: {  	s9 =	sor.u32 $0xD0000000, s2;
	s6 =	simm.s32 $0x108;
	_ =	swait.ge @!p0 [sflag:s8], $0x0  }
0x24: {  	s3 =	sadd.s32 $0x88, s3;
	s6 =	simm.s32 @!p1 $0x1082;
	[sflag:s4] =	ssyncset.s32 $0xFFFFF086  }
0x25: {  	[simem:s6], [sflag:s4] =	dma.local [hbm:s3], $0xF7A  }
0x26: {  	[smem:$0x3F9B] =	sst s1;
	(tag) =	ssettag s2;
	_ =	strace s9  }
0x27: {  	s1 =	sld [smem:$0x3FAB]  }
0x28: {  	s2 =	sld [smem:$0x3FAC]  }
0x29: {  	s4 =	sld [smem:$0x3FAE]  }
0x2a: {  	p0 =	seq.s32 s5, $0x0;
	s5 =	sld [smem:$0x3FAF]  }
0x2b: {  	s6 =	sld [smem:$0x3FB0]  }
0x2c: {  	s7 =	sld [smem:$0x3FB1]  }
0x2d: {  	s3 =	simm.s32 $0x108;
	s8 =	sld [smem:$0x3FB2]  }
0x2e: {  	s3 =	simm.s32 @!p0 $0x1082;
	s9 =	sld [smem:$0x3FB3]  }
0x2f: {  	lr =	sadd.s32 s0, s3;
	s0 =	sld [smem:$0x3FAA]  }
0x30: {  	s3 =	sld [smem:$0x3FAD]  }
0x31: {  	[smem:$0x3FB6] =	sst s10  }
0x32: {  	s10 =	sld [smem:$0x3FB4];
	_ =	sdelay $0x3  }
0x33: {  	p0 =	seq.s32 s10, $0x1;
	s10 =	sld [smem:$0x3FB6];
	_ =	sdelay $0x3  }
0x34: {  	[smem:$0x3FB6] =	sst s10  }
0x35: {  	s10 =	sld [smem:$0x3FB5];
	_ =	sdelay $0x3  }
0x36: {  	p1 =	seq.s32 s10, $0x1;
	s10 =	sld [smem:$0x3FB6];
	_ =	sdelay $0x3  }
0x37: {  	[smem:$0x3FB6] =	sst s10  }
0x38: {  	s10 =	sld [smem:$0x3FB7]  }
0x39: {  	_ = 	snop;
	(pc) =	sbr.ind lr, $3  }
0x3a: {  	_ = 	snop  }
0x3b: {  	_ = 	snop  }
0x3c: {  	p2 =	seq.s32 s10, $0x1;
	s10 =	sld [smem:$0x3FB6]  }
0x3d: {  	_ =	shalt  }
0x3e: {  	_ =	shalt  }
0x3f: {  	_ =	shalt  }
0x40: {  	_ =	shalt  }
0x41: {  	_ =	shalt  }
0x42: {  	_ =	shalt  }
0x43: {  	_ =	shalt  }
0x44: {  	_ =	shalt  }
0x45: {  	_ =	shalt  }
0x46: {  	_ =	shalt  }
0x47: {  	_ =	shalt  }
0x48: {  	_ =	shalt  }
0x49: {  	_ =	shalt  }
0x4a: {  	_ =	shalt  }
0x4b: {  	_ =	shalt  }
0x4c: {  	_ =	shalt  }
0x4d: {  	_ =	shalt  }
0x4e: {  	_ =	shalt  }
0x4f: {  	_ =	shalt  }
0x50: {  	_ =	shalt  }
0x51: {  	_ =	shalt  }
0x52: {  	_ =	shalt  }
0x53: {  	_ =	shalt  }
0x54: {  	_ =	shalt  }
0x55: {  	_ =	shalt  }
0x56: {  	_ =	shalt  }
0x57: {  	_ =	shalt  }
0x58: {  	_ =	shalt  }
0x59: {  	_ =	shalt  }
0x5a: {  	_ =	shalt  }
0x5b: {  	_ =	shalt  }
0x5c: {  	_ =	shalt  }
0x5d: {  	_ =	shalt  }
0x5e: {  	_ =	shalt  }
0x5f: {  	_ =	shalt  }
0x60: {  	_ =	shalt  }
0x61: {  	_ =	shalt  }
0x62: {  	_ =	shalt  }
0x63: {  	_ =	shalt  }
0x64: {  	_ =	shalt  }
0x65: {  	_ =	shalt  }
0x66: {  	_ =	shalt  }
0x67: {  	_ =	shalt  }
0x68: {  	_ =	shalt  }
0x69: {  	_ =	shalt  }
0x6a: {  	_ =	shalt  }
0x6b: {  	_ =	shalt  }
0x6c: {  	_ =	shalt  }
0x6d: {  	_ =	shalt  }
0x6e: {  	_ =	shalt  }
0x6f: {  	_ =	shalt  }
0x70: {  	_ =	shalt  }
0x71: {  	_ =	shalt  }
0x72: {  	_ =	shalt  }
0x73: {  	_ =	shalt  }
0x74: {  	_ =	shalt  }
0x75: {  	_ =	shalt  }
0x76: {  	_ =	shalt  }
0x77: {  	_ =	shalt  }
0x78: {  	_ =	shalt  }
0x79: {  	_ =	shalt  }
0x7a: {  	_ =	shalt  }
0x7b: {  	_ =	shalt  }
0x7c: {  	_ =	shalt  }
0x7d: {  	_ =	shalt  }
0x7e: {  	_ =	shalt  }
0x7f: {  	_ =	shalt  }
0x80: {  	_ =	shalt  }
0x81: {  	_ =	shalt  }
0x82: {  	_ =	shalt  }
0x83: {  	_ =	shalt  }
0x84: {  	_ =	shalt  }
0x85: {  	_ =	shalt  }
0x86: {  	_ =	shalt  }
0x87: {  	_ =	shalt  }
.Lfunc_end0:
.L_simem_size_0:
called_computation.1_lowered:
.L_overlay_start_0:
0x88: {  	s2 =	sld [smem:$0x3FD9]  }
0x89: {  	s3 =	sld [smem:$0x3FFE];
	_ =	sdelay $0x1  }
0x8a: {  	s1 =	srdreg.scid  }
0x8b: {  	s0 =	sand.u32 $0x1, s1  }
0x8c: {  	s17 =	sshll.u32 s0, $0xA;
	s2 =	sadd.s32 s3, s2  }
0x8d: {  	s2 =	sadd.s32 s2, s17  }
0x8e: {  	[smem:$0x3FC2] =	sst s2  }
0x8f: {  	_ = 	snop  }
0x90: {  	s2 =	sld [smem:$0x3FD0];
	(tm) =	ssettm $0x1  }
0x91: {  	s18 =	sld [smem:$0x3FFB];
	_ =	sdelay $0x3  }
0x92: {  	_ =	strace s18  }
0x93: {  	s3 =	sld [smem:$0x3FFC];
	_ =	sdelay $0x3  }
0x94: {  	_ =	strace s3  }
0x95: {  	s3 =	sld [smem:$0x3FFD];
	_ =	sdelay $0x3  }
0x96: {  	_ =	strace s3  }
0x97: {  	_ =	strace $0x8FFFFFFF  }
0x98: {  	s19 =	sld [smem:$0x3FDB];
	_ =	sdelay $0x1  }
0x99: {  	s4 =	simm.s32 $_scs_section_size  }
0x9a: {  	s5 =	simm.s32 $_size__tile_overlayer_lowered;
	s6 =	simm.s32 $_tile_overlayer_lowered  }
0x9b: {  	s22 =	simm.s32 $0x1BFF;
	s21 =	sshll.u32 s6, $0x1;
	s3 =	sadd.s32 s4, s19  }
0x9c: {  	s7 =	simm.s32 $0x0;
	s20 =	sshll.u32 s5, $0x1;
	s5 =	sadd.s32 s21, s3  }
0x9d: {  	[timem:s7], [sflag:s22] =	dma.local [hbm:s5], s20  }
0x9e: {  	_ =	swait.ge [sflag:s22], s20  }
0x9f: {  	s4 =	ssub.s32 $0x0, s20;
	[sflag:s22] =	ssyncset.done $0x0  }
0xa0: {  	[sflag:s22] =	ssyncadd.s32 s4;
	_ =	sdelay $0x1  }
0xa1: {  	s23 =	simm.s32 $0x1B8B  }
0xa2: {  	_ =	swait.ge [sflag:s23], $0x1  }
0xa3: {  	[sflag:s23] =	ssyncset.done $0x0  }
0xa4: {  	s25 =	simm.s32 $0x1B8E;
	s24 =	sld [smem:$0x3FFE];
	[sflag:s23] =	ssyncadd.s32 $0xFFFFFFFF  }
0xa5: {  	s26 =	simm.s32 $execute0_lowered;
	[smem:$0x3FD2] =	sst s25  }
0xa6: {  	s5 =	sshll.u32 s26, $0x1;
	_ =	strace $0x80000049;
	[dreg:$0x1] =	wrdreg $0xFFFFFFFF  }
0xa7: {  	s28 =	simm.s32 $_size_execute0_lowered;
	s3 =	sadd.s32 s3, s5;
	[dreg:$0x0] =	wrdreg $0x0  }
0xa8: {  	s5 =	sshll.u32 s28, $0x1;
	[dreg:$0x2] =	wrdreg s3  }
0xa9: {  	[dreg:$0x3] =	wrdreg s5  }
0xaa: {  	[dreg:$0x4] =	wrdreg $0xC0  }
0xab: {  	_ =	task [dreg:s7], $0x5FFFF  }
0xac: {  	[dreg:$0x1] =	wrdreg $0xFFFFFFFF  }
0xad: {  	[dreg:$0x0] =	wrdreg $0x60  }
0xae: {  	[dreg:$0x2] =	wrdreg s24  }
0xaf: {  	[dreg:$0x3] =	wrdreg s2  }
0xb0: {  	[dreg:$0x4] =	wrdreg $0xB3400  }
0xb1: {  	[dreg:$0x5] =	wrdreg $0x9  }
0xb2: {  	_ =	task.clear_ibuf [dreg:s7], $0x6FFFF;
	_ =	strace $0x90000049  }
0xb3: {  	s29 =	simm.s32 $0x9;
	_ =	strace $0x8000004B  }
0xb4: {  	_ =	swait.ge [sflag:s29], $0x1  }
0xb5: {  	[sflag:s29] =	ssyncadd.s32 $0xFFFFFFFF  }
0xb6: {  	_ =	strace $0x9000004B  }
0xb7: {  	_ =	sfence  }
0xb8: {  	s30 =	sld [smem:$0x0];
	_ =	sdelay $0x2  }
0xb9: {  	s31 =	sshll.u32 s1, $0xD;
	s1 =	sshrl.u32 s1, $0x2  }
0xba: {  	s3 =	sand.u32 $0x4000, s31;
	s1 =	sadd.s32 s1, s30  }
0xbb: {  	s0 =	sor.u32 s3, s0;
	s1 =	sshll.u32 s1, $0x11  }
0xbc: {  	s0 =	sor.u32 s1, s0  }
0xbd: {  	s0 =	sadd.s32 $0x8F2B, s0  }
0xbe: {  	[sflag:s0] =	ssyncadd.remote.s32 $0x1  }
0xbf: {  	_ =	sfence.sel $0xFFFF  }
0xc0: {  	[dreg:$0x0] =	wrdreg $0xFFFFFFFF;
	(pc) =	sbr.abs _section_cstart, $3  }
0xc1: {  	[dreg:$0x1] =	wrdreg $0xFFFFFFFF  }
0xc2: {  	_ =	task.clear_ibuf [dreg:s7], $0x2FFFF;
	_ =	strace $0x9FFFFFFF  }
0xc3: {  	(tm) =	ssettm $0x7FFFFFFF  }
tec
execute0_lowered:
.L_overlay_start_1:
0x0: {  	(tag) =	ssettag $0x1  }
0x1: {  	s0 =	rddreg [dreg:$0x0];
	s7 =	stileid.u32  }
0x2: {  	s1 =	srdreg.scid;
	s3 =	smul.u32 $0x18, s7  }
0x3: {  	s13 =	rddreg [dreg:$0x1];
	s1 =	sand.u32 $0x1, s1;
	s4 =	smul.u32 $0xBC, s7  }
0x4: {  	s2 =	rddreg [dreg:$0x2];
	s16 =	smul.u32 $0x14000, s7;
	p0 =	seq.s32 s1, $0x0  }
0x5: {  	s6 =	ssub.s32 $0x2, s1;
	s1 =	smul.u32 $0x140000, s1;
	s5 =	sadd.s32 $0xBC0, s3  }
0x6: {  	s3 =	simm.s32 $0x0;
	s26 =	sshrl.u32 s6, $0x1;
	s17 =	sor.u32 $0x3000, s16  }
0x7: {  	s18 =	sadd.s32 $0x6000, s16;
	s19 =	sadd.s32 $0x9000, s16;
	s20 =	sadd.s32 $0xC000, s16  }
0x8: {  	s21 =	sadd.s32 $0xF000, s16;
	s23 =	sadd.s32 $0x12000, s16;
	s4 =	smov.u32 @p0 s5  }
0x9: {  	[smem:$0x7FF] =	sst s3;
	s5 =	simm.s32 $0x18;
	s22 =	ssub.s32 s6, s26  }
0xa: {  	s6 =	sadd.s32 s16, s2;
	s7 =	sadd.s32 s17, s2;
	s8 =	sadd.s32 s18, s2  }
0xb: {  	s9 =	sadd.s32 s19, s2;
	s10 =	sadd.s32 s20, s2;
	s11 =	sadd.s32 s21, s2  }
0xc: {  	s12 =	sadd.s32 s23, s2;
	s16 =	sadd.s32 s16, s1;
	s29 =	sadd.s32 s1, s17  }
0xd: {  	s30 =	sadd.s32 s1, s18;
	s24 =	sadd.s32 s1, s20;
	s26 =	sadd.s32 s1, s21  }
0xe: {  	s14 =	smul.u32 $0xC, s4;
	_ =	strace $0x8000004A;
	s4 =	sadd.s32 $0x20000, s0  }
0xf: {  	s5 =	simm.s32 @!p0 $0xBC;
	s28 =	sshrl.u32 s16, $0x3;
	s16 =	sshrl.u32 s29, $0x3  }
0x10: {  	s17 =	sshrl.u32 s30, $0x3;
	s20 =	sshrl.u32 s26, $0x3;
	s22 =	smax.u32 s22, $0x1  }
0x11: {  	s26 =	simm.s32 $0x2;
	s15 =	sadd.s32 s14, s0;
	s0 =	sadd.s32 $0x48000, s0  }
0x12: {  	s13 =	sadd.s32 s13, s14;
	s14 =	sadd.s32 $0x15E00, s15;
	s15 =	sadd.s32 s0, s28  }
0x13: {  	s31 =	sadd.s32 s0, s16;
	s16 =	sadd.s32 s1, s19;
	[dreg:$0x6] =	wrdreg s15  }
0x14: {  	s19 =	sadd.s32 s0, s17;
	s1 =	sadd.s32 s1, s23;
	[dreg:$0x7] =	wrdreg s31  }
0x15: {  	s28 =	smul.u32 $0xC, s5;
	s30 =	sadd.s32 s0, s20;
	[dreg:$0x8] =	wrdreg s19  }
0x16: {  	s20 =	smov.u32 s13;
	s23 =	simm.s32 $0x60;
	[dreg:$0xb] =	wrdreg s30  }
0x17: {  	s18 =	sshrl.u32 s16, $0x3;
	s31 =	sadd.s32 $0x18, s13;
	[dreg:$0x5] =	wrdreg s28  }
0x18: {  	s19 =	sshrl.u32 s24, $0x3;
	s25 =	sadd.s32 s0, s18;
	[dreg:$0x4] =	wrdreg s31  }
0x19: {  	s1 =	sshrl.u32 s1, $0x3;
	s29 =	sadd.s32 s0, s19;
	[dreg:$0x9] =	wrdreg s25  }
0x1a: {  	v0 =	vimm.f32 $0.0e+00;
	s21 =	sadd.s32 s0, s1;
	[dreg:$0xa] =	wrdreg s29;
	s25 =	simm.s32 $0x1  }
.LBB2_1:
0x1b: {  	s0 =	simm.s32 $0x0;
	s1 =	simm.s32 $0x200  }
.LBB2_2:
0x1c: {  	p0 =	sne.s32 s1, $0xBE00;
	[tilespmem:s0+$0x23B0] =	vst v0  }
0x1d: {  	[tilespmem:s0+$0x2340] =	vst v0  }
0x1e: {  	[tilespmem:s0+$0x2350] =	vst v0  }
.Ltmp0:
0x1f: {  	[tilespmem:s0+$0x2360] =	vst v0;
	(pc) =	sbr.rel @p0 .LBB2_2-.Ltmp0, $4  }
0x20: {  	[tilespmem:s0+$0x2370] =	vst v0  }
0x21: {  	[tilespmem:s0+$0x2380] =	vst v0  }
0x22: {  	[tilespmem:s0+$0x2390] =	vst v0  }
0x23: {  	[tilespmem:s0+$0x23A0] =	vst v0;
	s0 =	sshra.s32 s1, $0x2;
	s1 =	sadd.s32 $0x200, s1  }
0x24: {  	[tilespmem:s0+$0x23B0] =	vst v0  }
0x25: {  	[tilespmem:s0+$0x2340] =	vst v0  }
0x26: {  	[tilespmem:s0+$0x2350] =	vst v0  }
0x27: {  	[tilespmem:s0+$0x2360] =	vst v0  }
0x28: {  	[tilespmem:s0+$0x2370] =	vst v0  }
0x29: {  	[tilespmem:s0+$0x2380] =	vst v0  }
0x2a: {  	[tilespmem:s0+$0x2390] =	vst v0  }
0x2b: {  	[tilespmem:s0+$0x23A0] =	vst v0;
	s28 =	simm.s32 $0x2340;
	s29 =	simm.s32 $0x2  }
0x2c: {  	[spmem:s6] =	stream.linear.scatter [tilespmem:s28], [sflag:$0x2], $0x3000, $0x38;
	[tilespmem:$0x1F340] =	vst v63  }
0x2d: {  	_ =	swait.ge [sflag:s29], $0x3000  }
0x2e: {  	[sflag:s29] =	ssyncset.done $0x0  }
0x2f: {  	[sflag:s29] =	ssyncadd.s32 $0xFFFFD000  }
0x30: {  	[spmem:s7] =	stream.linear.scatter [tilespmem:s28], [sflag:$0x2], $0x3000, $0x38;
	[tilespmem:$0x1F340] =	vst v63  }
0x31: {  	_ =	swait.ge [sflag:s29], $0x3000  }
0x32: {  	[sflag:s29] =	ssyncset.done $0x0  }
0x33: {  	[sflag:s29] =	ssyncadd.s32 $0xFFFFD000  }
0x34: {  	[spmem:s8] =	stream.linear.scatter [tilespmem:s28], [sflag:$0x2], $0x3000, $0x38;
	[tilespmem:$0x1F340] =	vst v63  }
0x35: {  	_ =	swait.ge [sflag:s29], $0x3000  }
0x36: {  	[sflag:s29] =	ssyncset.done $0x0  }
0x37: {  	[sflag:s29] =	ssyncadd.s32 $0xFFFFD000  }
0x38: {  	[spmem:s9] =	stream.linear.scatter [tilespmem:s28], [sflag:$0x2], $0x3000, $0x38;
	[tilespmem:$0x1F340] =	vst v63  }
0x39: {  	_ =	swait.ge [sflag:s29], $0x3000  }
0x3a: {  	[sflag:s29] =	ssyncset.done $0x0  }
0x3b: {  	[sflag:s29] =	ssyncadd.s32 $0xFFFFD000  }
0x3c: {  	[spmem:s10] =	stream.linear.scatter [tilespmem:s28], [sflag:$0x2], $0x3000, $0x38;
	[tilespmem:$0x1F340] =	vst v63  }
0x3d: {  	_ =	swait.ge [sflag:s29], $0x3000  }
0x3e: {  	[sflag:s29] =	ssyncset.done $0x0  }
0x3f: {  	[sflag:s29] =	ssyncadd.s32 $0xFFFFD000  }
0x40: {  	[spmem:s11] =	stream.linear.scatter [tilespmem:s28], [sflag:$0x2], $0x3000, $0x38;
	[tilespmem:$0x1F340] =	vst v63  }
0x41: {  	_ =	swait.ge [sflag:s29], $0x3000  }
0x42: {  	[sflag:s29] =	ssyncset.done $0x0  }
0x43: {  	[sflag:s29] =	ssyncadd.s32 $0xFFFFD000  }
0x44: {  	[spmem:s12] =	stream.linear.scatter [tilespmem:s28], [sflag:$0x2], $0x2000, $0x38;
	[tilespmem:$0x1F340] =	vst v63  }
0x45: {  	_ =	swait.ge [sflag:s29], $0x2000  }
0x46: {  	[sflag:s29] =	ssyncset.done $0x0  }
0x47: {  	[sflag:s29] =	ssyncadd.s32 $0xFFFFE000  }
0x48: {  	s30 =	simm.s32 $0x0;
	[bflag:$0x0] =	sbarrier.arrive $0xFFFF  }
0x49: {  	[tilespmem:s30], [sflag:$0x2] =	stream.linear.gather [hbm4b:s20+s30], $0x11A0, $0x38;
	[tilespmem:$0x1F340] =	vst v63  }
0x4a: {  	_ =	swait.ge [sflag:s29], $0x11A0  }
0x4b: {  	[sflag:s29] =	ssyncset.done $0x0  }
0x4c: {  	s31 =	simm.s32 $0x11A0;
	[sflag:s29] =	ssyncadd.s32 $0xFFFFEE60  }
0x4d: {  	[tilespmem:s31], [sflag:$0x2] =	stream.linear.gather [hbm4b:s14+s30], $0x11A0, $0x38;
	[tilespmem:$0x1F340] =	vst v63  }
0x4e: {  	_ =	swait.ge [sflag:s29], $0x11A0  }
0x4f: {  	[sflag:s29] =	ssyncset.done $0x0  }
0x50: {  	[sflag:s29] =	ssyncadd.s32 $0xFFFFEE60  }
0x51: {  	[tilespmem:s28], [sflag:$0x1] =	stream.indirect.gather [hbm4b:s4+s23], $0x80, s30, s23, $0xb8;
	[tilespmem:$0x1F340] =	vst v63  }
0x52: {  	s24 =	simm.s32 $0x5340  }
0x53: {  	[tilespmem:s24], [sflag:$0x1] =	stream.indirect.gather [hbm4b:s4+s23], $0x80, s23, s23, $0xb8;
	[tilespmem:$0x1F340] =	vst v63  }
0x54: {  	s1 =	simm.s32 $0x8340;
	s0 =	simm.s32 $0xC0;
	s24 =	simm.s32 $0x0  }
.LBB2_4:
0x55: {  	s15 =	smulhi.u32 $0xAE4C415D, s29;
	_ =	sdelay $0x1  }
0x56: {  	s15 =	sshrl.u32 s15, $0x5  }
0x57: {  	s16 =	smul.u32 $0x234, s15  }
0x58: {  	s13 =	smulhi.u32 $0xAAAAAAAB, s29;
	_ =	swait.ge [sflag:s25], $0x3000;
	p0 =	sge.u32 s29, s5  }
0x59: {  	s19 =	smulhi.u32 $0xAE4C415D, s24;
	s17 =	rddreg [dreg:$0x4];
	s16 =	sadd.s32 $0xFFFFFFE8, s16  }
0x5a: {  	[sflag:s25] =	ssyncset.done $0x0;
	s13 =	sshrl.u32 s13, $0x1;
	p1 =	sne.s32 @!p0 s16, s30  }
0x5b: {  	[sflag:s25] =	ssyncadd.s32 $0xFFFFD000;
	s13 =	smul.u32 $0xFFFDC000, s13;
	p1 =	por p1, p0  }
0x5c: {  	s15 =	smul.u32 $0xFFFFB980, s15;
	s16 =	sadd.s32 @!p1 s30, s17;
	s17 =	simm.s32 @!p1 $0x0  }
0x5d: {  	[tilespmem:s17], [sflag:$0x2] =	stream.linear.gather @!p1 [hbm4b:s16+s17], $0x11A0, $0x38;
	[tilespmem:$0x1F340] =	vst v63  }
0x5e: {  	s18 =	smulhi.u32 $0xAAAAAAAB, s24;
	s13 =	sshra.s32 s13, $0x2;
	s17 =	simm.s32 @!p1 $0x2  }
0x5f: {  	s15 =	sshra.s32 s15, $0x2;
	s13 =	sadd.s32 s13, s1;
	_ =	swait.ge @!p1 [sflag:s17], $0x11A0  }
0x60: {  	s15 =	sadd.s32 s15, s0;
	s16 =	sshrl.u32 s19, $0x5;
	[sflag:s17] =	ssyncset.done @!p1 $0x0  }
0x61: {  	s19 =	smul.u32 $0x234, s16;
	[sflag:s17] =	ssyncadd.s32 @!p1 $0xFFFFEE60;
	s17 =	simm.s32 @!p0 $0x60  }
0x62: {  	[tilespmem:s13], [sflag:$0x1] =	stream.indirect.gather @!p0 [hbm4b:s4+s17], $0x80, s15, s17, $0xb8;
	[tilespmem:$0x1F340] =	vst v63  }
0x63: {  	p0 =	seq.s32 s30, $0x0  }
0x64: {  	s17 =	sshrl.u32 s18, $0x1;
	p1 =	sne.s32 @!p0 s19, s30  }
0x65: {  	s13 =	smul.u32 $0xFFFDC000, s17;
	p0 =	por p1, p0  }
0x66: {  	s15 =	sadd.s32 @!p0 s30, s14;
	s17 =	simm.s32 @!p0 $0x0;
	s18 =	simm.s32 @!p0 $0x11A0  }
0x67: {  	[tilespmem:s18], [sflag:$0x2] =	stream.linear.gather @!p0 [hbm4b:s15+s17], $0x11A0, $0x38;
	[tilespmem:$0x1F340] =	vst v63  }
0x68: {  	s18 =	smul.u32 $0xFFFFB980, s16;
	s16 =	simm.s32 @!p0 $0x2  }
0x69: {  	_ =	swait.ge @!p0 [sflag:s16], $0x11A0  }
0x6a: {  	s13 =	sshra.s32 s13, $0x2;
	s15 =	sshra.s32 s18, $0x2;
	[sflag:s16] =	ssyncset.done @!p0 $0x0  }
0x6b: {  	s13 =	sadd.s32 s13, s28;
	s15 =	sadd.s32 s15, s31;
	[sflag:s16] =	ssyncadd.s32 @!p0 $0xFFFFEE60  }
0x6c: {  	[spmem:s2] =	stream.indirect.scatter.add.f32 [tilespmem:s13], [sflag:$0x2], $0x80, s15, s23, $0xb8;
	[tilespmem:$0x1F340] =	vst v63  }
0x6d: {  	_ =	swait.ge [sflag:s26], $0x3000  }
0x6e: {  	s30 =	sadd.s32 $0xC, s30;
	s19 =	rddreg [dreg:$0x5]  }
0x6f: {  	p0 =	sne.s32 s19, s30  }
.Ltmp1:
0x70: {  	_ = 	snop;
	(pc) =	sbr.rel @p0 .LBB2_4-.Ltmp1, $4  }
0x71: {  	_ = 	snop  }
0x72: {  	s24 =	sadd.s32 $0x1, s24;
	s29 =	sadd.s32 $0x1, s29  }
0x73: {  	s1 =	sadd.s32 $0x3000, s1;
	s0 =	sadd.s32 $0x60, s0;
	[sflag:s26] =	ssyncset.done $0x0  }
0x74: {  	s28 =	sadd.s32 $0x3000, s28;
	s31 =	sadd.s32 $0x60, s31;
	[sflag:s26] =	ssyncadd.s32 $0xFFFFD000  }
0x75: {  	s0 =	stileid.u32  }
0x76: {  	[bflag:$0x0] =	sbarrier.arrive $0xFFFF;
	s0 =	sshll.u32 s0, $0x6  }
0x77: {  	s1 =	sshrl.u32 s6, $0x3;
	s13 =	rddreg [dreg:$0x6];
	s0 =	sor.u32 $0x1C02, s0  }
0x78: {  	[hbm:s13], [sflag:s0] =	dma.local [spmem:s1], $0x600  }
0x79: {  	_ =	swait.ge [sflag:s26], $0x600  }
0x7a: {  	[sflag:s26] =	ssyncset.done $0x0  }
0x7b: {  	s13 =	sshrl.u32 s7, $0x3;
	s15 =	rddreg [dreg:$0x7];
	[sflag:s26] =	ssyncadd.s32 $0xFFFFFA00  }
0x7c: {  	[hbm:s15], [sflag:s0] =	dma.local [spmem:s13], $0x600  }
0x7d: {  	_ =	swait.ge [sflag:s26], $0x600  }
0x7e: {  	[sflag:s26] =	ssyncset.done $0x0  }
0x7f: {  	s16 =	sshrl.u32 s8, $0x3;
	s17 =	rddreg [dreg:$0x8];
	[sflag:s26] =	ssyncadd.s32 $0xFFFFFA00  }
0x80: {  	[hbm:s17], [sflag:s0] =	dma.local [spmem:s16], $0x600  }
0x81: {  	_ =	swait.ge [sflag:s26], $0x600  }
0x82: {  	[sflag:s26] =	ssyncset.done $0x0  }
0x83: {  	s18 =	sshrl.u32 s9, $0x3;
	s19 =	rddreg [dreg:$0x9];
	[sflag:s26] =	ssyncadd.s32 $0xFFFFFA00  }
0x84: {  	[hbm:s19], [sflag:s0] =	dma.local [spmem:s18], $0x600  }
0x85: {  	_ =	swait.ge [sflag:s26], $0x600  }
0x86: {  	[sflag:s26] =	ssyncset.done $0x0  }
0x87: {  	s24 =	sshrl.u32 s10, $0x3;
	s28 =	rddreg [dreg:$0xa];
	[sflag:s26] =	ssyncadd.s32 $0xFFFFFA00  }
0x88: {  	[hbm:s28], [sflag:s0] =	dma.local [spmem:s24], $0x600  }
0x89: {  	_ =	swait.ge [sflag:s26], $0x600  }
0x8a: {  	[sflag:s26] =	ssyncset.done $0x0  }
0x8b: {  	s29 =	sshrl.u32 s11, $0x3;
	s30 =	rddreg [dreg:$0xb];
	[sflag:s26] =	ssyncadd.s32 $0xFFFFFA00  }
0x8c: {  	[hbm:s30], [sflag:s0] =	dma.local [spmem:s29], $0x600  }
0x8d: {  	s3 =	sadd.s32 $0x1, s3;
	_ =	swait.ge [sflag:s26], $0x600  }
0x8e: {  	p0 =	sne.s32 s3, s22;
	[sflag:s26] =	ssyncset.done $0x0  }
.Ltmp2:
0x8f: {  	s31 =	sshrl.u32 s12, $0x3;
	[sflag:s26] =	ssyncadd.s32 $0xFFFFFA00;
	(pc) =	sbr.rel @p0 .LBB2_1-.Ltmp2, $4  }
0x90: {  	[hbm:s21], [sflag:s0] =	dma.local [spmem:s31], $0x400  }
0x91: {  	_ =	swait.ge [sflag:s26], $0x400  }
0x92: {  	[sflag:s26] =	ssyncset.done $0x0  }
0x93: {  	[sflag:s26] =	ssyncadd.s32 $0xFFFFFC00  }
0x94: {  	_ =	sfence.sel $0x180000  }
0x95: {  	[bflag:$0x0] =	sbarrier.arrive $0xFFFF  }
0x96: {  	_ =	strace $0x9000004A  }
0x97: {  	s0 =	stileid.u32;
	[bflag:$0x2] =	sbarrier.arrive $0xFFFF  }
0x98: {  	p0 =	sne.s32 s0, $0x0;
	s0 =	rddreg [dreg:$0x3]  }
0x99: {  	s0 =	sadd.s32 @!p0 $0x100000, s0  }
0x9a: {  	[sflag:s0] =	ssyncadd.tile.s32 @!p0 $0x1;
	_ =	shalt  }
.Lfunc_end2:
_tile_overlayer_lowered:
.L_overlay_start_2:
0x9b: {  	(tag) =	ssettag $0x2  }
0x9c: {  	s0 =	rddreg [dreg:$0x0];
	s2 =	stileid.u32  }
0x9d: {  	s1 =	rddreg [dreg:$0x1];
	p0 =	sne.s32 s2, $0x0  }
0x9e: {  	s3 =	rddreg [dreg:$0x2];
	[bflag:$0x3] =	sbarrier.arrive $0xFFFF;
	s2 =	simm.s32 @!p0 $0x1C02  }
0x9f: {  	[timem:s3], [sflag:s2] =	dma.local @!p0 [hbm:s0], s1  }
0xa0: {  	s0 =	simm.s32 @!p0 $0x2  }
0xa1: {  	_ =	swait.ge @!p0 [sflag:s0], s1  }
0xa2: {  	s1 =	ssub.s32 @!p0 $0x0, s1;
	[sflag:s0] =	ssyncset.done @!p0 $0x0  }
0xa3: {  	[sflag:s0] =	ssyncadd.s32 @!p0 s1  }
0xa4: {  	[bflag:$0x3] =	sbarrier.arrive $0xFFFF  }
0xa5: {  	_ =	shalt  }

// kernel: kernel.14.cloned.1.call-start
scs
__scs_entry_jumppad:
0x0: {  	(pc) =	sbr.rel $0x88, $3  }
0x1: {  	(tag) =	ssettag $0x0;
	lr =	simm.s32 $0x1  }
0x2: {  	[smem:$0x3F9B] =	sst lr;
	_ =	strace $0xD0000000  }
0x3: {  	_ = 	snop  }
0x4: {  	_ = 	snop  }
0x5: {  	_ = 	snop  }
0x6: {  	_ = 	snop  }
0x7: {  	_ = 	snop  }
__scs_overlays_trampoline_lowered:
0x8: {  	[smem:$0x3FAA] =	sst s0  }
0x9: {  	[smem:$0x3FAB] =	sst s1  }
0xa: {  	[smem:$0x3FAC] =	sst s2  }
0xb: {  	[smem:$0x3FAD] =	sst s3  }
0xc: {  	[smem:$0x3FAE] =	sst s4  }
0xd: {  	[smem:$0x3FAF] =	sst s5  }
0xe: {  	[smem:$0x3FB0] =	sst s6  }
0xf: {  	[smem:$0x3FB1] =	sst s7  }
0x10: {  	[smem:$0x3FB2] =	sst s8  }
0x11: {  	[smem:$0x3FB3] =	sst s9;
	s0 =	simm.s32 @!p0 $0x0  }
0x12: {  	s1 =	sld [smem:$0x3F99];
	s0 =	simm.s32 @p0 $0x1  }
0x13: {  	[smem:$0x3FB4] =	sst s0;
	s0 =	simm.s32 @!p1 $0x0  }
0x14: {  	s2 =	sld [smem:$0x3F98];
	s0 =	simm.s32 @p1 $0x1  }
0x15: {  	[smem:$0x3FB5] =	sst s0;
	s0 =	simm.s32 @!p2 $0x0  }
0x16: {  	s3 =	sld [smem:$0x3FDB];
	s0 =	simm.s32 @p2 $0x1  }
0x17: {  	s4 =	simm.s32 $0x1BF5;
	[smem:$0x3FB7] =	sst s0  }
0x18: {  	s0 =	sld [smem:$0x3F9A];
	_ =	swait.ge [sflag:s4], $0x0  }
0x19: {  	s7 =	sld [smem:$0x3F9B]  }
0x1a: {  	s8 =	sadd.s32 $0xFFFFE003, lr  }
0x1b: {  	s9 =	sadd.s32 $0xFFFFFEF7, lr;
	s5 =	simm.s32 $0xFFFFFFFF;
	p2 =	slt.u32 s8, $0xFFFFF086  }
0x1c: {  	p1 =	slt.u32 s9, $0xF7A;
	s5 =	simm.s32 @!p2 $0x0  }
0x1d: {  	s5 =	simm.s32 @p1 $0x1;
	p0 =	seq.s32 s7, s2  }
0x1e: {  	s7 =	smul.u32 @!p0 $0xF7A, s2;
	p2 =	seq.s32 @!p0 s5, $0x0  }
0x1f: {  	s9 =	smul.u32 $0xF7A, s1;
	s8 =	simm.s32 @!p0 $0x1BF5;
	p2 =	por !p2, p0  }
0x20: {  	[sflag:s8] =	ssyncset.s32 @!p0 $0xFFFFF086;
	s6 =	sadd.s32 @!p0 s3, s7;
	s7 =	simm.s32 @!p0 $0x108  }
0x21: {  	s3 =	sadd.s32 s3, s9;
	s6 =	sadd.s32 @!p0 $0x88, s6;
	s7 =	simm.s32 @p2 $0x1082  }
0x22: {  	[simem:s7], [sflag:s8] =	dma.local @!p0 [hbm:s6], $0xF7A  }
0x23: {  	s9 =	sor.u32 $0xD0000000, s2;
	s6 =	simm.s32 $0x108;
	_ =	swait.ge @!p0 [sflag:s8], $0x0  }
0x24: {  	s3 =	sadd.s32 $0x88, s3;
	s6 =	simm.s32 @!p1 $0x1082;
	[sflag:s4] =	ssyncset.s32 $0xFFFFF086  }
0x25: {  	[simem:s6], [sflag:s4] =	dma.local [hbm:s3], $0xF7A  }
0x26: {  	[smem:$0x3F9B] =	sst s1;
	(tag) =	ssettag s2;
	_ =	strace s9  }
0x27: {  	s1 =	sld [smem:$0x3FAB]  }
0x28: {  	s2 =	sld [smem:$0x3FAC]  }
0x29: {  	s4 =	sld [smem:$0x3FAE]  }
0x2a: {  	p0 =	seq.s32 s5, $0x0;
	s5 =	sld [smem:$0x3FAF]  }
0x2b: {  	s6 =	sld [smem:$0x3FB0]  }
0x2c: {  	s7 =	sld [smem:$0x3FB1]  }
0x2d: {  	s3 =	simm.s32 $0x108;
	s8 =	sld [smem:$0x3FB2]  }
0x2e: {  	s3 =	simm.s32 @!p0 $0x1082;
	s9 =	sld [smem:$0x3FB3]  }
0x2f: {  	lr =	sadd.s32 s0, s3;
	s0 =	sld [smem:$0x3FAA]  }
0x30: {  	s3 =	sld [smem:$0x3FAD]  }
0x31: {  	[smem:$0x3FB6] =	sst s10  }
0x32: {  	s10 =	sld [smem:$0x3FB4];
	_ =	sdelay $0x3  }
0x33: {  	p0 =	seq.s32 s10, $0x1;
	s10 =	sld [smem:$0x3FB6];
	_ =	sdelay $0x3  }
0x34: {  	[smem:$0x3FB6] =	sst s10  }
0x35: {  	s10 =	sld [smem:$0x3FB5];
	_ =	sdelay $0x3  }
0x36: {  	p1 =	seq.s32 s10, $0x1;
	s10 =	sld [smem:$0x3FB6];
	_ =	sdelay $0x3  }
0x37: {  	[smem:$0x3FB6] =	sst s10  }
0x38: {  	s10 =	sld [smem:$0x3FB7]  }
0x39: {  	_ = 	snop;
	(pc) =	sbr.ind lr, $3  }
0x3a: {  	_ = 	snop  }
0x3b: {  	_ = 	snop  }
0x3c: {  	p2 =	seq.s32 s10, $0x1;
	s10 =	sld [smem:$0x3FB6]  }
0x3d: {  	_ =	shalt  }
0x3e: {  	_ =	shalt  }
0x3f: {  	_ =	shalt  }
0x40: {  	_ =	shalt  }
0x41: {  	_ =	shalt  }
0x42: {  	_ =	shalt  }
0x43: {  	_ =	shalt  }
0x44: {  	_ =	shalt  }
0x45: {  	_ =	shalt  }
0x46: {  	_ =	shalt  }
0x47: {  	_ =	shalt  }
0x48: {  	_ =	shalt  }
0x49: {  	_ =	shalt  }
0x4a: {  	_ =	shalt  }
0x4b: {  	_ =	shalt  }
0x4c: {  	_ =	shalt  }
0x4d: {  	_ =	shalt  }
0x4e: {  	_ =	shalt  }
0x4f: {  	_ =	shalt  }
0x50: {  	_ =	shalt  }
0x51: {  	_ =	shalt  }
0x52: {  	_ =	shalt  }
0x53: {  	_ =	shalt  }
0x54: {  	_ =	shalt  }
0x55: {  	_ =	shalt  }
0x56: {  	_ =	shalt  }
0x57: {  	_ =	shalt  }
0x58: {  	_ =	shalt  }
0x59: {  	_ =	shalt  }
0x5a: {  	_ =	shalt  }
0x5b: {  	_ =	shalt  }
0x5c: {  	_ =	shalt  }
0x5d: {  	_ =	shalt  }
0x5e: {  	_ =	shalt  }
0x5f: {  	_ =	shalt  }
0x60: {  	_ =	shalt  }
0x61: {  	_ =	shalt  }
0x62: {  	_ =	shalt  }
0x63: {  	_ =	shalt  }
0x64: {  	_ =	shalt  }
0x65: {  	_ =	shalt  }
0x66: {  	_ =	shalt  }
0x67: {  	_ =	shalt  }
0x68: {  	_ =	shalt  }
0x69: {  	_ =	shalt  }
0x6a: {  	_ =	shalt  }
0x6b: {  	_ =	shalt  }
0x6c: {  	_ =	shalt  }
0x6d: {  	_ =	shalt  }
0x6e: {  	_ =	shalt  }
0x6f: {  	_ =	shalt  }
0x70: {  	_ =	shalt  }
0x71: {  	_ =	shalt  }
0x72: {  	_ =	shalt  }
0x73: {  	_ =	shalt  }
0x74: {  	_ =	shalt  }
0x75: {  	_ =	shalt  }
0x76: {  	_ =	shalt  }
0x77: {  	_ =	shalt  }
0x78: {  	_ =	shalt  }
0x79: {  	_ =	shalt  }
0x7a: {  	_ =	shalt  }
0x7b: {  	_ =	shalt  }
0x7c: {  	_ =	shalt  }
0x7d: {  	_ =	shalt  }
0x7e: {  	_ =	shalt  }
0x7f: {  	_ =	shalt  }
0x80: {  	_ =	shalt  }
0x81: {  	_ =	shalt  }
0x82: {  	_ =	shalt  }
0x83: {  	_ =	shalt  }
0x84: {  	_ =	shalt  }
0x85: {  	_ =	shalt  }
0x86: {  	_ =	shalt  }
0x87: {  	_ =	shalt  }
.Lfunc_end0:
.L_simem_size_0:
called_computation.2_lowered:
.L_overlay_start_0:
0x88: {  	s2 =	sld [smem:$0x3FD9]  }
0x89: {  	s3 =	sld [smem:$0x3FFE];
	_ =	sdelay $0x1  }
0x8a: {  	s1 =	srdreg.scid  }
0x8b: {  	s0 =	sand.u32 $0x1, s1  }
0x8c: {  	s17 =	sshll.u32 s0, $0xA;
	s2 =	sadd.s32 s3, s2  }
0x8d: {  	s2 =	sadd.s32 s2, s17  }
0x8e: {  	[smem:$0x3FC2] =	sst s2  }
0x8f: {  	_ = 	snop  }
0x90: {  	s2 =	sld [smem:$0x3FD0];
	(tm) =	ssettm $0x1  }
0x91: {  	s18 =	sld [smem:$0x3FFB];
	_ =	sdelay $0x3  }
0x92: {  	_ =	strace s18  }
0x93: {  	s3 =	sld [smem:$0x3FFC];
	_ =	sdelay $0x3  }
0x94: {  	_ =	strace s3  }
0x95: {  	s3 =	sld [smem:$0x3FFD];
	_ =	sdelay $0x3  }
0x96: {  	_ =	strace s3  }
0x97: {  	_ =	strace $0x8FFFFFFF  }
0x98: {  	s19 =	sld [smem:$0x3FDB];
	_ =	sdelay $0x1  }
0x99: {  	s4 =	simm.s32 $_scs_section_size  }
0x9a: {  	s5 =	simm.s32 $_size__tile_overlayer_lowered;
	s6 =	simm.s32 $_tile_overlayer_lowered  }
0x9b: {  	s22 =	simm.s32 $0x1BFF;
	s21 =	sshll.u32 s6, $0x1;
	s3 =	sadd.s32 s4, s19  }
0x9c: {  	s7 =	simm.s32 $0x0;
	s20 =	sshll.u32 s5, $0x1;
	s5 =	sadd.s32 s21, s3  }
0x9d: {  	[timem:s7], [sflag:s22] =	dma.local [hbm:s5], s20  }
0x9e: {  	_ =	swait.ge [sflag:s22], s20  }
0x9f: {  	s4 =	ssub.s32 $0x0, s20;
	[sflag:s22] =	ssyncset.done $0x0  }
0xa0: {  	[sflag:s22] =	ssyncadd.s32 s4;
	_ =	sdelay $0x1  }
0xa1: {  	s23 =	simm.s32 $0x1B8B  }
0xa2: {  	_ =	swait.ge [sflag:s23], $0x1  }
0xa3: {  	[sflag:s23] =	ssyncset.done $0x0  }
0xa4: {  	s25 =	simm.s32 $0x1B8E;
	s24 =	sld [smem:$0x3FFE];
	[sflag:s23] =	ssyncadd.s32 $0xFFFFFFFF  }
0xa5: {  	s26 =	simm.s32 $execute0_lowered;
	[smem:$0x3FD2] =	sst s25  }
0xa6: {  	s5 =	sshll.u32 s26, $0x1;
	_ =	strace $0x8000004C;
	[dreg:$0x1] =	wrdreg $0xFFFFFFFF  }
0xa7: {  	s28 =	simm.s32 $_size_execute0_lowered;
	s3 =	sadd.s32 s3, s5;
	[dreg:$0x0] =	wrdreg $0x0  }
0xa8: {  	s5 =	sshll.u32 s28, $0x1;
	[dreg:$0x2] =	wrdreg s3  }
0xa9: {  	[dreg:$0x3] =	wrdreg s5  }
0xaa: {  	[dreg:$0x4] =	wrdreg $0xC0  }
0xab: {  	_ =	task [dreg:s7], $0x5FFFF  }
0xac: {  	[dreg:$0x1] =	wrdreg $0xFFFFFFFF  }
0xad: {  	[dreg:$0x0] =	wrdreg $0x60  }
0xae: {  	[dreg:$0x2] =	wrdreg s24  }
0xaf: {  	[dreg:$0x3] =	wrdreg s2  }
0xb0: {  	[dreg:$0x4] =	wrdreg $0x7E000  }
0xb1: {  	[dreg:$0x5] =	wrdreg $0x9  }
0xb2: {  	_ =	task.clear_ibuf [dreg:s7], $0x6FFFF;
	_ =	strace $0x9000004C  }
0xb3: {  	s29 =	simm.s32 $0x9;
	_ =	strace $0x8000004E  }
0xb4: {  	_ =	swait.ge [sflag:s29], $0x1  }
0xb5: {  	[sflag:s29] =	ssyncadd.s32 $0xFFFFFFFF  }
0xb6: {  	_ =	strace $0x9000004E  }
0xb7: {  	_ =	sfence  }
0xb8: {  	s30 =	sld [smem:$0x0];
	_ =	sdelay $0x2  }
0xb9: {  	s31 =	sshll.u32 s1, $0xD;
	s1 =	sshrl.u32 s1, $0x2  }
0xba: {  	s3 =	sand.u32 $0x4000, s31;
	s1 =	sadd.s32 s1, s30  }
0xbb: {  	s0 =	sor.u32 s3, s0;
	s1 =	sshll.u32 s1, $0x11  }
0xbc: {  	s0 =	sor.u32 s1, s0  }
0xbd: {  	s0 =	sadd.s32 $0x8F2B, s0  }
0xbe: {  	[sflag:s0] =	ssyncadd.remote.s32 $0x1  }
0xbf: {  	_ =	sfence.sel $0xFFFF  }
0xc0: {  	[dreg:$0x0] =	wrdreg $0xFFFFFFFF;
	(pc) =	sbr.abs _section_cstart, $3  }
0xc1: {  	[dreg:$0x1] =	wrdreg $0xFFFFFFFF  }
0xc2: {  	_ =	task.clear_ibuf [dreg:s7], $0x2FFFF;
	_ =	strace $0x9FFFFFFF  }
0xc3: {  	(tm) =	ssettm $0x7FFFFFFF  }
tec
execute0_lowered:
.L_overlay_start_1:
0x0: {  	(tag) =	ssettag $0x1  }
0x1: {  	s0 =	rddreg [dreg:$0x0]  }
0x2: {  	s8 =	stileid.u32;
	s1 =	srdreg.scid  }
0x3: {  	s13 =	rddreg [dreg:$0x1];
	s3 =	smul.u32 $0x34, s8  }
0x4: {  	s2 =	rddreg [dreg:$0x2];
	s4 =	smul.u32 $0xA0, s8  }
0x5: {  	s31 =	simm.s32 $0x1;
	s1 =	sand.u32 $0x1, s1;
	s16 =	smul.u32 $0xA000, s8  }
0x6: {  	p0 =	seq.s32 s1, $0x0;
	s6 =	ssub.s32 $0x2, s1;
	s1 =	smul.u32 $0xA0000, s1  }
0x7: {  	s5 =	sadd.s32 $0xA00, s3;
	s3 =	simm.s32 $0x0;
	s7 =	sshrl.u32 s6, $0x1  }
0x8: {  	s17 =	sor.u32 $0x1800, s16;
	s18 =	sadd.s32 $0x3000, s16;
	s19 =	sadd.s32 $0x4800, s16  }
0x9: {  	s20 =	sadd.s32 $0x6000, s16;
	s21 =	sadd.s32 $0x7800, s16;
	s23 =	sadd.s32 $0x9000, s16  }
0xa: {  	s4 =	smov.u32 @p0 s5;
	[smem:$0x7FF] =	sst s3;
	s5 =	simm.s32 $0x34  }
0xb: {  	s22 =	ssub.s32 s6, s7;
	s6 =	sadd.s32 s16, s2;
	s7 =	sadd.s32 s17, s2  }
0xc: {  	s8 =	sadd.s32 s18, s2;
	s9 =	sadd.s32 s19, s2;
	s10 =	sadd.s32 s20, s2  }
0xd: {  	s11 =	sadd.s32 s21, s2;
	s12 =	sadd.s32 s23, s2;
	s16 =	sadd.s32 s16, s1  }
0xe: {  	s26 =	sadd.s32 s1, s17;
	s28 =	sadd.s32 s1, s18;
	s24 =	sadd.s32 s1, s20  }
0xf: {  	s14 =	smul.u32 $0xC, s4;
	_ =	strace $0x8000004D;
	s4 =	sadd.s32 $0x1E00, s0  }
0x10: {  	s5 =	simm.s32 @!p0 $0xA0;
	s25 =	sshrl.u32 s16, $0x3;
	s16 =	sadd.s32 s1, s19  }
0x11: {  	s29 =	sshrl.u32 s28, $0x3;
	s22 =	smax.u32 s22, $0x1;
	s19 =	sshrl.u32 s16, $0x3  }
0x12: {  	s15 =	sadd.s32 s14, s0;
	s0 =	sadd.s32 $0x20000, s0;
	s13 =	sadd.s32 s13, s14  }
0x13: {  	s15 =	sadd.s32 $0x15E00, s15;
	s14 =	sadd.s32 s0, s25;
	s17 =	sadd.s32 s0, s29  }
0x14: {  	s25 =	sadd.s32 s1, s21;
	s1 =	sadd.s32 s1, s23;
	s29 =	ssub.s32 $0x0, s5  }
0x15: {  	s20 =	smov.u32 s13;
	s30 =	sadd.s32 $0x24, s13;
	[dreg:$0x5] =	wrdreg s14  }
0x16: {  	s14 =	sshrl.u32 s26, $0x3;
	[dreg:$0x7] =	wrdreg s17;
	s26 =	sshrl.u32 s25, $0x3  }
0x17: {  	s1 =	sshrl.u32 s1, $0x3;
	[dreg:$0x4] =	wrdreg s29;
	s14 =	sadd.s32 s0, s14  }
0x18: {  	s25 =	simm.s32 $0x2;
	[dreg:$0x6] =	wrdreg s14;
	s14 =	sadd.s32 s0, s19  }
0x19: {  	s28 =	sadd.s32 s0, s26;
	[dreg:$0x8] =	wrdreg s14;
	s14 =	sshrl.u32 s24, $0x3  }
0x1a: {  	s21 =	sadd.s32 s0, s1;
	[dreg:$0xa] =	wrdreg s28;
	s14 =	sadd.s32 s0, s14  }
0x1b: {  	v0 =	vimm.f32 $0.0e+00;
	s26 =	simm.s32 $0x60;
	s24 =	simm.s32 $0x1E00;
	[dreg:$0x9] =	wrdreg s14  }
.LBB2_1:
0x1c: {  	s1 =	simm.s32 $0x100;
	s0 =	simm.s32 $0x0  }
.LBB2_2:
0x1d: {  	p0 =	sne.s32 s1, $0x5F00;
	[tilespmem:s0+$0x1E30] =	vst v0;
	s14 =	smov.u32 s1;
	s1 =	sadd.s32 $0x100, s1  }
.Ltmp0:
0x1e: {  	[tilespmem:s0+$0x1E20] =	vst v0;
	(pc) =	sbr.rel @p0 .LBB2_2-.Ltmp0, $3  }
0x1f: {  	[tilespmem:s0+$0x1E00] =	vst v0  }
0x20: {  	[tilespmem:s0+$0x1E10] =	vst v0;
	_ =	sdelay $0x1  }
0x21: {  	s0 =	sshra.s32 s14, $0x2  }
0x22: {  	[tilespmem:s0+$0x1E30] =	vst v0  }
0x23: {  	[tilespmem:s0+$0x1E20] =	vst v0  }
0x24: {  	[tilespmem:s0+$0x1E00] =	vst v0  }
0x25: {  	[tilespmem:s0+$0x1E10] =	vst v0  }
0x26: {  	[spmem:s6] =	stream.linear.scatter [tilespmem:s24], [sflag:$0x2], $0x1800, $0x38;
	[tilespmem:$0x11E00] =	vst v63  }
0x27: {  	_ =	swait.ge [sflag:s25], $0x1800  }
0x28: {  	[sflag:s25] =	ssyncset.done $0x0  }
0x29: {  	[sflag:s25] =	ssyncadd.s32 $0xFFFFE800  }
0x2a: {  	[spmem:s7] =	stream.linear.scatter [tilespmem:s24], [sflag:$0x2], $0x1800, $0x38;
	[tilespmem:$0x11E00] =	vst v63  }
0x2b: {  	_ =	swait.ge [sflag:s25], $0x1800  }
0x2c: {  	[sflag:s25] =	ssyncset.done $0x0  }
0x2d: {  	[sflag:s25] =	ssyncadd.s32 $0xFFFFE800  }
0x2e: {  	[spmem:s8] =	stream.linear.scatter [tilespmem:s24], [sflag:$0x2], $0x1800, $0x38;
	[tilespmem:$0x11E00] =	vst v63  }
0x2f: {  	_ =	swait.ge [sflag:s25], $0x1800  }
0x30: {  	[sflag:s25] =	ssyncset.done $0x0  }
0x31: {  	[sflag:s25] =	ssyncadd.s32 $0xFFFFE800  }
0x32: {  	[spmem:s9] =	stream.linear.scatter [tilespmem:s24], [sflag:$0x2], $0x1800, $0x38;
	[tilespmem:$0x11E00] =	vst v63  }
0x33: {  	_ =	swait.ge [sflag:s25], $0x1800  }
0x34: {  	[sflag:s25] =	ssyncset.done $0x0  }
0x35: {  	[sflag:s25] =	ssyncadd.s32 $0xFFFFE800  }
0x36: {  	[spmem:s10] =	stream.linear.scatter [tilespmem:s24], [sflag:$0x2], $0x1800, $0x38;
	[tilespmem:$0x11E00] =	vst v63  }
0x37: {  	_ =	swait.ge [sflag:s25], $0x1800  }
0x38: {  	[sflag:s25] =	ssyncset.done $0x0  }
0x39: {  	[sflag:s25] =	ssyncadd.s32 $0xFFFFE800  }
0x3a: {  	[spmem:s11] =	stream.linear.scatter [tilespmem:s24], [sflag:$0x2], $0x1800, $0x38;
	[tilespmem:$0x11E00] =	vst v63  }
0x3b: {  	_ =	swait.ge [sflag:s25], $0x1800  }
0x3c: {  	[sflag:s25] =	ssyncset.done $0x0  }
0x3d: {  	[sflag:s25] =	ssyncadd.s32 $0xFFFFE800  }
0x3e: {  	[spmem:s12] =	stream.linear.scatter [tilespmem:s24], [sflag:$0x2], $0x1000, $0x38;
	[tilespmem:$0x11E00] =	vst v63  }
0x3f: {  	_ =	swait.ge [sflag:s25], $0x1000  }
0x40: {  	[sflag:s25] =	ssyncset.done $0x0  }
0x41: {  	[sflag:s25] =	ssyncadd.s32 $0xFFFFF000  }
0x42: {  	s1 =	simm.s32 $0x0;
	[bflag:$0x0] =	sbarrier.arrive $0xFFFF  }
0x43: {  	[tilespmem:s1], [sflag:$0x2] =	stream.linear.gather [hbm4b:s20+s1], $0xF00, $0x38;
	[tilespmem:$0x11E00] =	vst v63  }
0x44: {  	_ =	swait.ge [sflag:s25], $0xF00  }
0x45: {  	[sflag:s25] =	ssyncset.done $0x0  }
0x46: {  	s0 =	simm.s32 $0xF00;
	[sflag:s25] =	ssyncadd.s32 $0xFFFFF100  }
0x47: {  	[tilespmem:s0], [sflag:$0x2] =	stream.linear.gather [hbm4b:s15+s1], $0xF00, $0x38;
	[tilespmem:$0x11E00] =	vst v63  }
0x48: {  	_ =	swait.ge [sflag:s25], $0xF00  }
0x49: {  	[sflag:s25] =	ssyncset.done $0x0  }
0x4a: {  	[sflag:s25] =	ssyncadd.s32 $0xFFFFF100  }
0x4b: {  	[tilespmem:s24], [sflag:$0x1] =	stream.indirect.gather [hbm4b:s4+s26], $0x40, s1, s26, $0xb8;
	[tilespmem:$0x11E00] =	vst v63  }
0x4c: {  	s13 =	simm.s32 $0x3600  }
0x4d: {  	[tilespmem:s13], [sflag:$0x1] =	stream.indirect.gather [hbm4b:s4+s26], $0x40, s26, s26, $0xb8;
	[tilespmem:$0x11E00] =	vst v63  }
0x4e: {  	s23 =	simm.s32 $0xC0;
	s14 =	simm.s32 $0x4E00;
	s28 =	simm.s32 $0x3  }
0x4f: {  	[tilespmem:s14], [sflag:$0x1] =	stream.indirect.gather [hbm4b:s4+s26], $0x40, s23, s26, $0xb8;
	[tilespmem:$0x11E00] =	vst v63  }
0x50: {  	s29 =	simm.s32 $0x120;
	s23 =	smov.u32 s30;
	s14 =	smov.u32 s15  }
.LBB2_4:
0x51: {  	s13 =	smulhi.u32 $0xCCCCCCCD, s28;
	_ =	sdelay $0x1  }
0x52: {  	s13 =	sshrl.u32 s13, $0x5  }
0x53: {  	s16 =	smul.u32 $0x28, s13;
	_ =	sdelay $0x1  }
0x54: {  	p0 =	sge.u32 s28, s5;
	_ =	swait.ge [sflag:s31], $0x1800;
	s16 =	ssub.s32 s28, s16  }
0x55: {  	s19 =	smulhi.u32 $0xCCCCCCCD, s1;
	s17 =	sand.u32 @!p0 $0x3, s28;
	s16 =	sadd.s32 $0x3, s16  }
0x56: {  	[sflag:s31] =	ssyncset.done $0x0;
	s17 =	smul.u32 @!p0 $0x6000, s17;
	p1 =	sne.s32 @!p0 s16, $0x3  }
0x57: {  	[sflag:s31] =	ssyncadd.s32 $0xFFFFE800;
	s13 =	smul.u32 $0xFFFFC400, s13;
	p1 =	por p1, p0  }
0x58: {  	s17 =	sshrl.u32 @!p0 s17, $0x2;
	s16 =	simm.s32 @!p1 $0x0;
	s18 =	simm.s32 @!p1 $0x2  }
0x59: {  	[tilespmem:s16], [sflag:$0x2] =	stream.linear.gather @!p1 [hbm4b:s23+s16], $0xF00, $0x38;
	[tilespmem:$0x11E00] =	vst v63  }
0x5a: {  	s13 =	sshra.s32 s13, $0x2;
	s17 =	sadd.s32 @!p0 $0x1E00, s17;
	_ =	swait.ge @!p1 [sflag:s18], $0xF00  }
0x5b: {  	s13 =	sadd.s32 s13, s29;
	s16 =	sshrl.u32 s19, $0x5;
	[sflag:s18] =	ssyncset.done @!p1 $0x0  }
0x5c: {  	s19 =	smul.u32 $0xFFFFFFD8, s16;
	[sflag:s18] =	ssyncadd.s32 @!p1 $0xFFFFF100;
	s18 =	simm.s32 @!p0 $0x60  }
0x5d: {  	[tilespmem:s17], [sflag:$0x1] =	stream.indirect.gather @!p0 [hbm4b:s4+s18], $0x40, s13, s18, $0xb8;
	[tilespmem:$0x11E00] =	vst v63  }
0x5e: {  	s13 =	sadd.s32 s19, s28;
	p0 =	seq.s32 s28, $0x3  }
0x5f: {  	p1 =	sne.s32 @!p0 s13, $0x3  }
0x60: {  	s16 =	smul.u32 $0xFFFFC400, s16;
	s18 =	sadd.s32 $0xFFFFFFFD, s28;
	p0 =	por p1, p0  }
0x61: {  	s13 =	sand.u32 $0x3, s18;
	s17 =	simm.s32 @!p0 $0x0;
	s18 =	simm.s32 @!p0 $0xF00  }
0x62: {  	[tilespmem:s18], [sflag:$0x2] =	stream.linear.gather @!p0 [hbm4b:s14+s17], $0xF00, $0x38;
	[tilespmem:$0x11E00] =	vst v63  }
0x63: {  	s13 =	smul.u32 $0x6000, s13;
	s17 =	simm.s32 @!p0 $0x2  }
0x64: {  	_ =	swait.ge @!p0 [sflag:s17], $0xF00  }
0x65: {  	s16 =	sshra.s32 s16, $0x2;
	s13 =	sshrl.u32 s13, $0x2;
	[sflag:s17] =	ssyncset.done @!p0 $0x0  }
0x66: {  	s16 =	sadd.s32 s16, s0;
	s13 =	sadd.s32 $0x1E00, s13;
	[sflag:s17] =	ssyncadd.s32 @!p0 $0xFFFFF100  }
0x67: {  	[spmem:s2] =	stream.indirect.scatter.add.f32 [tilespmem:s13], [sflag:$0x2], $0x40, s16, s26, $0xb8;
	[tilespmem:$0x11E00] =	vst v63  }
0x68: {  	_ =	swait.ge [sflag:s25], $0x1800  }
0x69: {  	s28 =	sadd.s32 $0x1, s28;
	s19 =	rddreg [dreg:$0x4]  }
0x6a: {  	s13 =	sadd.s32 s28, s19  }
0x6b: {  	p0 =	sne.s32 s13, $0x3  }
.Ltmp1:
0x6c: {  	_ = 	snop;
	(pc) =	sbr.rel @p0 .LBB2_4-.Ltmp1, $4  }
0x6d: {  	_ = 	snop  }
0x6e: {  	s1 =	sadd.s32 $0x1, s1  }
0x6f: {  	s29 =	sadd.s32 $0x60, s29;
	s23 =	sadd.s32 $0xC, s23;
	[sflag:s25] =	ssyncset.done $0x0  }
0x70: {  	s0 =	sadd.s32 $0x60, s0;
	s14 =	sadd.s32 $0xC, s14;
	[sflag:s25] =	ssyncadd.s32 $0xFFFFE800  }
0x71: {  	s0 =	stileid.u32  }
0x72: {  	[bflag:$0x0] =	sbarrier.arrive $0xFFFF;
	s0 =	sshll.u32 s0, $0x6  }
0x73: {  	s1 =	sshrl.u32 s6, $0x3;
	s13 =	rddreg [dreg:$0x5];
	s0 =	sor.u32 $0x1C02, s0  }
0x74: {  	[hbm:s13], [sflag:s0] =	dma.local [spmem:s1], $0x300  }
0x75: {  	_ =	swait.ge [sflag:s25], $0x300  }
0x76: {  	[sflag:s25] =	ssyncset.done $0x0  }
0x77: {  	s28 =	sshrl.u32 s7, $0x3;
	s29 =	rddreg [dreg:$0x6];
	[sflag:s25] =	ssyncadd.s32 $0xFFFFFD00  }
0x78: {  	[hbm:s29], [sflag:s0] =	dma.local [spmem:s28], $0x300  }
0x79: {  	_ =	swait.ge [sflag:s25], $0x300  }
0x7a: {  	[sflag:s25] =	ssyncset.done $0x0  }
0x7b: {  	s13 =	sshrl.u32 s8, $0x3;
	s14 =	rddreg [dreg:$0x7];
	[sflag:s25] =	ssyncadd.s32 $0xFFFFFD00  }
0x7c: {  	[hbm:s14], [sflag:s0] =	dma.local [spmem:s13], $0x300  }
0x7d: {  	_ =	swait.ge [sflag:s25], $0x300  }
0x7e: {  	[sflag:s25] =	ssyncset.done $0x0  }
0x7f: {  	s16 =	sshrl.u32 s9, $0x3;
	s17 =	rddreg [dreg:$0x8];
	[sflag:s25] =	ssyncadd.s32 $0xFFFFFD00  }
0x80: {  	[hbm:s17], [sflag:s0] =	dma.local [spmem:s16], $0x300  }
0x81: {  	_ =	swait.ge [sflag:s25], $0x300  }
0x82: {  	[sflag:s25] =	ssyncset.done $0x0  }
0x83: {  	s18 =	sshrl.u32 s10, $0x3;
	s19 =	rddreg [dreg:$0x9];
	[sflag:s25] =	ssyncadd.s32 $0xFFFFFD00  }
0x84: {  	[hbm:s19], [sflag:s0] =	dma.local [spmem:s18], $0x300  }
0x85: {  	_ =	swait.ge [sflag:s25], $0x300  }
0x86: {  	[sflag:s25] =	ssyncset.done $0x0  }
0x87: {  	s23 =	sshrl.u32 s11, $0x3;
	s28 =	rddreg [dreg:$0xa];
	[sflag:s25] =	ssyncadd.s32 $0xFFFFFD00  }
0x88: {  	[hbm:s28], [sflag:s0] =	dma.local [spmem:s23], $0x300  }
0x89: {  	s3 =	sadd.s32 $0x1, s3;
	_ =	swait.ge [sflag:s25], $0x300  }
0x8a: {  	p0 =	sne.s32 s3, s22;
	[sflag:s25] =	ssyncset.done $0x0  }
.Ltmp2:
0x8b: {  	s29 =	sshrl.u32 s12, $0x3;
	[sflag:s25] =	ssyncadd.s32 $0xFFFFFD00;
	(pc) =	sbr.rel @p0 .LBB2_1-.Ltmp2, $4  }
0x8c: {  	[hbm:s21], [sflag:s0] =	dma.local [spmem:s29], $0x200  }
0x8d: {  	_ =	swait.ge [sflag:s25], $0x200  }
0x8e: {  	[sflag:s25] =	ssyncset.done $0x0  }
0x8f: {  	[sflag:s25] =	ssyncadd.s32 $0xFFFFFE00  }
0x90: {  	_ =	sfence.sel $0x180000  }
0x91: {  	[bflag:$0x0] =	sbarrier.arrive $0xFFFF  }
0x92: {  	_ =	strace $0x9000004D  }
0x93: {  	s0 =	stileid.u32;
	[bflag:$0x2] =	sbarrier.arrive $0xFFFF  }
0x94: {  	p0 =	sne.s32 s0, $0x0;
	s0 =	rddreg [dreg:$0x3]  }
0x95: {  	s0 =	sadd.s32 @!p0 $0x100000, s0  }
0x96: {  	[sflag:s0] =	ssyncadd.tile.s32 @!p0 $0x1;
	_ =	shalt  }
.Lfunc_end2:
_tile_overlayer_lowered:
.L_overlay_start_2:
0x97: {  	(tag) =	ssettag $0x2  }
0x98: {  	s0 =	rddreg [dreg:$0x0];
	s2 =	stileid.u32  }
0x99: {  	s1 =	rddreg [dreg:$0x1];
	p0 =	sne.s32 s2, $0x0  }
0x9a: {  	s3 =	rddreg [dreg:$0x2];
	[bflag:$0x3] =	sbarrier.arrive $0xFFFF;
	s2 =	simm.s32 @!p0 $0x1C02  }
0x9b: {  	[timem:s3], [sflag:s2] =	dma.local @!p0 [hbm:s0], s1  }
0x9c: {  	s0 =	simm.s32 @!p0 $0x2  }
0x9d: {  	_ =	swait.ge @!p0 [sflag:s0], s1  }
0x9e: {  	s1 =	ssub.s32 @!p0 $0x0, s1;
	[sflag:s0] =	ssyncset.done @!p0 $0x0  }
0x9f: {  	[sflag:s0] =	ssyncadd.s32 @!p0 s1  }
0xa0: {  	[bflag:$0x3] =	sbarrier.arrive $0xFFFF  }
0xa1: {  	_ =	shalt  }

// kernel: kernel.8.cloned.1.call-start
scs
__scs_entry_jumppad:
0x0: {  	(pc) =	sbr.rel $0x88, $3  }
0x1: {  	(tag) =	ssettag $0x0;
	lr =	simm.s32 $0x1  }
0x2: {  	[smem:$0x3F9B] =	sst lr;
	_ =	strace $0xD0000000  }
0x3: {  	_ = 	snop  }
0x4: {  	_ = 	snop  }
0x5: {  	_ = 	snop  }
0x6: {  	_ = 	snop  }
0x7: {  	_ = 	snop  }
__scs_overlays_trampoline_lowered:
0x8: {  	[smem:$0x3FAA] =	sst s0  }
0x9: {  	[smem:$0x3FAB] =	sst s1  }
0xa: {  	[smem:$0x3FAC] =	sst s2  }
0xb: {  	[smem:$0x3FAD] =	sst s3  }
0xc: {  	[smem:$0x3FAE] =	sst s4  }
0xd: {  	[smem:$0x3FAF] =	sst s5  }
0xe: {  	[smem:$0x3FB0] =	sst s6  }
0xf: {  	[smem:$0x3FB1] =	sst s7  }
0x10: {  	[smem:$0x3FB2] =	sst s8  }
0x11: {  	[smem:$0x3FB3] =	sst s9;
	s0 =	simm.s32 @!p0 $0x0  }
0x12: {  	s1 =	sld [smem:$0x3F99];
	s0 =	simm.s32 @p0 $0x1  }
0x13: {  	[smem:$0x3FB4] =	sst s0;
	s0 =	simm.s32 @!p1 $0x0  }
0x14: {  	s2 =	sld [smem:$0x3F98];
	s0 =	simm.s32 @p1 $0x1  }
0x15: {  	[smem:$0x3FB5] =	sst s0;
	s0 =	simm.s32 @!p2 $0x0  }
0x16: {  	s3 =	sld [smem:$0x3FDB];
	s0 =	simm.s32 @p2 $0x1  }
0x17: {  	s4 =	simm.s32 $0x1BF5;
	[smem:$0x3FB7] =	sst s0  }
0x18: {  	s0 =	sld [smem:$0x3F9A];
	_ =	swait.ge [sflag:s4], $0x0  }
0x19: {  	s7 =	sld [smem:$0x3F9B]  }
0x1a: {  	s8 =	sadd.s32 $0xFFFFE003, lr  }
0x1b: {  	s9 =	sadd.s32 $0xFFFFFEF7, lr;
	s5 =	simm.s32 $0xFFFFFFFF;
	p2 =	slt.u32 s8, $0xFFFFF086  }
0x1c: {  	p1 =	slt.u32 s9, $0xF7A;
	s5 =	simm.s32 @!p2 $0x0  }
0x1d: {  	s5 =	simm.s32 @p1 $0x1;
	p0 =	seq.s32 s7, s2  }
0x1e: {  	s7 =	smul.u32 @!p0 $0xF7A, s2;
	p2 =	seq.s32 @!p0 s5, $0x0  }
0x1f: {  	s9 =	smul.u32 $0xF7A, s1;
	s8 =	simm.s32 @!p0 $0x1BF5;
	p2 =	por !p2, p0  }
0x20: {  	[sflag:s8] =	ssyncset.s32 @!p0 $0xFFFFF086;
	s6 =	sadd.s32 @!p0 s3, s7;
	s7 =	simm.s32 @!p0 $0x108  }
0x21: {  	s3 =	sadd.s32 s3, s9;
	s6 =	sadd.s32 @!p0 $0x88, s6;
	s7 =	simm.s32 @p2 $0x1082  }
0x22: {  	[simem:s7], [sflag:s8] =	dma.local @!p0 [hbm:s6], $0xF7A  }
0x23: {  	s9 =	sor.u32 $0xD0000000, s2;
	s6 =	simm.s32 $0x108;
	_ =	swait.ge @!p0 [sflag:s8], $0x0  }
0x24: {  	s3 =	sadd.s32 $0x88, s3;
	s6 =	simm.s32 @!p1 $0x1082;
	[sflag:s4] =	ssyncset.s32 $0xFFFFF086  }
0x25: {  	[simem:s6], [sflag:s4] =	dma.local [hbm:s3], $0xF7A  }
0x26: {  	[smem:$0x3F9B] =	sst s1;
	(tag) =	ssettag s2;
	_ =	strace s9  }
0x27: {  	s1 =	sld [smem:$0x3FAB]  }
0x28: {  	s2 =	sld [smem:$0x3FAC]  }
0x29: {  	s4 =	sld [smem:$0x3FAE]  }
0x2a: {  	p0 =	seq.s32 s5, $0x0;
	s5 =	sld [smem:$0x3FAF]  }
0x2b: {  	s6 =	sld [smem:$0x3FB0]  }
0x2c: {  	s7 =	sld [smem:$0x3FB1]  }
0x2d: {  	s3 =	simm.s32 $0x108;
	s8 =	sld [smem:$0x3FB2]  }
0x2e: {  	s3 =	simm.s32 @!p0 $0x1082;
	s9 =	sld [smem:$0x3FB3]  }
0x2f: {  	lr =	sadd.s32 s0, s3;
	s0 =	sld [smem:$0x3FAA]  }
0x30: {  	s3 =	sld [smem:$0x3FAD]  }
0x31: {  	[smem:$0x3FB6] =	sst s10  }
0x32: {  	s10 =	sld [smem:$0x3FB4];
	_ =	sdelay $0x3  }
0x33: {  	p0 =	seq.s32 s10, $0x1;
	s10 =	sld [smem:$0x3FB6];
	_ =	sdelay $0x3  }
0x34: {  	[smem:$0x3FB6] =	sst s10  }
0x35: {  	s10 =	sld [smem:$0x3FB5];
	_ =	sdelay $0x3  }
0x36: {  	p1 =	seq.s32 s10, $0x1;
	s10 =	sld [smem:$0x3FB6];
	_ =	sdelay $0x3  }
0x37: {  	[smem:$0x3FB6] =	sst s10  }
0x38: {  	s10 =	sld [smem:$0x3FB7]  }
0x39: {  	_ = 	snop;
	(pc) =	sbr.ind lr, $3  }
0x3a: {  	_ = 	snop  }
0x3b: {  	_ = 	snop  }
0x3c: {  	p2 =	seq.s32 s10, $0x1;
	s10 =	sld [smem:$0x3FB6]  }
0x3d: {  	_ =	shalt  }
0x3e: {  	_ =	shalt  }
0x3f: {  	_ =	shalt  }
0x40: {  	_ =	shalt  }
0x41: {  	_ =	shalt  }
0x42: {  	_ =	shalt  }
0x43: {  	_ =	shalt  }
0x44: {  	_ =	shalt  }
0x45: {  	_ =	shalt  }
0x46: {  	_ =	shalt  }
0x47: {  	_ =	shalt  }
0x48: {  	_ =	shalt  }
0x49: {  	_ =	shalt  }
0x4a: {  	_ =	shalt  }
0x4b: {  	_ =	shalt  }
0x4c: {  	_ =	shalt  }
0x4d: {  	_ =	shalt  }
0x4e: {  	_ =	shalt  }
0x4f: {  	_ =	shalt  }
0x50: {  	_ =	shalt  }
0x51: {  	_ =	shalt  }
0x52: {  	_ =	shalt  }
0x53: {  	_ =	shalt  }
0x54: {  	_ =	shalt  }
0x55: {  	_ =	shalt  }
0x56: {  	_ =	shalt  }
0x57: {  	_ =	shalt  }
0x58: {  	_ =	shalt  }
0x59: {  	_ =	shalt  }
0x5a: {  	_ =	shalt  }
0x5b: {  	_ =	shalt  }
0x5c: {  	_ =	shalt  }
0x5d: {  	_ =	shalt  }
0x5e: {  	_ =	shalt  }
0x5f: {  	_ =	shalt  }
0x60: {  	_ =	shalt  }
0x61: {  	_ =	shalt  }
0x62: {  	_ =	shalt  }
0x63: {  	_ =	shalt  }
0x64: {  	_ =	shalt  }
0x65: {  	_ =	shalt  }
0x66: {  	_ =	shalt  }
0x67: {  	_ =	shalt  }
0x68: {  	_ =	shalt  }
0x69: {  	_ =	shalt  }
0x6a: {  	_ =	shalt  }
0x6b: {  	_ =	shalt  }
0x6c: {  	_ =	shalt  }
0x6d: {  	_ =	shalt  }
0x6e: {  	_ =	shalt  }
0x6f: {  	_ =	shalt  }
0x70: {  	_ =	shalt  }
0x71: {  	_ =	shalt  }
0x72: {  	_ =	shalt  }
0x73: {  	_ =	shalt  }
0x74: {  	_ =	shalt  }
0x75: {  	_ =	shalt  }
0x76: {  	_ =	shalt  }
0x77: {  	_ =	shalt  }
0x78: {  	_ =	shalt  }
0x79: {  	_ =	shalt  }
0x7a: {  	_ =	shalt  }
0x7b: {  	_ =	shalt  }
0x7c: {  	_ =	shalt  }
0x7d: {  	_ =	shalt  }
0x7e: {  	_ =	shalt  }
0x7f: {  	_ =	shalt  }
0x80: {  	_ =	shalt  }
0x81: {  	_ =	shalt  }
0x82: {  	_ =	shalt  }
0x83: {  	_ =	shalt  }
0x84: {  	_ =	shalt  }
0x85: {  	_ =	shalt  }
0x86: {  	_ =	shalt  }
0x87: {  	_ =	shalt  }
.Lfunc_end0:
.L_simem_size_0:
called_computation_lowered:
.L_overlay_start_0:
0x88: {  	s2 =	sld [smem:$0x3FD9]  }
0x89: {  	s3 =	sld [smem:$0x3FFE];
	_ =	sdelay $0x1  }
0x8a: {  	s1 =	srdreg.scid  }
0x8b: {  	s0 =	sand.u32 $0x1, s1  }
0x8c: {  	s16 =	sshll.u32 s0, $0xA;
	s2 =	sadd.s32 s3, s2  }
0x8d: {  	s2 =	sadd.s32 s2, s16  }
0x8e: {  	[smem:$0x3FC2] =	sst s2  }
0x8f: {  	_ = 	snop  }
0x90: {  	(tm) =	ssettm $0x1  }
0x91: {  	s17 =	sld [smem:$0x3FFB];
	_ =	sdelay $0x3  }
0x92: {  	_ =	strace s17  }
0x93: {  	s2 =	sld [smem:$0x3FFC];
	_ =	sdelay $0x3  }
0x94: {  	_ =	strace s2  }
0x95: {  	s2 =	sld [smem:$0x3FFD];
	_ =	sdelay $0x3  }
0x96: {  	_ =	strace s2  }
0x97: {  	_ =	strace $0x8FFFFFFF  }
0x98: {  	s18 =	sld [smem:$0x3FDB];
	_ =	sdelay $0x1  }
0x99: {  	s19 =	simm.s32 $_scs_section_size  }
0x9a: {  	s4 =	simm.s32 $_size__tile_overlayer_lowered;
	s5 =	simm.s32 $_tile_overlayer_lowered  }
0x9b: {  	s22 =	simm.s32 $0x1BFF;
	s21 =	sshll.u32 s5, $0x1;
	s2 =	sadd.s32 s19, s18  }
0x9c: {  	s6 =	simm.s32 $0x0;
	s20 =	sshll.u32 s4, $0x1;
	s4 =	sadd.s32 s21, s2  }
0x9d: {  	[timem:s6], [sflag:s22] =	dma.local [hbm:s4], s20  }
0x9e: {  	_ =	swait.ge [sflag:s22], s20  }
0x9f: {  	s3 =	ssub.s32 $0x0, s20;
	[sflag:s22] =	ssyncset.done $0x0  }
0xa0: {  	[sflag:s22] =	ssyncadd.s32 s3;
	_ =	sdelay $0x1  }
0xa1: {  	s23 =	simm.s32 $0x1B8B  }
0xa2: {  	_ =	swait.ge [sflag:s23], $0x1  }
0xa3: {  	[sflag:s23] =	ssyncset.done $0x0  }
0xa4: {  	s25 =	simm.s32 $0x1B8E;
	s24 =	sld [smem:$0x3FFE];
	[sflag:s23] =	ssyncadd.s32 $0xFFFFFFFF  }
0xa5: {  	s26 =	simm.s32 $execute0_lowered;
	[smem:$0x3FD2] =	sst s25  }
0xa6: {  	s4 =	sshll.u32 s26, $0x1;
	_ =	strace $0x80000046;
	[dreg:$0x1] =	wrdreg $0xFFFFFFFF  }
0xa7: {  	s28 =	simm.s32 $_size_execute0_lowered;
	s2 =	sadd.s32 s2, s4;
	[dreg:$0x0] =	wrdreg $0x0  }
0xa8: {  	s4 =	sshll.u32 s28, $0x1;
	[dreg:$0x2] =	wrdreg s2  }
0xa9: {  	[dreg:$0x3] =	wrdreg s4  }
0xaa: {  	[dreg:$0x4] =	wrdreg $0xC0  }
0xab: {  	_ =	task [dreg:s6], $0x5FFFF  }
0xac: {  	[dreg:$0x1] =	wrdreg $0xFFFFFFFF  }
0xad: {  	[dreg:$0x0] =	wrdreg $0x60  }
0xae: {  	[dreg:$0x2] =	wrdreg s24  }
0xaf: {  	[dreg:$0x3] =	wrdreg $0x30000  }
0xb0: {  	[dreg:$0x4] =	wrdreg $0x9  }
0xb1: {  	_ =	task.clear_ibuf [dreg:s6], $0x5FFFF;
	_ =	strace $0x90000046  }
0xb2: {  	s29 =	simm.s32 $0x9;
	_ =	strace $0x80000048  }
0xb3: {  	_ =	swait.ge [sflag:s29], $0x1  }
0xb4: {  	[sflag:s29] =	ssyncadd.s32 $0xFFFFFFFF  }
0xb5: {  	_ =	strace $0x90000048  }
0xb6: {  	_ =	sfence  }
0xb7: {  	s30 =	sld [smem:$0x0];
	_ =	sdelay $0x2  }
0xb8: {  	s31 =	sshll.u32 s1, $0xD;
	s1 =	sshrl.u32 s1, $0x2  }
0xb9: {  	s3 =	sand.u32 $0x4000, s31;
	s1 =	sadd.s32 s1, s30  }
0xba: {  	s0 =	sor.u32 s3, s0;
	s1 =	sshll.u32 s1, $0x11  }
0xbb: {  	s0 =	sor.u32 s1, s0  }
0xbc: {  	s0 =	sadd.s32 $0x8F2B, s0  }
0xbd: {  	[sflag:s0] =	ssyncadd.remote.s32 $0x1  }
0xbe: {  	_ =	sfence.sel $0xFFFF  }
0xbf: {  	[dreg:$0x0] =	wrdreg $0xFFFFFFFF;
	(pc) =	sbr.abs _section_cstart, $3  }
0xc0: {  	[dreg:$0x1] =	wrdreg $0xFFFFFFFF  }
0xc1: {  	_ =	task.clear_ibuf [dreg:s6], $0x2FFFF;
	_ =	strace $0x9FFFFFFF  }
0xc2: {  	(tm) =	ssettm $0x7FFFFFFF  }
0xc3: {  	_ =	shalt  }
tec
execute0_lowered:
.L_overlay_start_1:
0x0: {  	(tag) =	ssettag $0x1  }
0x1: {  	s1 =	srdreg.scid;
	s4 =	rddreg [dreg:$0x0]  }
0x2: {  	s0 =	stileid.u32;
	s2 =	rddreg [dreg:$0x1]  }
0x3: {  	s3 =	simm.s32 $0x0;
	s6 =	sand.u32 $0x1, s1;
	s1 =	rddreg [dreg:$0x2]  }
0x4: {  	s28 =	sshll.u32 s0, $0x1;
	[smem:$0x7FF] =	sst s3  }
0x5: {  	s9 =	smul.u32 $0x2800, s0;
	s14 =	sadd.s32 $0xBE00, s4;
	s5 =	sor.u32 s6, s28  }
0x6: {  	_ =	strace $0x80000047;
	s29 =	ssub.s32 $0x2, s6;
	s16 =	smul.u32 $0x28000, s6  }
0x7: {  	s5 =	smul.u32 $0x500, s5;
	s30 =	sshrl.u32 s29, $0x1;
	s11 =	sadd.s32 $0x800, s9  }
0x8: {  	s12 =	sadd.s32 $0x1000, s9;
	s13 =	sadd.s32 $0x1800, s9;
	s17 =	sadd.s32 $0x2000, s9  }
0x9: {  	s15 =	ssub.s32 s29, s30;
	s6 =	sadd.s32 s12, s2;
	s7 =	sadd.s32 s13, s2  }
0xa: {  	s8 =	sadd.s32 s17, s2;
	s18 =	sadd.s32 s9, s16;
	s12 =	sadd.s32 s16, s12  }
0xb: {  	s13 =	sadd.s32 s16, s13;
	s10 =	sadd.s32 s5, s4;
	s4 =	sadd.s32 s9, s2  }
0xc: {  	s5 =	sadd.s32 s11, s2;
	s11 =	sadd.s32 s16, s11;
	s31 =	sshrl.u32 s18, $0x3  }
0xd: {  	s12 =	sshrl.u32 s12, $0x3;
	s16 =	sadd.s32 s16, s17;
	s13 =	sshrl.u32 s13, $0x3  }
0xe: {  	s15 =	smax.u32 s15, $0x1;
	s17 =	simm.s32 $0x1;
	s18 =	simm.s32 $0x80  }
0xf: {  	s9 =	sadd.s32 $0x1E00, s10;
	s11 =	sshrl.u32 s11, $0x3;
	s10 =	sadd.s32 s14, s31  }
0x10: {  	s12 =	sadd.s32 s14, s12;
	s16 =	sshrl.u32 s16, $0x3;
	s13 =	sadd.s32 s14, s13  }
0x11: {  	v0 =	vimm.f32 $0.0e+00;
	v1 =	vimm.f32 $1.000000000e+00;
	s11 =	sadd.s32 s14, s11;
	s14 =	sadd.s32 s14, s16;
	s16 =	simm.s32 $0x2800  }
.LBB2_1:
0x12: {  	s19 =	simm.s32 $0x40;
	s20 =	simm.s32 $0x0  }
.LBB2_2:
0x13: {  	p0 =	sne.s32 s19, $0x1FC0;
	[tilespmem:s20+$0x2800] =	vst v0;
	s20 =	smov.u32 s19;
	s19 =	sadd.s32 $0x40, s19  }
.Ltmp0:
0x14: {  	(pc) =	sbr.rel @p0 .LBB2_2-.Ltmp0, $2  }
0x15: {  	_ =	sdelay $0x2  }
0x16: {  	s20 =	sshra.s32 s20, $0x2  }
0x17: {  	[tilespmem:s20+$0x2800] =	vst v0  }
0x18: {  	[spmem:s4] =	stream.linear.scatter [tilespmem:s16], [sflag:$0x1], $0x800, $0x38;
	[tilespmem:$0x5800] =	vst v63  }
0x19: {  	_ =	swait.ge [sflag:s17], $0x800  }
0x1a: {  	[sflag:s17] =	ssyncset.done $0x0  }
0x1b: {  	[sflag:s17] =	ssyncadd.s32 $0xFFFFF800  }
0x1c: {  	[spmem:s5] =	stream.linear.scatter [tilespmem:s16], [sflag:$0x1], $0x800, $0x38;
	[tilespmem:$0x5800] =	vst v63  }
0x1d: {  	_ =	swait.ge [sflag:s17], $0x800  }
0x1e: {  	[sflag:s17] =	ssyncset.done $0x0  }
0x1f: {  	[sflag:s17] =	ssyncadd.s32 $0xFFFFF800  }
0x20: {  	[spmem:s6] =	stream.linear.scatter [tilespmem:s16], [sflag:$0x1], $0x800, $0x38;
	[tilespmem:$0x5800] =	vst v63  }
0x21: {  	_ =	swait.ge [sflag:s17], $0x800  }
0x22: {  	[sflag:s17] =	ssyncset.done $0x0  }
0x23: {  	[sflag:s17] =	ssyncadd.s32 $0xFFFFF800  }
0x24: {  	[spmem:s7] =	stream.linear.scatter [tilespmem:s16], [sflag:$0x1], $0x800, $0x38;
	[tilespmem:$0x5800] =	vst v63  }
0x25: {  	_ =	swait.ge [sflag:s17], $0x800  }
0x26: {  	[sflag:s17] =	ssyncset.done $0x0  }
0x27: {  	[sflag:s17] =	ssyncadd.s32 $0xFFFFF800  }
0x28: {  	[spmem:s8] =	stream.linear.scatter [tilespmem:s16], [sflag:$0x1], $0x800, $0x38;
	[tilespmem:$0x5800] =	vst v63  }
0x29: {  	_ =	swait.ge [sflag:s17], $0x800  }
0x2a: {  	[sflag:s17] =	ssyncset.done $0x0  }
0x2b: {  	s19 =	simm.s32 $0x40;
	s20 =	simm.s32 $0x0;
	[sflag:s17] =	ssyncadd.s32 $0xFFFFF800  }
.LBB2_4:
0x2c: {  	p0 =	sne.s32 s19, $0x1FC0;
	[tilespmem:s20+$0x2800] =	vst v1;
	s20 =	smov.u32 s19;
	s19 =	sadd.s32 $0x40, s19  }
.Ltmp1:
0x2d: {  	(pc) =	sbr.rel @p0 .LBB2_4-.Ltmp1, $2  }
0x2e: {  	_ =	sdelay $0x2  }
0x2f: {  	s20 =	sshra.s32 s20, $0x2  }
0x30: {  	[tilespmem:s20+$0x2800] =	vst v1  }
0x31: {  	s19 =	simm.s32 $0x0;
	[bflag:$0x0] =	sbarrier.arrive $0xFFFF  }
0x32: {  	[tilespmem:s19], [sflag:$0x1] =	stream.linear.gather [hbm4b:s9+s19], $0x2800, $0x38;
	[tilespmem:$0x5800] =	vst v63  }
0x33: {  	_ =	swait.ge [sflag:s17], $0x2800  }
0x34: {  	[sflag:s17] =	ssyncset.done $0x0  }
0x35: {  	s31 =	simm.s32 $0x0;
	[sflag:s17] =	ssyncadd.s32 $0xFFFFD800  }
0x36: {  	[spmem:s2] =	stream.indirect.scatter.add.f32 [tilespmem:s16], [sflag:$0x1], $0x10, s31, s18, $0xb8;
	[tilespmem:$0x5800] =	vst v63  }
0x37: {  	_ =	swait.ge [sflag:s17], $0x800  }
0x38: {  	s19 =	simm.s32 $0x200;
	[sflag:s17] =	ssyncset.done $0x0  }
.LBB2_6:
0x39: {  	s20 =	sshra.s32 s19, $0x2;
	[sflag:s17] =	ssyncadd.s32 $0xFFFFF800;
	p0 =	sne.s32 s19, $0x9E00  }
0x3a: {  	[spmem:s2] =	stream.indirect.scatter.add.f32 [tilespmem:s16], [sflag:$0x1], $0x10, s20, s18, $0xb8;
	[tilespmem:$0x5800] =	vst v63  }
.Ltmp2:
0x3b: {  	_ = 	snop;
	(pc) =	sbr.rel @p0 .LBB2_6-.Ltmp2, $4  }
0x3c: {  	_ = 	snop  }
0x3d: {  	s19 =	sadd.s32 $0x200, s19  }
0x3e: {  	_ =	swait.ge [sflag:s17], $0x800  }
0x3f: {  	[sflag:s17] =	ssyncset.done $0x0  }
0x40: {  	[sflag:s17] =	ssyncadd.s32 $0xFFFFF800;
	s19 =	sshll.u32 s0, $0x6  }
0x41: {  	s20 =	sshrl.u32 s4, $0x3;
	[bflag:$0x0] =	sbarrier.arrive $0xFFFF;
	s19 =	sor.u32 $0x1C01, s19  }
0x42: {  	[hbm:s10], [sflag:s19] =	dma.local [spmem:s20], $0x100  }
0x43: {  	_ =	swait.ge [sflag:s17], $0x100  }
0x44: {  	[sflag:s17] =	ssyncset.done $0x0  }
0x45: {  	s28 =	sshrl.u32 s5, $0x3;
	[sflag:s17] =	ssyncadd.s32 $0xFFFFFF00  }
0x46: {  	[hbm:s11], [sflag:s19] =	dma.local [spmem:s28], $0x100  }
0x47: {  	_ =	swait.ge [sflag:s17], $0x100  }
0x48: {  	[sflag:s17] =	ssyncset.done $0x0  }
0x49: {  	s29 =	sshrl.u32 s6, $0x3;
	[sflag:s17] =	ssyncadd.s32 $0xFFFFFF00  }
0x4a: {  	[hbm:s12], [sflag:s19] =	dma.local [spmem:s29], $0x100  }
0x4b: {  	_ =	swait.ge [sflag:s17], $0x100  }
0x4c: {  	[sflag:s17] =	ssyncset.done $0x0  }
0x4d: {  	s30 =	sshrl.u32 s7, $0x3;
	[sflag:s17] =	ssyncadd.s32 $0xFFFFFF00  }
0x4e: {  	[hbm:s13], [sflag:s19] =	dma.local [spmem:s30], $0x100  }
0x4f: {  	s3 =	sadd.s32 $0x1, s3;
	_ =	swait.ge [sflag:s17], $0x100  }
0x50: {  	p0 =	sne.s32 s3, s15;
	[sflag:s17] =	ssyncset.done $0x0  }
.Ltmp3:
0x51: {  	s31 =	sshrl.u32 s8, $0x3;
	[sflag:s17] =	ssyncadd.s32 $0xFFFFFF00;
	(pc) =	sbr.rel @p0 .LBB2_1-.Ltmp3, $4  }
0x52: {  	[hbm:s14], [sflag:s19] =	dma.local [spmem:s31], $0x100  }
0x53: {  	_ =	swait.ge [sflag:s17], $0x100  }
0x54: {  	[sflag:s17] =	ssyncset.done $0x0  }
0x55: {  	[sflag:s17] =	ssyncadd.s32 $0xFFFFFF00  }
0x56: {  	_ =	sfence.sel $0x180000  }
0x57: {  	[bflag:$0x0] =	sbarrier.arrive $0xFFFF  }
0x58: {  	p0 =	sne.s32 s0, $0x0;
	_ =	strace $0x90000047  }
0x59: {  	s0 =	sadd.s32 @!p0 $0x100000, s1;
	[bflag:$0x2] =	sbarrier.arrive $0xFFFF  }
0x5a: {  	[sflag:s0] =	ssyncadd.tile.s32 @!p0 $0x1;
	_ =	shalt  }
.Lfunc_end2:
_tile_overlayer_lowered:
.L_overlay_start_2:
0x5b: {  	(tag) =	ssettag $0x2  }
0x5c: {  	s0 =	rddreg [dreg:$0x0];
	s2 =	stileid.u32  }
0x5d: {  	s1 =	rddreg [dreg:$0x1];
	p0 =	sne.s32 s2, $0x0  }
0x5e: {  	s3 =	rddreg [dreg:$0x2];
	[bflag:$0x3] =	sbarrier.arrive $0xFFFF;
	s2 =	simm.s32 @!p0 $0x1C01  }
0x5f: {  	[timem:s3], [sflag:s2] =	dma.local @!p0 [hbm:s0], s1  }
0x60: {  	s0 =	simm.s32 @!p0 $0x1  }
0x61: {  	_ =	swait.ge @!p0 [sflag:s0], s1  }
0x62: {  	s1 =	ssub.s32 @!p0 $0x0, s1;
	[sflag:s0] =	ssyncset.done @!p0 $0x0  }
0x63: {  	[sflag:s0] =	ssyncadd.s32 @!p0 s1  }
0x64: {  	[bflag:$0x3] =	sbarrier.arrive $0xFFFF  }
0x65: {  	_ =	shalt  }

</sc_bundles>
